<compile_context>
chip_gen: v7x
topology: tpu7x:2x2x1
jax: 0.10.2.dev20260603
libtpu: 0.0.44.dev20260713+nightly
codegen_flags: <defaults>
</compile_context>

<pallas_src>
import functools

import jax
import jax.numpy as jnp
import numpy as np
from jax.experimental import pallas as pl
from jax.experimental.pallas import tpu as pltpu
from jax.experimental.pallas import tpu_sc as plsc

NPOINT = 1024
RADIUS = 0.3
NSAMPLE = 32
B, N, CF = 8, 4096, 32
TBL_W = 128


def _fps_body(x_ref, y_ref, z_ref, o_ref):
    hb = B // 2
    x = x_ref[0]
    y = y_ref[0]
    z = z_ref[0]
    lane = jax.lax.broadcasted_iota(jnp.int32, (hb, N), 1)
    slot = jax.lax.broadcasted_iota(jnp.int32, (hb, NPOINT), 1)
    boff = (jax.lax.broadcasted_iota(jnp.int32, (hb, 1), 0)
            + pl.program_id(0) * hb) * N

    def step(i, carry):
        dist, far, idxs = carry
        idxs = jnp.where(slot == i, far + boff, idxs)
        sel = lane == far
        cx = jnp.sum(jnp.where(sel, x, 0.0), axis=1, keepdims=True)
        cy = jnp.sum(jnp.where(sel, y, 0.0), axis=1, keepdims=True)
        cz = jnp.sum(jnp.where(sel, z, 0.0), axis=1, keepdims=True)
        dx = x - cx
        dy = y - cy
        dz = z - cz
        d = dx * dx + dy * dy + dz * dz
        dist = jnp.minimum(dist, d)
        mx = jnp.max(dist, axis=1, keepdims=True)
        far = jnp.min(jnp.where(dist == mx, lane, N), axis=1, keepdims=True)
        return dist, far, idxs

    init = (jnp.full((hb, N), 1e10, jnp.float32),
            jnp.zeros((hb, 1), jnp.int32),
            jnp.zeros((hb, NPOINT), jnp.int32))
    _, _, idxs = jax.lax.fori_loop(0, NPOINT, step, init)
    o_ref[0] = idxs


def _fps(center):
    hb = B // 2
    xs = center[:, 0, :].reshape(2, hb, N)
    ys = center[:, 1, :].reshape(2, hb, N)
    zs = center[:, 2, :].reshape(2, hb, N)
    spec = pl.BlockSpec((1, hb, N), lambda g: (g, 0, 0))
    out = pl.pallas_call(
        _fps_body,
        grid=(2,),
        in_specs=[spec, spec, spec],
        out_specs=pl.BlockSpec((1, hb, NPOINT), lambda g: (g, 0, 0)),
        out_shape=jax.ShapeDtypeStruct((2, hb, NPOINT), jnp.int32),
        compiler_params=pltpu.CompilerParams(
            dimension_semantics=("parallel",)),
    )(xs, ys, zs)
    return out.reshape(B, NPOINT)


def _sc_gather(table, flat_idx, window=128):
    num = flat_idx.shape[0]
    assert num % window == 0
    idx2 = flat_idx.reshape(1, num)
    mesh = plsc.VectorSubcoreMesh(core_axis_name="core",
                                  subcore_axis_name="subcore")

    @pl.kernel(out_type=jax.ShapeDtypeStruct((num, TBL_W), table.dtype),
               mesh=mesh)
    def gather_kernel(x_hbm, i_hbm, o_hbm):
        def body(i_vmem, o_vmem):
            pltpu.sync_copy(x_hbm.at[i_vmem.at[0]], o_vmem)

        pltpu.emit_pipeline(
            body,
            grid=(num // window,),
            in_specs=[pl.BlockSpec((1, window), index_map=lambda i: (0, i))],
            out_specs=[pl.BlockSpec((window, TBL_W),
                                    index_map=lambda i: (i, 0))],
            core_axis_name=("core", "subcore"),
            dimension_semantics=(pltpu.PARALLEL,),
        )(i_hbm, o_hbm)

    return gather_kernel(table, idx2)


def _bq_body(q_ref, c_ref, o_ref, *, ts):
    b = pl.program_id(0)
    q = q_ref[0]
    c = c_ref[0]
    qn = jnp.sum(q * q, axis=1, keepdims=True)
    cn = jnp.sum(c * c, axis=0, keepdims=True)
    d = jax.lax.dot_general(q, c, (((1,), (0,)), ((), ())),
                            preferred_element_type=jnp.float32)
    sqr = qn + cn - 2.0 * d
    lane = jax.lax.broadcasted_iota(jnp.int32, (ts, N), 1).astype(jnp.float32)
    fN = np.float32(N)
    masked = jnp.where(sqr > RADIUS * RADIUS, fN, lane)
    boff = b * N
    first = jnp.min(masked, axis=1, keepdims=True)
    o_ref[0, :, 0:1] = first.astype(jnp.int32) + boff
    masked = jnp.where(masked == first, fN, masked)
    for j in range(1, NSAMPLE):
        m = jnp.min(masked, axis=1, keepdims=True)
        o_ref[0, :, j:j + 1] = (jnp.where(m == fN, first, m).astype(jnp.int32)
                                + boff)
        masked = jnp.where(masked == m, fN, masked)


def _ball_query(new_center, center, ts=256):
    grid = (B, NPOINT // ts)
    return pl.pallas_call(
        functools.partial(_bq_body, ts=ts),
        grid=grid,
        in_specs=[
            pl.BlockSpec((1, ts, 3), lambda b, t: (b, t, 0)),
            pl.BlockSpec((1, 3, N), lambda b, t: (b, 0, 0)),
        ],
        out_specs=pl.BlockSpec((1, ts, NSAMPLE), lambda b, t: (b, t, 0)),
        out_shape=jax.ShapeDtypeStruct((B, NPOINT, NSAMPLE), jnp.int32),
        compiler_params=pltpu.CompilerParams(
            dimension_semantics=("parallel", "parallel")),
    )(new_center, center)


SPH_W = 8


def _sphere_body(g_ref, nce_ref, wt0m_ref, wt0s_ref, b0_ref,
                 osph_ref, ost_ref, *, rows):
    g = g_ref[...]
    gT = jnp.swapaxes(g, 0, 1)
    nT = jnp.swapaxes(nce_ref[...], 0, 1)
    dx = gT[0:1, :] - nT[0:1, :]
    dy = gT[1:2, :] - nT[1:2, :]
    dz = gT[2:3, :] - nT[2:3, :]
    rho = jnp.sqrt(dx * dx + dy * dy + dz * dz + 1e-12)
    zc = jnp.clip(dz / rho, -0.999999, 0.999999)
    theta = (jnp.arctan2(jnp.sqrt(jnp.maximum(1.0 - zc * zc, 0.0)), zc)
             * np.float32(1.0 / np.pi))
    phi = (jnp.arctan2(dy, dx) * np.float32(1.0 / (2.0 * np.pi)) + 0.5)
    zpad = jnp.zeros_like(dx)
    sT = jnp.concatenate([dx, dy, dz, rho, theta, phi, zpad, zpad], axis=0)
    sph = jnp.swapaxes(sT, 0, 1)
    osph_ref[...] = sph
    y = (jax.lax.dot_general(g, wt0m_ref[...], (((1,), (0,)), ((), ())),
                             preferred_element_type=jnp.float32)
         + jax.lax.dot_general(sph, wt0s_ref[...], (((1,), (0,)), ((), ())),
                               preferred_element_type=jnp.float32)
         + b0_ref[...])
    s = jnp.sum(y, axis=0, keepdims=True)
    q = jnp.sum(y * y, axis=0, keepdims=True)
    ost_ref[0] = jnp.concatenate([s, q], axis=0)


def _sphere_pass(g2d, ncexp, wt0m, wt0s, b0r, rows=2048):
    n = g2d.shape[0]
    ntiles = n // rows
    return pl.pallas_call(
        functools.partial(_sphere_body, rows=rows),
        grid=(ntiles,),
        in_specs=[
            pl.BlockSpec((rows, TBL_W), lambda t: (t, 0)),
            pl.BlockSpec((rows, SPH_W), lambda t: (t, 0)),
            pl.BlockSpec(wt0m.shape, lambda t: (0, 0)),
            pl.BlockSpec(wt0s.shape, lambda t: (0, 0)),
            pl.BlockSpec(b0r.shape, lambda t: (0, 0)),
        ],
        out_specs=[
            pl.BlockSpec((rows, SPH_W), lambda t: (t, 0)),
            pl.BlockSpec((1, 2, 64), lambda t: (t, 0, 0)),
        ],
        out_shape=[
            jax.ShapeDtypeStruct((n, SPH_W), jnp.float32),
            jax.ShapeDtypeStruct((ntiles, 2, 64), jnp.float32),
        ],
        compiler_params=pltpu.CompilerParams(
            dimension_semantics=("parallel",)),
    )(g2d, ncexp, wt0m, wt0s, b0r)


def _first_layer(g, sph, wt0m, wt0s, b0, scale, shift):
    y = (jax.lax.dot_general(g, wt0m[...], (((1,), (0,)), ((), ())),
                             preferred_element_type=jnp.float32)
         + jax.lax.dot_general(sph, wt0s[...], (((1,), (0,)), ((), ())),
                               preferred_element_type=jnp.float32)
         + b0[...])
    return jnp.maximum(y * scale[...] + shift[...], 0.0)


def _layer(h, wt, bb, scale, shift):
    y = jax.lax.dot_general(h, wt[...], (((1,), (0,)), ((), ())),
                            preferred_element_type=jnp.float32) + bb[...]
    if scale is None:
        return y
    return jnp.maximum(y * scale[...] + shift[...], 0.0)


def _stats_body(g_ref, sph_ref, *refs, nlayers):
    o_ref, refs = refs[-1], refs[:-1]
    h = _first_layer(g_ref[...], sph_ref[...], *refs[0:5])
    i = 5
    for l in range(nlayers - 2):
        h = _layer(h, refs[i], refs[i + 1], refs[i + 2], refs[i + 3])
        i += 4
    y = _layer(h, refs[i], refs[i + 1], None, None)
    s = jnp.sum(y, axis=0, keepdims=True)
    q = jnp.sum(y * y, axis=0, keepdims=True)
    o_ref[0] = jnp.concatenate([s, q], axis=0)


def _final_body(g_ref, sph_ref, *refs, ts):
    o_ref, refs = refs[-1], refs[:-1]
    h = _first_layer(g_ref[...], sph_ref[...], *refs[0:5])
    for l in range(2):
        h = _layer(h, refs[5 + 4 * l], refs[6 + 4 * l], refs[7 + 4 * l],
                   refs[8 + 4 * l])
    h = h.reshape(ts, NSAMPLE, h.shape[-1])
    o_ref[...] = jnp.max(h, axis=1)


def _mlp_pass(g2d, sph, params, nlayers, final, ts=128):
    rows = B * NPOINT
    nrows = rows * NSAMPLE
    ntiles = rows // ts
    blk = ts * NSAMPLE
    cout = params[-2].shape[1]
    in_specs = [
        pl.BlockSpec((blk, TBL_W), lambda t: (t, 0)),
        pl.BlockSpec((blk, SPH_W), lambda t: (t, 0)),
    ]
    for p in params:
        in_specs.append(
            pl.BlockSpec(p.shape, lambda t, nd=p.ndim: (0,) * nd))
    if final:
        body = functools.partial(_final_body, ts=ts)
        out_specs = pl.BlockSpec((ts, cout), lambda t: (t, 0))
        out_shape = jax.ShapeDtypeStruct((rows, cout), jnp.float32)
    else:
        body = functools.partial(_stats_body, nlayers=nlayers)
        out_specs = pl.BlockSpec((1, 2, cout), lambda t: (t, 0, 0))
        out_shape = jax.ShapeDtypeStruct((ntiles, 2, cout), jnp.float32)
    return pl.pallas_call(
        body,
        grid=(ntiles,),
        in_specs=in_specs,
        out_specs=out_specs,
        out_shape=out_shape,
        compiler_params=pltpu.CompilerParams(
            dimension_semantics=("parallel",)),
    )(g2d, sph, *params)


def _bn_coeffs(stats, gamma, beta):
    tot = jnp.sum(stats, axis=0)
    cnt = np.float32(B * NPOINT * NSAMPLE)
    mean = tot[0] / cnt
    var = tot[1] / cnt - mean * mean
    scale = gamma / jnp.sqrt(var + 1e-5)
    shift = beta - mean * scale
    return scale[None, :], shift[None, :]


def kernel(center, normal, feature, W0, b0, gamma0, beta0,
           W1, b1, gamma1, beta1, W2, b2, gamma2, beta2):
    f32 = jnp.float32
    zeros3 = jnp.zeros((B, 3, N), f32)
    zeros87 = jnp.zeros((B, TBL_W - 41, N), f32)
    table = jnp.concatenate([center, zeros3, normal, feature, zeros87], axis=1)
    table = jnp.transpose(table, (0, 2, 1)).reshape(B * N, TBL_W)

    fps_idx = _fps(center)
    qrows = _sc_gather(table, fps_idx.reshape(-1))
    new_center = qrows[:, 0:3].reshape(B, NPOINT, 3)
    new_normal = qrows[:, 6:9].reshape(B, NPOINT, 3)

    gidx = _ball_query(new_center, center)
    grouped = _sc_gather(table, gidx.reshape(-1))
    nc_flat = new_center.reshape(B * NPOINT, 3)

    wt0m = jnp.zeros((TBL_W, 64), f32).at[6:41].set(W0.T[6:41])
    wt0s = jnp.zeros((SPH_W, 64), f32).at[0:6].set(W0.T[0:6])
    wt1 = W1.T
    wt2 = W2.T
    b0r, b1r, b2r = b0[None, :], b1[None, :], b2[None, :]

    g2d = grouped.reshape(B * NPOINT * NSAMPLE, TBL_W)
    ncexp = jnp.zeros((B * NPOINT, SPH_W), f32).at[:, 0:3].set(nc_flat)
    ncexp = jnp.repeat(ncexp, NSAMPLE, axis=0)

    sph, st0 = _sphere_pass(g2d, ncexp, wt0m, wt0s, b0r)
    sc0, sh0 = _bn_coeffs(st0, gamma0, beta0)
    st1 = _mlp_pass(g2d, sph, [wt0m, wt0s, b0r, sc0, sh0, wt1, b1r], 2,
                    final=False)
    sc1, sh1 = _bn_coeffs(st1, gamma1, beta1)
    st2 = _mlp_pass(g2d, sph,
                    [wt0m, wt0s, b0r, sc0, sh0, wt1, b1r, sc1, sh1,
                     wt2, b2r], 3, final=False)
    sc2, sh2 = _bn_coeffs(st2, gamma2, beta2)
    out = _mlp_pass(g2d, sph,
                    [wt0m, wt0s, b0r, sc0, sh0, wt1, b1r, sc1, sh1,
                     wt2, b2r, sc2, sh2], 3, final=True)

    new_center = jnp.transpose(new_center, (0, 2, 1))
    new_normal = jnp.transpose(new_normal, (0, 2, 1))
    x = jnp.transpose(out.reshape(B, NPOINT, 128), (0, 2, 1))
    return new_center, new_normal, x

# --- scband reference (transcript-rebuilt; emitter-appended) ---
"""Pipeline reference for scband-surface-abstraction-18253611008387 (READ-ONLY COPY).

The authoritative reference and input builder live on the scoring server;
editing this copy changes nothing except your own understanding.
"""

import jax, jax.numpy as jnp
import numpy as np

NPOINT = 1024
RADIUS = 0.3
NSAMPLE = 32
MLP = [64, 64, 128]
IN_CH = 41
B, N, CF = 8, 4096, 32

def square_dist(src, dst):
    return (jnp.sum(src ** 2, -1)[:, :, None] + jnp.sum(dst ** 2, -1)[:, None, :]
            - 2.0 * jnp.einsum('bsc,bnc->bsn', src, dst))

def farthest_point_sample(xyz, npoint):
    Bb, Nn, _ = xyz.shape
    def body(i, state):
        distance, farthest, idxs = state
        idxs = idxs.at[:, i].set(farthest)
        centroid = jnp.take_along_axis(xyz, farthest[:, None, None].astype(jnp.int32), axis=1)
        dist = jnp.sum((xyz - centroid) ** 2, -1)
        distance = jnp.minimum(distance, dist)
        farthest = jnp.argmax(distance, axis=-1).astype(jnp.int32)
        return (distance, farthest, idxs)
    state = (jnp.full((Bb, Nn), 1e10, jnp.float32),
             jnp.zeros((Bb,), jnp.int32),
             jnp.zeros((Bb, npoint), jnp.int32))
    _, _, idxs = jax.lax.fori_loop(0, npoint, body, state)
    return idxs

def index_points(points, idx):
    if idx.ndim == 2:
        return jnp.take_along_axis(points, idx[..., None], axis=1)
    Bb, S, K = idx.shape
    out = jnp.take_along_axis(points, idx.reshape(Bb, S * K)[..., None], axis=1)
    return out.reshape(Bb, S, K, points.shape[-1])

def query_ball_point(radius, nsample, xyz, new_xyz):
    Bb, S, _ = new_xyz.shape
    Nn = xyz.shape[1]
    sqr = square_dist(new_xyz, xyz)
    gidx = jnp.broadcast_to(jnp.arange(Nn, dtype=jnp.int32), (Bb, S, Nn))
    gidx = jnp.where(sqr > radius * radius, Nn, gidx)
    gidx = jnp.sort(gidx, axis=-1)[:, :, :nsample]
    first = gidx[:, :, 0:1]
    gidx = jnp.where(gidx == Nn, jnp.broadcast_to(first, gidx.shape), gidx)
    return gidx

def xyz2sphere(xyz):
    rho = jnp.sqrt(jnp.sum(xyz ** 2, axis=-1, keepdims=True) + 1e-12)
    theta = jnp.arccos(jnp.clip(xyz[..., 2:3] / rho, -0.999999, 0.999999))
    phi = jnp.arctan2(xyz[..., 1:2], xyz[..., 0:1])
    theta = theta / np.pi
    phi = phi / (2.0 * np.pi) + 0.5
    return jnp.concatenate([rho, theta, phi], axis=-1)

def setup_inputs(seed: int = 0):
    key = jax.random.key(seed)
    ks = jax.random.split(key, 16)
    inp = {
        'center': jax.random.normal(ks[0], (B, 3, N), jnp.float32),
        'normal': jax.random.normal(ks[1], (B, 3, N), jnp.float32),
        'feature': jax.random.normal(ks[2], (B, CF, N), jnp.float32),
    }
    last = IN_CH
    for i, oc in enumerate(MLP):
        inp['W%d' % i] = jax.random.normal(ks[3 + i], (oc, last), jnp.float32) / np.sqrt(last)
        inp['b%d' % i] = jnp.zeros((oc,), jnp.float32)
        inp['gamma%d' % i] = jnp.ones((oc,), jnp.float32)
        inp['beta%d' % i] = jnp.zeros((oc,), jnp.float32)
        last = oc
    return inp

def _forward(center, normal, feature, params):
    c = jnp.transpose(center, (0, 2, 1))
    n = jnp.transpose(normal, (0, 2, 1))
    f = jnp.transpose(feature, (0, 2, 1))
    fps_idx = farthest_point_sample(jax.lax.stop_gradient(c), NPOINT)
    new_center = index_points(c, fps_idx)
    new_normal = index_points(n, fps_idx)
    idx = query_ball_point(RADIUS, NSAMPLE, jax.lax.stop_gradient(c), jax.lax.stop_gradient(new_center))
    group_normal = index_points(n, idx)
    group_center = index_points(c, idx)
    gcn = group_center - new_center[:, :, None, :]
    gcn = jnp.concatenate([gcn, xyz2sphere(gcn)], axis=-1)
    group_feature = index_points(f, idx)
    new_feature = jnp.concatenate([gcn, group_normal, group_feature], axis=-1)
    x = jnp.transpose(new_feature, (0, 3, 2, 1))
    for (W, bb, g, be) in params:
        x = jnp.einsum('oc,bcks->boks', W, x) + bb[None, :, None, None]
        mean = jnp.mean(x, axis=(0, 2, 3), keepdims=True)
        var = jnp.var(x, axis=(0, 2, 3), keepdims=True)
        x = (x - mean) / jnp.sqrt(var + 1e-5)
        x = g[None, :, None, None] * x + be[None, :, None, None]
        x = jax.nn.relu(x)
    x = jnp.max(x, axis=2)
    return (jnp.transpose(new_center, (0, 2, 1)), jnp.transpose(new_normal, (0, 2, 1)), x)

def reference(center, normal, feature, W0, b0, gamma0, beta0, W1, b1, gamma1, beta1, W2, b2, gamma2, beta2):
    params = [(W0, b0, gamma0, beta0), (W1, b1, gamma1, beta1), (W2, b2, gamma2, beta2)]
    return _forward(center, normal, feature, params)

if __name__ == "__main__":
    import jax
    _d = setup_inputs()
    print(jax.jit(kernel)(*tuple(_d.values())))

</pallas_src>

<mosaic_0001>
#map = affine_map<(d0, d1) -> (0, 0)>
module attributes {stable_mosaic.version = 14 : i64} {
  func.func @gather_kernel(%arg0: i32, %arg1: i32, %arg2: memref<32768x128xf32, #tpu.memory_space<hbm>>, %arg3: memref<1x8192xi32, #tpu.memory_space<hbm>>, %arg4: memref<8192x128xf32, #tpu.memory_space<hbm>>) attributes {dimension_semantics = [#tpu.dimension_semantics<core_parallel>, #tpu.dimension_semantics<subcore_parallel>], iteration_bounds = array<i64: 2, 16>, scalar_prefetch = 0 : i64, scratch_operands = 0 : i64, tpu.core_type = #tpu.core_type<sc_vector_subcore>, window_params = [{transform_indices = #map}, {transform_indices = #map}, {transform_indices = #map}]} {
    %mul3A = arith.constant 1 : i32
    %mul3A_0 = arith.muli %arg1, %mul3A : i32
    %add3A = arith.constant 0 : i32
    %add3A_1 = arith.addi %add3A, %mul3A_0 : i32
    %mul3A_2 = arith.constant 16 : i32
    %mul3A_3 = arith.muli %arg0, %mul3A_2 : i32
    %add3A_4 = arith.addi %add3A_1, %mul3A_3 : i32
    %mul3A_5 = arith.constant 2 : i32
    %mul3A_6 = arith.muli %add3A_4, %mul3A_5 : i32
    "tpu.region"() ({
      %run_scoped3A = memref.alloca() : memref<2x1x128xi32, #tpu.memory_space<vmem>>
      %run_scoped3A_7 = tpu.sem_alloc : memref<2x!tpu.dma_semaphore, #tpu.memory_space<semaphore_mem>>
      %run_scoped3A_8 = memref.alloca() : memref<2x128x128xf32, #tpu.memory_space<vmem>>
      %run_scoped3A_9 = tpu.sem_alloc : memref<2x!tpu.dma_semaphore, #tpu.memory_space<semaphore_mem>>
      %add3A_10 = arith.constant 0 : i32
      %add3A_11 = arith.addi %add3A_10, %mul3A_6 : i32
      %select_n3A = arith.constant true
      %select_n3A_12 = arith.constant 0 : i32
      %select_n3A_13 = arith.constant -1 : i32
      %select_n3A_14 = arith.select %select_n3A, %select_n3A_13, %select_n3A_12 : i32
      %eq3A = arith.constant -1 : i32
      %eq3A_15 = arith.cmpi eq, %select_n3A_14, %eq3A : i32
      %select_n3A_16 = arith.constant 1 : i32
      %select_n3A_17 = arith.select %eq3A_15, %select_n3A_16, %select_n3A_14 : i32
      %add3A_18 = arith.addi %select_n3A_17, %mul3A_6 : i32
      %select_n3A_19 = arith.constant true
      %select_n3A_20 = arith.constant 0 : i32
      %select_n3A_21 = arith.constant 1 : i32
      %select_n3A_22 = arith.select %select_n3A_19, %select_n3A_21, %select_n3A_20 : i32
      %eq3A_23 = arith.constant 2 : i32
      %eq3A_24 = arith.cmpi eq, %select_n3A_22, %eq3A_23 : i32
      %select_n3A_25 = arith.constant 0 : i32
      %select_n3A_26 = arith.select %eq3A_24, %select_n3A_25, %select_n3A_22 : i32
      %add3A_27 = arith.addi %select_n3A_26, %mul3A_6 : i32
      %add3A_28 = arith.constant 1 : i32
      %add3A_29 = arith.addi %select_n3A_26, %add3A_28 : i32
      %select_n3A_30 = arith.constant true
      %select_n3A_31 = arith.select %select_n3A_30, %add3A_29, %select_n3A_26 : i32
      %eq3A_32 = arith.constant 2 : i32
      %eq3A_33 = arith.cmpi eq, %select_n3A_31, %eq3A_32 : i32
      %select_n3A_34 = arith.constant 0 : i32
      %select_n3A_35 = arith.select %eq3A_33, %select_n3A_34, %select_n3A_31 : i32
      %add3A_36 = arith.addi %select_n3A_35, %mul3A_6 : i32
      "tpu.trace_start"() <{level = 10 : i32, message = "ep_initialize_0"}> : () -> ()
      %rem3A = arith.constant 0 : i32
      %rem3A_37 = arith.constant 2 : i32
      %rem3A_38 = arith.remui %rem3A, %rem3A_37 : i32
      %mul3A_39 = arith.constant 128 : i32
      %mul3A_40 = arith.muli %mul3A_39, %add3A_11 : i32
      %dma_start3A = arith.constant 0 : i32
      %dma_start3A_41 = arith.constant 0 : i32
      %dma_start3A_42 = tpu.memref_slice %run_scoped3A[%rem3A_38, %dma_start3A, %dma_start3A_41] : memref<2x1x128xi32, #tpu.memory_space<vmem>> -> memref<1x1x128xi32, #tpu.memory_space<vmem>>
      %dma_start3A_43 = tpu.memref_squeeze %dma_start3A_42 : memref<1x1x128xi32, #tpu.memory_space<vmem>> -> memref<1x128xi32, #tpu.memory_space<vmem>>
      %dma_start3A_44 = arith.constant 0 : i32
      %dma_start3A_45 = tpu.memref_slice %arg3[%dma_start3A_44, %mul3A_40] : memref<1x8192xi32, #tpu.memory_space<hbm>> -> memref<1x128xi32, #tpu.memory_space<hbm>>
      %dma_start3A_46 = tpu.memref_slice %run_scoped3A_7[%rem3A_38] : memref<2x!tpu.dma_semaphore, #tpu.memory_space<semaphore_mem>> -> memref<1x!tpu.dma_semaphore, #tpu.memory_space<semaphore_mem>>
      %dma_start3A_47 = tpu.memref_squeeze %dma_start3A_46 : memref<1x!tpu.dma_semaphore, #tpu.memory_space<semaphore_mem>> -> memref<!tpu.dma_semaphore, #tpu.memory_space<semaphore_mem>>
      %dma_start3A_48 = arith.constant 0 : i32
      %dma_start3A_49 = arith.constant 0 : i32
      %dma_start3A_50 = tpu.memref_slice %run_scoped3A[%rem3A_38, %dma_start3A_48, %dma_start3A_49] : memref<2x1x128xi32, #tpu.memory_space<vmem>> -> memref<1x1x128xi32, #tpu.memory_space<vmem>>
      %dma_start3A_51 = tpu.memref_squeeze %dma_start3A_50 : memref<1x1x128xi32, #tpu.memory_space<vmem>> -> memref<1x128xi32, #tpu.memory_space<vmem>>
      %dma_start3A_52 = arith.constant 0 : i32
      %dma_start3A_53 = tpu.memref_slice %arg3[%dma_start3A_52, %mul3A_40] : memref<1x8192xi32, #tpu.memory_space<hbm>> -> memref<1x128xi32, #tpu.memory_space<hbm>>
      tpu.enqueue_dma source(%dma_start3A_53 : memref<1x128xi32, #tpu.memory_space<hbm>>) target(%dma_start3A_51 : memref<1x128xi32, #tpu.memory_space<vmem>>) target_semaphore(%dma_start3A_47 : memref<!tpu.dma_semaphore, #tpu.memory_space<semaphore_mem>>)
      %add3A_54 = arith.constant 0 : i32
      %add3A_55 = arith.constant 1 : i32
      %add3A_56 = arith.addi %add3A_54, %add3A_55 : i32
      %select_n3A_57 = arith.constant true
      %select_n3A_58 = arith.constant 0 : i32
      %select_n3A_59 = arith.select %select_n3A_57, %add3A_56, %select_n3A_58 : i32
      "tpu.trace_stop"() : () -> ()
      %scan3A = arith.constant 0 : i32
      %scan3A_60 = arith.constant 0 : i32
      %scan3A_61 = arith.constant 0 : i32
      %scan3A_62 = arith.constant 0 : i32
      %scan3A_63 = arith.constant 0 : i32
      %scan3A_64 = arith.constant 2 : i32
      %scan3A_65 = arith.addi %scan3A_63, %scan3A_64 : i32
      %scan3A_66 = arith.constant 1 : i32
      %scan3A_67:5 = scf.for %scan3A_121 = %scan3A_63 to %scan3A_65 step %scan3A_66 iter_args(%scan3A_122 = %select_n3A_59, %scan3A_123 = %scan3A, %scan3A_124 = %scan3A_60, %scan3A_125 = %scan3A_61, %scan3A_126 = %scan3A_62) -> (i32, i32, i32, i32, i32)  : i32 {
        %eq3A_127 = arith.constant 0 : i32
        %eq3A_128 = arith.cmpi eq, %scan3A_121, %eq3A_127 : i32
        %eq3A_129 = arith.constant 1 : i32
        %eq3A_130 = arith.cmpi eq, %scan3A_121, %eq3A_129 : i32
        %add3A_131 = arith.addi %scan3A_126, %mul3A_6 : i32
        %sub3A_132 = arith.constant 1 : i32
        %sub3A_133 = arith.subi %scan3A_126, %sub3A_132 : i32
        %select_n3A_134 = arith.constant true
        %select_n3A_135 = arith.select %select_n3A_134, %sub3A_133, %scan3A_126 : i32
        %eq3A_136 = arith.constant -1 : i32
        %eq3A_137 = arith.cmpi eq, %select_n3A_135, %eq3A_136 : i32
        %select_n3A_138 = arith.constant 1 : i32
        %select_n3A_139 = arith.select %eq3A_137, %select_n3A_138, %select_n3A_135 : i32
        %add3A_140 = arith.addi %select_n3A_139, %mul3A_6 : i32
        %add3A_141 = arith.constant 1 : i32
        %add3A_142 = arith.addi %scan3A_126, %add3A_141 : i32
        %select_n3A_143 = arith.constant true
        %select_n3A_144 = arith.select %select_n3A_143, %add3A_142, %scan3A_126 : i32
        %eq3A_145 = arith.constant 2 : i32
        %eq3A_146 = arith.cmpi eq, %select_n3A_144, %eq3A_145 : i32
        %select_n3A_147 = arith.constant 0 : i32
        %select_n3A_148 = arith.select %eq3A_146, %select_n3A_147, %select_n3A_144 : i32
        %add3A_149 = arith.addi %select_n3A_148, %mul3A_6 : i32
        %add3A_150 = arith.constant 1 : i32
        %add3A_151 = arith.addi %select_n3A_148, %add3A_150 : i32
        %select_n3A_152 = arith.constant true
        %select_n3A_153 = arith.select %select_n3A_152, %add3A_151, %select_n3A_148 : i32
        %eq3A_154 = arith.constant 2 : i32
        %eq3A_155 = arith.cmpi eq, %select_n3A_153, %eq3A_154 : i32
        %select_n3A_156 = arith.constant 0 : i32
        %select_n3A_157 = arith.select %eq3A_155, %select_n3A_156, %select_n3A_153 : i32
        %add3A_158 = arith.addi %select_n3A_157, %mul3A_6 : i32
        %ne3A = arith.cmpi ne, %add3A_131, %add3A_149 : i32
        %or3A = arith.constant false
        %or3A_159 = arith.ori %or3A, %ne3A : i1
        %ge3A = arith.constant 1 : i32
        %ge3A_160 = arith.cmpi sge, %scan3A_121, %ge3A : i32
        %not3A = arith.constant true
        %not3A_161 = arith.xori %ge3A_160, %not3A : i1
        %and3A = arith.andi %or3A_159, %not3A_161 : i1
        %convert_element_type3A = arith.extui %and3A : i1 to i32
        %cond3A = arith.constant 0 : i32
        %cond3A_162 = arith.cmpi ne, %convert_element_type3A, %cond3A : i32
        scf.if %cond3A_162 {
          "tpu.trace_start"() <{level = 10 : i32, message = "ep_copy_in"}> : () -> ()
          %rem3A_264 = arith.constant 2 : i32
          %rem3A_265 = arith.remui %scan3A_122, %rem3A_264 : i32
          %mul3A_266 = arith.constant 128 : i32
          %mul3A_267 = arith.muli %mul3A_266, %add3A_149 : i32
          %dma_start3A_268 = arith.constant 0 : i32
          %dma_start3A_269 = arith.constant 0 : i32
          %dma_start3A_270 = tpu.memref_slice %run_scoped3A[%rem3A_265, %dma_start3A_268, %dma_start3A_269] : memref<2x1x128xi32, #tpu.memory_space<vmem>> -> memref<1x1x128xi32, #tpu.memory_space<vmem>>
          %dma_start3A_271 = tpu.memref_squeeze %dma_start3A_270 : memref<1x1x128xi32, #tpu.memory_space<vmem>> -> memref<1x128xi32, #tpu.memory_space<vmem>>
          %dma_start3A_272 = arith.constant 0 : i32
          %dma_start3A_273 = tpu.memref_slice %arg3[%dma_start3A_272, %mul3A_267] : memref<1x8192xi32, #tpu.memory_space<hbm>> -> memref<1x128xi32, #tpu.memory_space<hbm>>
          %dma_start3A_274 = tpu.memref_slice %run_scoped3A_7[%rem3A_265] : memref<2x!tpu.dma_semaphore, #tpu.memory_space<semaphore_mem>> -> memref<1x!tpu.dma_semaphore, #tpu.memory_space<semaphore_mem>>
          %dma_start3A_275 = tpu.memref_squeeze %dma_start3A_274 : memref<1x!tpu.dma_semaphore, #tpu.memory_space<semaphore_mem>> -> memref<!tpu.dma_semaphore, #tpu.memory_space<semaphore_mem>>
          %dma_start3A_276 = arith.constant 0 : i32
          %dma_start3A_277 = arith.constant 0 : i32
          %dma_start3A_278 = tpu.memref_slice %run_scoped3A[%rem3A_265, %dma_start3A_276, %dma_start3A_277] : memref<2x1x128xi32, #tpu.memory_space<vmem>> -> memref<1x1x128xi32, #tpu.memory_space<vmem>>
          %dma_start3A_279 = tpu.memref_squeeze %dma_start3A_278 : memref<1x1x128xi32, #tpu.memory_space<vmem>> -> memref<1x128xi32, #tpu.memory_space<vmem>>
          %dma_start3A_280 = arith.constant 0 : i32
          %dma_start3A_281 = tpu.memref_slice %arg3[%dma_start3A_280, %mul3A_267] : memref<1x8192xi32, #tpu.memory_space<hbm>> -> memref<1x128xi32, #tpu.memory_space<hbm>>
          tpu.enqueue_dma source(%dma_start3A_281 : memref<1x128xi32, #tpu.memory_space<hbm>>) target(%dma_start3A_279 : memref<1x128xi32, #tpu.memory_space<vmem>>) target_semaphore(%dma_start3A_275 : memref<!tpu.dma_semaphore, #tpu.memory_space<semaphore_mem>>)
          "tpu.trace_stop"() : () -> ()
        } else {
        }
        %and3A_163 = arith.constant true
        %and3A_164 = arith.andi %and3A, %and3A_163 : i1
        %add3A_165 = arith.constant 1 : i32
        %add3A_166 = arith.addi %scan3A_122, %add3A_165 : i32
        %select_n3A_167 = arith.select %and3A_164, %add3A_166, %scan3A_122 : i32
        %ne3A_168 = arith.cmpi ne, %add3A_131, %add3A_149 : i32
        %or3A_169 = arith.constant false
        %or3A_170 = arith.ori %or3A_169, %ne3A_168 : i1
        %or3A_171 = arith.constant false
        %or3A_172 = arith.ori %or3A_170, %or3A_171 : i1
        %ge3A_173 = arith.constant 1 : i32
        %ge3A_174 = arith.cmpi sge, %scan3A_121, %ge3A_173 : i32
        %not3A_175 = arith.constant true
        %not3A_176 = arith.xori %ge3A_174, %not3A_175 : i1
        %and3A_177 = arith.andi %or3A_172, %not3A_176 : i1
        %ne3A_178 = arith.cmpi ne, %add3A_131, %add3A_140 : i32
        %or3A_179 = arith.constant false
        %or3A_180 = arith.ori %or3A_179, %ne3A_178 : i1
        %or3A_181 = arith.ori %or3A_180, %eq3A_128 : i1
        %convert_element_type3A_182 = arith.extui %or3A_181 : i1 to i32
        %cond3A_183 = arith.constant 0 : i32
        %cond3A_184 = arith.cmpi ne, %convert_element_type3A_182, %cond3A_183 : i32
        scf.if %cond3A_184 {
          "tpu.trace_start"() <{level = 10 : i32, message = "ep_wait_in"}> : () -> ()
          %mul3A_264 = arith.constant 128 : i32
          %mul3A_265 = arith.muli %mul3A_264, %add3A_131 : i32
          %rem3A_266 = arith.constant 2 : i32
          %rem3A_267 = arith.remui %scan3A_123, %rem3A_266 : i32
          %dma_wait3A_268 = arith.constant 0 : i32
          %dma_wait3A_269 = arith.constant 0 : i32
          %dma_wait3A_270 = tpu.memref_slice %run_scoped3A[%rem3A_267, %dma_wait3A_268, %dma_wait3A_269] : memref<2x1x128xi32, #tpu.memory_space<vmem>> -> memref<1x1x128xi32, #tpu.memory_space<vmem>>
          %dma_wait3A_271 = tpu.memref_squeeze %dma_wait3A_270 : memref<1x1x128xi32, #tpu.memory_space<vmem>> -> memref<1x128xi32, #tpu.memory_space<vmem>>
          %dma_wait3A_272 = arith.constant 0 : i32
          %dma_wait3A_273 = tpu.memref_slice %arg3[%dma_wait3A_272, %mul3A_265] : memref<1x8192xi32, #tpu.memory_space<hbm>> -> memref<1x128xi32, #tpu.memory_space<hbm>>
          %dma_wait3A_274 = tpu.memref_slice %run_scoped3A_7[%rem3A_267] : memref<2x!tpu.dma_semaphore, #tpu.memory_space<semaphore_mem>> -> memref<1x!tpu.dma_semaphore, #tpu.memory_space<semaphore_mem>>
          %dma_wait3A_275 = tpu.memref_squeeze %dma_wait3A_274 : memref<1x!tpu.dma_semaphore, #tpu.memory_space<semaphore_mem>> -> memref<!tpu.dma_semaphore, #tpu.memory_space<semaphore_mem>>
          %dma_wait3A_276 = arith.constant 0 : i32
          %dma_wait3A_277 = arith.constant 0 : i32
          %dma_wait3A_278 = tpu.memref_slice %run_scoped3A[%rem3A_267, %dma_wait3A_276, %dma_wait3A_277] : memref<2x1x128xi32, #tpu.memory_space<vmem>> -> memref<1x1x128xi32, #tpu.memory_space<vmem>>
          %dma_wait3A_279 = tpu.memref_squeeze %dma_wait3A_278 : memref<1x1x128xi32, #tpu.memory_space<vmem>> -> memref<1x128xi32, #tpu.memory_space<vmem>>
          %dma_wait3A_280 = arith.constant 0 : i32
          %dma_wait3A_281 = tpu.memref_slice %arg3[%dma_wait3A_280, %mul3A_265] : memref<1x8192xi32, #tpu.memory_space<hbm>> -> memref<1x128xi32, #tpu.memory_space<hbm>>
          tpu.wait_dma2 semaphore(%dma_wait3A_275 : memref<!tpu.dma_semaphore, #tpu.memory_space<semaphore_mem>>) src(%dma_wait3A_281 : memref<1x128xi32, #tpu.memory_space<hbm>>) dst(%dma_wait3A_279 : memref<1x128xi32, #tpu.memory_space<vmem>>)
          "tpu.trace_stop"() : () -> ()
        } else {
        }
        %ne3A_185 = arith.cmpi ne, %add3A_131, %add3A_140 : i32
        %or3A_186 = arith.constant false
        %or3A_187 = arith.ori %or3A_186, %ne3A_185 : i1
        %or3A_188 = arith.constant false
        %or3A_189 = arith.ori %or3A_187, %or3A_188 : i1
        %or3A_190 = arith.ori %or3A_189, %eq3A_128 : i1
        %convert_element_type3A_191 = arith.extui %or3A_190 : i1 to i32
        %cond3A_192 = arith.constant 0 : i32
        %cond3A_193 = arith.cmpi ne, %convert_element_type3A_191, %cond3A_192 : i32
        scf.if %cond3A_193 {
        } else {
        }
        %rem3A_194 = arith.constant 2 : i32
        %rem3A_195 = arith.remui %scan3A_123, %rem3A_194 : i32
        %rem3A_196 = arith.constant 2 : i32
        %rem3A_197 = arith.remui %scan3A_124, %rem3A_196 : i32
        %run_scoped3A_198 = arith.constant 0 : i32
        "tpu.trace_start"() <{level = 10 : i32, message = "ep_run_kernel"}> : () -> ()
        "tpu.region"() ({
          %run_scoped3A_264 = tpu.sem_alloc : memref<!tpu.dma_semaphore, #tpu.memory_space<semaphore_mem>>
          %dma_start3A_265 = arith.constant 0 : i32
          %dma_start3A_266 = arith.constant 0 : i32
          %dma_start3A_267 = tpu.memref_slice %run_scoped3A_8[%rem3A_197, %dma_start3A_265, %dma_start3A_266] : memref<2x128x128xf32, #tpu.memory_space<vmem>> -> memref<1x128x128xf32, #tpu.memory_space<vmem>>
          %dma_start3A_268 = tpu.memref_squeeze %dma_start3A_267 : memref<1x128x128xf32, #tpu.memory_space<vmem>> -> memref<128x128xf32, #tpu.memory_space<vmem>>
          %dma_start3A_269 = arith.constant 0 : i32
          %dma_start3A_270 = arith.constant 0 : i32
          %dma_start3A_271 = tpu.memref_slice %run_scoped3A[%rem3A_195, %dma_start3A_269, %dma_start3A_270] : memref<2x1x128xi32, #tpu.memory_space<vmem>> -> memref<1x1x128xi32, #tpu.memory_space<vmem>>
          %dma_start3A_272 = tpu.memref_squeeze %dma_start3A_271 : memref<1x1x128xi32, #tpu.memory_space<vmem>> -> memref<1x128xi32, #tpu.memory_space<vmem>>
          %dma_start3A_273 = arith.constant 0 : i32
          %dma_start3A_274 = tpu.memref_slice %dma_start3A_272[%run_scoped3A_198, %dma_start3A_273] : memref<1x128xi32, #tpu.memory_space<vmem>> -> memref<1x128xi32, #tpu.memory_space<vmem>>
          %dma_start3A_275 = tpu.memref_squeeze %dma_start3A_274 : memref<1x128xi32, #tpu.memory_space<vmem>> -> memref<128xi32, #tpu.memory_space<vmem>>
          %dma_start3A_276 = arith.constant 0 : i32
          %dma_start3A_277 = arith.constant 0 : i32
          %dma_start3A_278 = tpu.memref_slice %arg2[%dma_start3A_276, %dma_start3A_277] : memref<32768x128xf32, #tpu.memory_space<hbm>> -> memref<32768x128xf32, #tpu.memory_space<hbm>>
          tpu.enqueue_indirect_dma source(%dma_start3A_278 : memref<32768x128xf32, #tpu.memory_space<hbm>>) target(%dma_start3A_268 : memref<128x128xf32, #tpu.memory_space<vmem>>) offsets(%dma_start3A_275 : memref<128xi32, #tpu.memory_space<vmem>>) semaphore(%run_scoped3A_264 : memref<!tpu.dma_semaphore, #tpu.memory_space<semaphore_mem>>)
          %dma_wait3A_279 = arith.constant 0 : i32
          %dma_wait3A_280 = arith.constant 0 : i32
          %dma_wait3A_281 = tpu.memref_slice %run_scoped3A_8[%rem3A_197, %dma_wait3A_279, %dma_wait3A_280] : memref<2x128x128xf32, #tpu.memory_space<vmem>> -> memref<1x128x128xf32, #tpu.memory_space<vmem>>
          %dma_wait3A_282 = tpu.memref_squeeze %dma_wait3A_281 : memref<1x128x128xf32, #tpu.memory_space<vmem>> -> memref<128x128xf32, #tpu.memory_space<vmem>>
          %dma_wait3A_283 = arith.constant 0 : i32
          %dma_wait3A_284 = arith.constant 0 : i32
          %dma_wait3A_285 = tpu.memref_slice %run_scoped3A[%rem3A_195, %dma_wait3A_283, %dma_wait3A_284] : memref<2x1x128xi32, #tpu.memory_space<vmem>> -> memref<1x1x128xi32, #tpu.memory_space<vmem>>
          %dma_wait3A_286 = tpu.memref_squeeze %dma_wait3A_285 : memref<1x1x128xi32, #tpu.memory_space<vmem>> -> memref<1x128xi32, #tpu.memory_space<vmem>>
          %dma_wait3A_287 = arith.constant 0 : i32
          %dma_wait3A_288 = tpu.memref_slice %dma_wait3A_286[%run_scoped3A_198, %dma_wait3A_287] : memref<1x128xi32, #tpu.memory_space<vmem>> -> memref<1x128xi32, #tpu.memory_space<vmem>>
          %dma_wait3A_289 = tpu.memref_squeeze %dma_wait3A_288 : memref<1x128xi32, #tpu.memory_space<vmem>> -> memref<128xi32, #tpu.memory_space<vmem>>
          %dma_wait3A_290 = arith.constant 0 : i32
          %dma_wait3A_291 = arith.constant 0 : i32
          %dma_wait3A_292 = tpu.memref_slice %arg2[%dma_wait3A_290, %dma_wait3A_291] : memref<32768x128xf32, #tpu.memory_space<hbm>> -> memref<32768x128xf32, #tpu.memory_space<hbm>>
          tpu.wait_indirect_dma semaphore(%run_scoped3A_264 : memref<!tpu.dma_semaphore, #tpu.memory_space<semaphore_mem>>) src(%dma_wait3A_292 : memref<32768x128xf32, #tpu.memory_space<hbm>>) dst(%dma_wait3A_282 : memref<128x128xf32, #tpu.memory_space<vmem>>)
          tpu.yield
        }) : () -> ()
        "tpu.trace_stop"() : () -> ()
        %ne3A_199 = arith.cmpi ne, %add3A_131, %add3A_149 : i32
        %or3A_200 = arith.constant false
        %or3A_201 = arith.ori %or3A_200, %ne3A_199 : i1
        %or3A_202 = arith.ori %or3A_201, %eq3A_130 : i1
        %convert_element_type3A_203 = arith.extui %or3A_202 : i1 to i32
        %cond3A_204 = arith.constant 0 : i32
        %cond3A_205 = arith.cmpi ne, %convert_element_type3A_203, %cond3A_204 : i32
        scf.if %cond3A_205 {
        } else {
        }
        %and3A_206 = arith.constant false
        %and3A_207 = arith.andi %or3A_202, %and3A_206 : i1
        %ne3A_208 = arith.cmpi ne, %add3A_131, %add3A_149 : i32
        %or3A_209 = arith.constant false
        %or3A_210 = arith.ori %or3A_209, %ne3A_208 : i1
        %or3A_211 = arith.constant false
        %or3A_212 = arith.ori %or3A_210, %or3A_211 : i1
        %or3A_213 = arith.ori %or3A_212, %eq3A_130 : i1
        %convert_element_type3A_214 = arith.extui %or3A_213 : i1 to i32
        %cond3A_215 = arith.constant 0 : i32
        %cond3A_216 = arith.cmpi ne, %convert_element_type3A_214, %cond3A_215 : i32
        scf.if %cond3A_216 {
          "tpu.trace_start"() <{level = 10 : i32, message = "ep_copy_out"}> : () -> ()
          %rem3A_264 = arith.constant 2 : i32
          %rem3A_265 = arith.remui %scan3A_124, %rem3A_264 : i32
          %mul3A_266 = arith.constant 128 : i32
          %mul3A_267 = arith.muli %mul3A_266, %add3A_131 : i32
          %dma_start3A_268 = arith.constant 0 : i32
          %dma_start3A_269 = arith.constant 0 : i32
          %dma_start3A_270 = tpu.memref_slice %run_scoped3A_8[%rem3A_265, %dma_start3A_268, %dma_start3A_269] : memref<2x128x128xf32, #tpu.memory_space<vmem>> -> memref<1x128x128xf32, #tpu.memory_space<vmem>>
          %dma_start3A_271 = tpu.memref_squeeze %dma_start3A_270 : memref<1x128x128xf32, #tpu.memory_space<vmem>> -> memref<128x128xf32, #tpu.memory_space<vmem>>
          %dma_start3A_272 = arith.constant 0 : i32
          %dma_start3A_273 = tpu.memref_slice %arg4[%mul3A_267, %dma_start3A_272] : memref<8192x128xf32, #tpu.memory_space<hbm>> -> memref<128x128xf32, #tpu.memory_space<hbm>>
          %dma_start3A_274 = tpu.memref_slice %run_scoped3A_9[%rem3A_265] : memref<2x!tpu.dma_semaphore, #tpu.memory_space<semaphore_mem>> -> memref<1x!tpu.dma_semaphore, #tpu.memory_space<semaphore_mem>>
          %dma_start3A_275 = tpu.memref_squeeze %dma_start3A_274 : memref<1x!tpu.dma_semaphore, #tpu.memory_space<semaphore_mem>> -> memref<!tpu.dma_semaphore, #tpu.memory_space<semaphore_mem>>
          %dma_start3A_276 = arith.constant 0 : i32
          %dma_start3A_277 = tpu.memref_slice %arg4[%mul3A_267, %dma_start3A_276] : memref<8192x128xf32, #tpu.memory_space<hbm>> -> memref<128x128xf32, #tpu.memory_space<hbm>>
          %dma_start3A_278 = arith.constant 0 : i32
          %dma_start3A_279 = arith.constant 0 : i32
          %dma_start3A_280 = tpu.memref_slice %run_scoped3A_8[%rem3A_265, %dma_start3A_278, %dma_start3A_279] : memref<2x128x128xf32, #tpu.memory_space<vmem>> -> memref<1x128x128xf32, #tpu.memory_space<vmem>>
          %dma_start3A_281 = tpu.memref_squeeze %dma_start3A_280 : memref<1x128x128xf32, #tpu.memory_space<vmem>> -> memref<128x128xf32, #tpu.memory_space<vmem>>
          tpu.enqueue_dma source(%dma_start3A_281 : memref<128x128xf32, #tpu.memory_space<vmem>>) target(%dma_start3A_277 : memref<128x128xf32, #tpu.memory_space<hbm>>) target_semaphore(%dma_start3A_275 : memref<!tpu.dma_semaphore, #tpu.memory_space<semaphore_mem>>)
          "tpu.trace_stop"() : () -> ()
        } else {
        }
        %and3A_217 = arith.constant true
        %and3A_218 = arith.andi %or3A_213, %and3A_217 : i1
        %add3A_219 = arith.constant 1 : i32
        %add3A_220 = arith.addi %scan3A_124, %add3A_219 : i32
        %select_n3A_221 = arith.select %and3A_218, %add3A_220, %scan3A_124 : i32
        %ne3A_222 = arith.cmpi ne, %add3A_131, %add3A_140 : i32
        %or3A_223 = arith.constant false
        %or3A_224 = arith.ori %or3A_223, %ne3A_222 : i1
        %not3A_225 = arith.constant true
        %not3A_226 = arith.xori %eq3A_128, %not3A_225 : i1
        %and3A_227 = arith.andi %or3A_224, %not3A_226 : i1
        %convert_element_type3A_228 = arith.extui %and3A_227 : i1 to i32
        %cond3A_229 = arith.constant 0 : i32
        %cond3A_230 = arith.cmpi ne, %convert_element_type3A_228, %cond3A_229 : i32
        scf.if %cond3A_230 {
        } else {
        }
        %and3A_231 = arith.constant false
        %and3A_232 = arith.andi %and3A_227, %and3A_231 : i1
        %ne3A_233 = arith.cmpi ne, %add3A_131, %add3A_140 : i32
        %or3A_234 = arith.constant false
        %or3A_235 = arith.ori %or3A_234, %ne3A_233 : i1
        %or3A_236 = arith.constant false
        %or3A_237 = arith.ori %or3A_235, %or3A_236 : i1
        %not3A_238 = arith.constant true
        %not3A_239 = arith.xori %eq3A_128, %not3A_238 : i1
        %and3A_240 = arith.andi %or3A_237, %not3A_239 : i1
        %convert_element_type3A_241 = arith.extui %and3A_240 : i1 to i32
        %cond3A_242 = arith.constant 0 : i32
        %cond3A_243 = arith.cmpi ne, %convert_element_type3A_241, %cond3A_242 : i32
        scf.if %cond3A_243 {
          "tpu.trace_start"() <{level = 10 : i32, message = "ep_wait_out"}> : () -> ()
          %rem3A_264 = arith.constant 2 : i32
          %rem3A_265 = arith.remui %scan3A_125, %rem3A_264 : i32
          %mul3A_266 = arith.constant 128 : i32
          %mul3A_267 = arith.muli %mul3A_266, %add3A_140 : i32
          %dma_wait3A_268 = arith.constant 0 : i32
          %dma_wait3A_269 = arith.constant 0 : i32
          %dma_wait3A_270 = tpu.memref_slice %run_scoped3A_8[%rem3A_265, %dma_wait3A_268, %dma_wait3A_269] : memref<2x128x128xf32, #tpu.memory_space<vmem>> -> memref<1x128x128xf32, #tpu.memory_space<vmem>>
          %dma_wait3A_271 = tpu.memref_squeeze %dma_wait3A_270 : memref<1x128x128xf32, #tpu.memory_space<vmem>> -> memref<128x128xf32, #tpu.memory_space<vmem>>
          %dma_wait3A_272 = arith.constant 0 : i32
          %dma_wait3A_273 = tpu.memref_slice %arg4[%mul3A_267, %dma_wait3A_272] : memref<8192x128xf32, #tpu.memory_space<hbm>> -> memref<128x128xf32, #tpu.memory_space<hbm>>
          %dma_wait3A_274 = tpu.memref_slice %run_scoped3A_9[%rem3A_265] : memref<2x!tpu.dma_semaphore, #tpu.memory_space<semaphore_mem>> -> memref<1x!tpu.dma_semaphore, #tpu.memory_space<semaphore_mem>>
          %dma_wait3A_275 = tpu.memref_squeeze %dma_wait3A_274 : memref<1x!tpu.dma_semaphore, #tpu.memory_space<semaphore_mem>> -> memref<!tpu.dma_semaphore, #tpu.memory_space<semaphore_mem>>
          %dma_wait3A_276 = arith.constant 0 : i32
          %dma_wait3A_277 = tpu.memref_slice %arg4[%mul3A_267, %dma_wait3A_276] : memref<8192x128xf32, #tpu.memory_space<hbm>> -> memref<128x128xf32, #tpu.memory_space<hbm>>
          %dma_wait3A_278 = arith.constant 0 : i32
          %dma_wait3A_279 = arith.constant 0 : i32
          %dma_wait3A_280 = tpu.memref_slice %run_scoped3A_8[%rem3A_265, %dma_wait3A_278, %dma_wait3A_279] : memref<2x128x128xf32, #tpu.memory_space<vmem>> -> memref<1x128x128xf32, #tpu.memory_space<vmem>>
          %dma_wait3A_281 = tpu.memref_squeeze %dma_wait3A_280 : memref<1x128x128xf32, #tpu.memory_space<vmem>> -> memref<128x128xf32, #tpu.memory_space<vmem>>
          tpu.wait_dma2 semaphore(%dma_wait3A_275 : memref<!tpu.dma_semaphore, #tpu.memory_space<semaphore_mem>>) src(%dma_wait3A_281 : memref<128x128xf32, #tpu.memory_space<vmem>>) dst(%dma_wait3A_277 : memref<128x128xf32, #tpu.memory_space<hbm>>)
          "tpu.trace_stop"() : () -> ()
        } else {
        }
        %and3A_244 = arith.constant true
        %and3A_245 = arith.andi %and3A_240, %and3A_244 : i1
        %add3A_246 = arith.constant 1 : i32
        %add3A_247 = arith.addi %scan3A_125, %add3A_246 : i32
        %select_n3A_248 = arith.select %and3A_245, %add3A_247, %scan3A_125 : i32
        %ne3A_249 = arith.cmpi ne, %add3A_131, %add3A_149 : i32
        %or3A_250 = arith.constant false
        %or3A_251 = arith.ori %or3A_250, %ne3A_249 : i1
        %or3A_252 = arith.ori %or3A_251, %eq3A_130 : i1
        %add3A_253 = arith.constant 1 : i32
        %add3A_254 = arith.addi %scan3A_123, %add3A_253 : i32
        %select_n3A_255 = arith.select %or3A_252, %add3A_254, %scan3A_123 : i32
        %add3A_256 = arith.constant 1 : i32
        %add3A_257 = arith.addi %scan3A_126, %add3A_256 : i32
        %select_n3A_258 = arith.constant true
        %select_n3A_259 = arith.select %select_n3A_258, %add3A_257, %scan3A_126 : i32
        %eq3A_260 = arith.constant 2 : i32
        %eq3A_261 = arith.cmpi eq, %select_n3A_259, %eq3A_260 : i32
        %select_n3A_262 = arith.constant 0 : i32
        %select_n3A_263 = arith.select %eq3A_261, %select_n3A_262, %select_n3A_259 : i32
        scf.yield %select_n3A_167, %select_n3A_255, %select_n3A_221, %select_n3A_248, %select_n3A_263 : i32, i32, i32, i32, i32
      }
      %scan3A_68 = arith.constant 2 : i32
      %sub3A = arith.constant 1 : i32
      %sub3A_69 = arith.subi %scan3A_67#4, %sub3A : i32
      %select_n3A_70 = arith.constant true
      %select_n3A_71 = arith.select %select_n3A_70, %sub3A_69, %scan3A_67#4 : i32
      %eq3A_72 = arith.constant -1 : i32
      %eq3A_73 = arith.cmpi eq, %select_n3A_71, %eq3A_72 : i32
      %select_n3A_74 = arith.constant 1 : i32
      %select_n3A_75 = arith.select %eq3A_73, %select_n3A_74, %select_n3A_71 : i32
      %add3A_76 = arith.addi %select_n3A_75, %mul3A_6 : i32
      %sub3A_77 = arith.constant 1 : i32
      %sub3A_78 = arith.subi %select_n3A_75, %sub3A_77 : i32
      %select_n3A_79 = arith.constant true
      %select_n3A_80 = arith.select %select_n3A_79, %sub3A_78, %select_n3A_75 : i32
      %eq3A_81 = arith.constant -1 : i32
      %eq3A_82 = arith.cmpi eq, %select_n3A_80, %eq3A_81 : i32
      %select_n3A_83 = arith.constant 1 : i32
      %select_n3A_84 = arith.select %eq3A_82, %select_n3A_83, %select_n3A_80 : i32
      %add3A_85 = arith.addi %select_n3A_84, %mul3A_6 : i32
      %add3A_86 = arith.constant 1 : i32
      %add3A_87 = arith.addi %select_n3A_75, %add3A_86 : i32
      %select_n3A_88 = arith.constant true
      %select_n3A_89 = arith.select %select_n3A_88, %add3A_87, %select_n3A_75 : i32
      %eq3A_90 = arith.constant 2 : i32
      %eq3A_91 = arith.cmpi eq, %select_n3A_89, %eq3A_90 : i32
      %select_n3A_92 = arith.constant 0 : i32
      %select_n3A_93 = arith.select %eq3A_91, %select_n3A_92, %select_n3A_89 : i32
      %add3A_94 = arith.addi %select_n3A_93, %mul3A_6 : i32
      %add3A_95 = arith.constant 1 : i32
      %add3A_96 = arith.addi %select_n3A_93, %add3A_95 : i32
      %select_n3A_97 = arith.constant true
      %select_n3A_98 = arith.select %select_n3A_97, %add3A_96, %select_n3A_93 : i32
      %eq3A_99 = arith.constant 2 : i32
      %eq3A_100 = arith.cmpi eq, %select_n3A_98, %eq3A_99 : i32
      %select_n3A_101 = arith.constant 0 : i32
      %select_n3A_102 = arith.select %eq3A_100, %select_n3A_101, %select_n3A_98 : i32
      %add3A_103 = arith.addi %select_n3A_102, %mul3A_6 : i32
      "tpu.trace_start"() <{level = 10 : i32, message = "ep_finalize"}> : () -> ()
      %rem3A_104 = arith.constant 2 : i32
      %rem3A_105 = arith.remui %scan3A_67#3, %rem3A_104 : i32
      %mul3A_106 = arith.constant 128 : i32
      %mul3A_107 = arith.muli %mul3A_106, %add3A_76 : i32
      %dma_wait3A = arith.constant 0 : i32
      %dma_wait3A_108 = arith.constant 0 : i32
      %dma_wait3A_109 = tpu.memref_slice %run_scoped3A_8[%rem3A_105, %dma_wait3A, %dma_wait3A_108] : memref<2x128x128xf32, #tpu.memory_space<vmem>> -> memref<1x128x128xf32, #tpu.memory_space<vmem>>
      %dma_wait3A_110 = tpu.memref_squeeze %dma_wait3A_109 : memref<1x128x128xf32, #tpu.memory_space<vmem>> -> memref<128x128xf32, #tpu.memory_space<vmem>>
      %dma_wait3A_111 = arith.constant 0 : i32
      %dma_wait3A_112 = tpu.memref_slice %arg4[%mul3A_107, %dma_wait3A_111] : memref<8192x128xf32, #tpu.memory_space<hbm>> -> memref<128x128xf32, #tpu.memory_space<hbm>>
      %dma_wait3A_113 = tpu.memref_slice %run_scoped3A_9[%rem3A_105] : memref<2x!tpu.dma_semaphore, #tpu.memory_space<semaphore_mem>> -> memref<1x!tpu.dma_semaphore, #tpu.memory_space<semaphore_mem>>
      %dma_wait3A_114 = tpu.memref_squeeze %dma_wait3A_113 : memref<1x!tpu.dma_semaphore, #tpu.memory_space<semaphore_mem>> -> memref<!tpu.dma_semaphore, #tpu.memory_space<semaphore_mem>>
      %dma_wait3A_115 = arith.constant 0 : i32
      %dma_wait3A_116 = tpu.memref_slice %arg4[%mul3A_107, %dma_wait3A_115] : memref<8192x128xf32, #tpu.memory_space<hbm>> -> memref<128x128xf32, #tpu.memory_space<hbm>>
      %dma_wait3A_117 = arith.constant 0 : i32
      %dma_wait3A_118 = arith.constant 0 : i32
      %dma_wait3A_119 = tpu.memref_slice %run_scoped3A_8[%rem3A_105, %dma_wait3A_117, %dma_wait3A_118] : memref<2x128x128xf32, #tpu.memory_space<vmem>> -> memref<1x128x128xf32, #tpu.memory_space<vmem>>
      %dma_wait3A_120 = tpu.memref_squeeze %dma_wait3A_119 : memref<1x128x128xf32, #tpu.memory_space<vmem>> -> memref<128x128xf32, #tpu.memory_space<vmem>>
      tpu.wait_dma2 semaphore(%dma_wait3A_114 : memref<!tpu.dma_semaphore, #tpu.memory_space<semaphore_mem>>) src(%dma_wait3A_120 : memref<128x128xf32, #tpu.memory_space<vmem>>) dst(%dma_wait3A_116 : memref<128x128xf32, #tpu.memory_space<hbm>>)
      "tpu.trace_stop"() : () -> ()
      tpu.yield
    }) : () -> ()
    return
  }
}

#map = affine_map<(d0, d1) -> (0, 0)>
module attributes {stable_mosaic.version = 14 : i64} {
  func.func @gather_kernel(%arg0: i32, %arg1: i32, %arg2: memref<32768x128xf32, #tpu.memory_space<hbm>>, %arg3: memref<1x262144xi32, #tpu.memory_space<hbm>>, %arg4: memref<262144x128xf32, #tpu.memory_space<hbm>>) attributes {dimension_semantics = [#tpu.dimension_semantics<core_parallel>, #tpu.dimension_semantics<subcore_parallel>], iteration_bounds = array<i64: 2, 16>, scalar_prefetch = 0 : i64, scratch_operands = 0 : i64, tpu.core_type = #tpu.core_type<sc_vector_subcore>, window_params = [{transform_indices = #map}, {transform_indices = #map}, {transform_indices = #map}]} {
    %mul3A = arith.constant 1 : i32
    %mul3A_0 = arith.muli %arg1, %mul3A : i32
    %add3A = arith.constant 0 : i32
    %add3A_1 = arith.addi %add3A, %mul3A_0 : i32
    %mul3A_2 = arith.constant 16 : i32
    %mul3A_3 = arith.muli %arg0, %mul3A_2 : i32
    %add3A_4 = arith.addi %add3A_1, %mul3A_3 : i32
    %mul3A_5 = arith.constant 64 : i32
    %mul3A_6 = arith.muli %add3A_4, %mul3A_5 : i32
    "tpu.region"() ({
      %run_scoped3A = memref.alloca() : memref<2x1x128xi32, #tpu.memory_space<vmem>>
      %run_scoped3A_7 = tpu.sem_alloc : memref<2x!tpu.dma_semaphore, #tpu.memory_space<semaphore_mem>>
      %run_scoped3A_8 = memref.alloca() : memref<2x128x128xf32, #tpu.memory_space<vmem>>
      %run_scoped3A_9 = tpu.sem_alloc : memref<2x!tpu.dma_semaphore, #tpu.memory_space<semaphore_mem>>
      %add3A_10 = arith.constant 0 : i32
      %add3A_11 = arith.addi %add3A_10, %mul3A_6 : i32
      %select_n3A = arith.constant true
      %select_n3A_12 = arith.constant 0 : i32
      %select_n3A_13 = arith.constant -1 : i32
      %select_n3A_14 = arith.select %select_n3A, %select_n3A_13, %select_n3A_12 : i32
      %eq3A = arith.constant -1 : i32
      %eq3A_15 = arith.cmpi eq, %select_n3A_14, %eq3A : i32
      %select_n3A_16 = arith.constant 63 : i32
      %select_n3A_17 = arith.select %eq3A_15, %select_n3A_16, %select_n3A_14 : i32
      %add3A_18 = arith.addi %select_n3A_17, %mul3A_6 : i32
      %select_n3A_19 = arith.constant true
      %select_n3A_20 = arith.constant 0 : i32
      %select_n3A_21 = arith.constant 1 : i32
      %select_n3A_22 = arith.select %select_n3A_19, %select_n3A_21, %select_n3A_20 : i32
      %eq3A_23 = arith.constant 64 : i32
      %eq3A_24 = arith.cmpi eq, %select_n3A_22, %eq3A_23 : i32
      %select_n3A_25 = arith.constant 0 : i32
      %select_n3A_26 = arith.select %eq3A_24, %select_n3A_25, %select_n3A_22 : i32
      %add3A_27 = arith.addi %select_n3A_26, %mul3A_6 : i32
      %add3A_28 = arith.constant 1 : i32
      %add3A_29 = arith.addi %select_n3A_26, %add3A_28 : i32
      %select_n3A_30 = arith.constant true
      %select_n3A_31 = arith.select %select_n3A_30, %add3A_29, %select_n3A_26 : i32
      %eq3A_32 = arith.constant 64 : i32
      %eq3A_33 = arith.cmpi eq, %select_n3A_31, %eq3A_32 : i32
      %select_n3A_34 = arith.constant 0 : i32
      %select_n3A_35 = arith.select %eq3A_33, %select_n3A_34, %select_n3A_31 : i32
      %add3A_36 = arith.addi %select_n3A_35, %mul3A_6 : i32
      "tpu.trace_start"() <{level = 10 : i32, message = "ep_initialize_0"}> : () -> ()
      %rem3A = arith.constant 0 : i32
      %rem3A_37 = arith.constant 2 : i32
      %rem3A_38 = arith.remui %rem3A, %rem3A_37 : i32
      %mul3A_39 = arith.constant 128 : i32
      %mul3A_40 = arith.muli %mul3A_39, %add3A_11 : i32
      %dma_start3A = arith.constant 0 : i32
      %dma_start3A_41 = arith.constant 0 : i32
      %dma_start3A_42 = tpu.memref_slice %run_scoped3A[%rem3A_38, %dma_start3A, %dma_start3A_41] : memref<2x1x128xi32, #tpu.memory_space<vmem>> -> memref<1x1x128xi32, #tpu.memory_space<vmem>>
      %dma_start3A_43 = tpu.memref_squeeze %dma_start3A_42 : memref<1x1x128xi32, #tpu.memory_space<vmem>> -> memref<1x128xi32, #tpu.memory_space<vmem>>
      %dma_start3A_44 = arith.constant 0 : i32
      %dma_start3A_45 = tpu.memref_slice %arg3[%dma_start3A_44, %mul3A_40] : memref<1x262144xi32, #tpu.memory_space<hbm>> -> memref<1x128xi32, #tpu.memory_space<hbm>>
      %dma_start3A_46 = tpu.memref_slice %run_scoped3A_7[%rem3A_38] : memref<2x!tpu.dma_semaphore, #tpu.memory_space<semaphore_mem>> -> memref<1x!tpu.dma_semaphore, #tpu.memory_space<semaphore_mem>>
      %dma_start3A_47 = tpu.memref_squeeze %dma_start3A_46 : memref<1x!tpu.dma_semaphore, #tpu.memory_space<semaphore_mem>> -> memref<!tpu.dma_semaphore, #tpu.memory_space<semaphore_mem>>
      %dma_start3A_48 = arith.constant 0 : i32
      %dma_start3A_49 = arith.constant 0 : i32
      %dma_start3A_50 = tpu.memref_slice %run_scoped3A[%rem3A_38, %dma_start3A_48, %dma_start3A_49] : memref<2x1x128xi32, #tpu.memory_space<vmem>> -> memref<1x1x128xi32, #tpu.memory_space<vmem>>
      %dma_start3A_51 = tpu.memref_squeeze %dma_start3A_50 : memref<1x1x128xi32, #tpu.memory_space<vmem>> -> memref<1x128xi32, #tpu.memory_space<vmem>>
      %dma_start3A_52 = arith.constant 0 : i32
      %dma_start3A_53 = tpu.memref_slice %arg3[%dma_start3A_52, %mul3A_40] : memref<1x262144xi32, #tpu.memory_space<hbm>> -> memref<1x128xi32, #tpu.memory_space<hbm>>
      tpu.enqueue_dma source(%dma_start3A_53 : memref<1x128xi32, #tpu.memory_space<hbm>>) target(%dma_start3A_51 : memref<1x128xi32, #tpu.memory_space<vmem>>) target_semaphore(%dma_start3A_47 : memref<!tpu.dma_semaphore, #tpu.memory_space<semaphore_mem>>)
      %add3A_54 = arith.constant 0 : i32
      %add3A_55 = arith.constant 1 : i32
      %add3A_56 = arith.addi %add3A_54, %add3A_55 : i32
      %select_n3A_57 = arith.constant true
      %select_n3A_58 = arith.constant 0 : i32
      %select_n3A_59 = arith.select %select_n3A_57, %add3A_56, %select_n3A_58 : i32
      "tpu.trace_stop"() : () -> ()
      %scan3A = arith.constant 0 : i32
      %scan3A_60 = arith.constant 0 : i32
      %scan3A_61 = arith.constant 0 : i32
      %scan3A_62 = arith.constant 0 : i32
      %scan3A_63 = arith.constant 0 : i32
      %scan3A_64 = arith.constant 64 : i32
      %scan3A_65 = arith.addi %scan3A_63, %scan3A_64 : i32
      %scan3A_66 = arith.constant 1 : i32
      %scan3A_67:5 = scf.for %scan3A_121 = %scan3A_63 to %scan3A_65 step %scan3A_66 iter_args(%scan3A_122 = %select_n3A_59, %scan3A_123 = %scan3A, %scan3A_124 = %scan3A_60, %scan3A_125 = %scan3A_61, %scan3A_126 = %scan3A_62) -> (i32, i32, i32, i32, i32)  : i32 {
        %eq3A_127 = arith.constant 0 : i32
        %eq3A_128 = arith.cmpi eq, %scan3A_121, %eq3A_127 : i32
        %eq3A_129 = arith.constant 63 : i32
        %eq3A_130 = arith.cmpi eq, %scan3A_121, %eq3A_129 : i32
        %add3A_131 = arith.addi %scan3A_126, %mul3A_6 : i32
        %sub3A_132 = arith.constant 1 : i32
        %sub3A_133 = arith.subi %scan3A_126, %sub3A_132 : i32
        %select_n3A_134 = arith.constant true
        %select_n3A_135 = arith.select %select_n3A_134, %sub3A_133, %scan3A_126 : i32
        %eq3A_136 = arith.constant -1 : i32
        %eq3A_137 = arith.cmpi eq, %select_n3A_135, %eq3A_136 : i32
        %select_n3A_138 = arith.constant 63 : i32
        %select_n3A_139 = arith.select %eq3A_137, %select_n3A_138, %select_n3A_135 : i32
        %add3A_140 = arith.addi %select_n3A_139, %mul3A_6 : i32
        %add3A_141 = arith.constant 1 : i32
        %add3A_142 = arith.addi %scan3A_126, %add3A_141 : i32
        %select_n3A_143 = arith.constant true
        %select_n3A_144 = arith.select %select_n3A_143, %add3A_142, %scan3A_126 : i32
        %eq3A_145 = arith.constant 64 : i32
        %eq3A_146 = arith.cmpi eq, %select_n3A_144, %eq3A_145 : i32
        %select_n3A_147 = arith.constant 0 : i32
        %select_n3A_148 = arith.select %eq3A_146, %select_n3A_147, %select_n3A_144 : i32
        %add3A_149 = arith.addi %select_n3A_148, %mul3A_6 : i32
        %add3A_150 = arith.constant 1 : i32
        %add3A_151 = arith.addi %select_n3A_148, %add3A_150 : i32
        %select_n3A_152 = arith.constant true
        %select_n3A_153 = arith.select %select_n3A_152, %add3A_151, %select_n3A_148 : i32
        %eq3A_154 = arith.constant 64 : i32
        %eq3A_155 = arith.cmpi eq, %select_n3A_153, %eq3A_154 : i32
        %select_n3A_156 = arith.constant 0 : i32
        %select_n3A_157 = arith.select %eq3A_155, %select_n3A_156, %select_n3A_153 : i32
        %add3A_158 = arith.addi %select_n3A_157, %mul3A_6 : i32
        %ne3A = arith.cmpi ne, %add3A_131, %add3A_149 : i32
        %or3A = arith.constant false
        %or3A_159 = arith.ori %or3A, %ne3A : i1
        %ge3A = arith.constant 63 : i32
        %ge3A_160 = arith.cmpi sge, %scan3A_121, %ge3A : i32
        %not3A = arith.constant true
        %not3A_161 = arith.xori %ge3A_160, %not3A : i1
        %and3A = arith.andi %or3A_159, %not3A_161 : i1
        %convert_element_type3A = arith.extui %and3A : i1 to i32
        %cond3A = arith.constant 0 : i32
        %cond3A_162 = arith.cmpi ne, %convert_element_type3A, %cond3A : i32
        scf.if %cond3A_162 {
          "tpu.trace_start"() <{level = 10 : i32, message = "ep_copy_in"}> : () -> ()
          %rem3A_264 = arith.constant 2 : i32
          %rem3A_265 = arith.remui %scan3A_122, %rem3A_264 : i32
          %mul3A_266 = arith.constant 128 : i32
          %mul3A_267 = arith.muli %mul3A_266, %add3A_149 : i32
          %dma_start3A_268 = arith.constant 0 : i32
          %dma_start3A_269 = arith.constant 0 : i32
          %dma_start3A_270 = tpu.memref_slice %run_scoped3A[%rem3A_265, %dma_start3A_268, %dma_start3A_269] : memref<2x1x128xi32, #tpu.memory_space<vmem>> -> memref<1x1x128xi32, #tpu.memory_space<vmem>>
          %dma_start3A_271 = tpu.memref_squeeze %dma_start3A_270 : memref<1x1x128xi32, #tpu.memory_space<vmem>> -> memref<1x128xi32, #tpu.memory_space<vmem>>
          %dma_start3A_272 = arith.constant 0 : i32
          %dma_start3A_273 = tpu.memref_slice %arg3[%dma_start3A_272, %mul3A_267] : memref<1x262144xi32, #tpu.memory_space<hbm>> -> memref<1x128xi32, #tpu.memory_space<hbm>>
          %dma_start3A_274 = tpu.memref_slice %run_scoped3A_7[%rem3A_265] : memref<2x!tpu.dma_semaphore, #tpu.memory_space<semaphore_mem>> -> memref<1x!tpu.dma_semaphore, #tpu.memory_space<semaphore_mem>>
          %dma_start3A_275 = tpu.memref_squeeze %dma_start3A_274 : memref<1x!tpu.dma_semaphore, #tpu.memory_space<semaphore_mem>> -> memref<!tpu.dma_semaphore, #tpu.memory_space<semaphore_mem>>
          %dma_start3A_276 = arith.constant 0 : i32
          %dma_start3A_277 = arith.constant 0 : i32
          %dma_start3A_278 = tpu.memref_slice %run_scoped3A[%rem3A_265, %dma_start3A_276, %dma_start3A_277] : memref<2x1x128xi32, #tpu.memory_space<vmem>> -> memref<1x1x128xi32, #tpu.memory_space<vmem>>
          %dma_start3A_279 = tpu.memref_squeeze %dma_start3A_278 : memref<1x1x128xi32, #tpu.memory_space<vmem>> -> memref<1x128xi32, #tpu.memory_space<vmem>>
          %dma_start3A_280 = arith.constant 0 : i32
          %dma_start3A_281 = tpu.memref_slice %arg3[%dma_start3A_280, %mul3A_267] : memref<1x262144xi32, #tpu.memory_space<hbm>> -> memref<1x128xi32, #tpu.memory_space<hbm>>
          tpu.enqueue_dma source(%dma_start3A_281 : memref<1x128xi32, #tpu.memory_space<hbm>>) target(%dma_start3A_279 : memref<1x128xi32, #tpu.memory_space<vmem>>) target_semaphore(%dma_start3A_275 : memref<!tpu.dma_semaphore, #tpu.memory_space<semaphore_mem>>)
          "tpu.trace_stop"() : () -> ()
        } else {
        }
        %and3A_163 = arith.constant true
        %and3A_164 = arith.andi %and3A, %and3A_163 : i1
        %add3A_165 = arith.constant 1 : i32
        %add3A_166 = arith.addi %scan3A_122, %add3A_165 : i32
        %select_n3A_167 = arith.select %and3A_164, %add3A_166, %scan3A_122 : i32
        %ne3A_168 = arith.cmpi ne, %add3A_131, %add3A_149 : i32
        %or3A_169 = arith.constant false
        %or3A_170 = arith.ori %or3A_169, %ne3A_168 : i1
        %or3A_171 = arith.constant false
        %or3A_172 = arith.ori %or3A_170, %or3A_171 : i1
        %ge3A_173 = arith.constant 63 : i32
        %ge3A_174 = arith.cmpi sge, %scan3A_121, %ge3A_173 : i32
        %not3A_175 = arith.constant true
        %not3A_176 = arith.xori %ge3A_174, %not3A_175 : i1
        %and3A_177 = arith.andi %or3A_172, %not3A_176 : i1
        %ne3A_178 = arith.cmpi ne, %add3A_131, %add3A_140 : i32
        %or3A_179 = arith.constant false
        %or3A_180 = arith.ori %or3A_179, %ne3A_178 : i1
        %or3A_181 = arith.ori %or3A_180, %eq3A_128 : i1
        %convert_element_type3A_182 = arith.extui %or3A_181 : i1 to i32
        %cond3A_183 = arith.constant 0 : i32
        %cond3A_184 = arith.cmpi ne, %convert_element_type3A_182, %cond3A_183 : i32
        scf.if %cond3A_184 {
          "tpu.trace_start"() <{level = 10 : i32, message = "ep_wait_in"}> : () -> ()
          %mul3A_264 = arith.constant 128 : i32
          %mul3A_265 = arith.muli %mul3A_264, %add3A_131 : i32
          %rem3A_266 = arith.constant 2 : i32
          %rem3A_267 = arith.remui %scan3A_123, %rem3A_266 : i32
          %dma_wait3A_268 = arith.constant 0 : i32
          %dma_wait3A_269 = arith.constant 0 : i32
          %dma_wait3A_270 = tpu.memref_slice %run_scoped3A[%rem3A_267, %dma_wait3A_268, %dma_wait3A_269] : memref<2x1x128xi32, #tpu.memory_space<vmem>> -> memref<1x1x128xi32, #tpu.memory_space<vmem>>
          %dma_wait3A_271 = tpu.memref_squeeze %dma_wait3A_270 : memref<1x1x128xi32, #tpu.memory_space<vmem>> -> memref<1x128xi32, #tpu.memory_space<vmem>>
          %dma_wait3A_272 = arith.constant 0 : i32
          %dma_wait3A_273 = tpu.memref_slice %arg3[%dma_wait3A_272, %mul3A_265] : memref<1x262144xi32, #tpu.memory_space<hbm>> -> memref<1x128xi32, #tpu.memory_space<hbm>>
          %dma_wait3A_274 = tpu.memref_slice %run_scoped3A_7[%rem3A_267] : memref<2x!tpu.dma_semaphore, #tpu.memory_space<semaphore_mem>> -> memref<1x!tpu.dma_semaphore, #tpu.memory_space<semaphore_mem>>
          %dma_wait3A_275 = tpu.memref_squeeze %dma_wait3A_274 : memref<1x!tpu.dma_semaphore, #tpu.memory_space<semaphore_mem>> -> memref<!tpu.dma_semaphore, #tpu.memory_space<semaphore_mem>>
          %dma_wait3A_276 = arith.constant 0 : i32
          %dma_wait3A_277 = arith.constant 0 : i32
          %dma_wait3A_278 = tpu.memref_slice %run_scoped3A[%rem3A_267, %dma_wait3A_276, %dma_wait3A_277] : memref<2x1x128xi32, #tpu.memory_space<vmem>> -> memref<1x1x128xi32, #tpu.memory_space<vmem>>
          %dma_wait3A_279 = tpu.memref_squeeze %dma_wait3A_278 : memref<1x1x128xi32, #tpu.memory_space<vmem>> -> memref<1x128xi32, #tpu.memory_space<vmem>>
          %dma_wait3A_280 = arith.constant 0 : i32
          %dma_wait3A_281 = tpu.memref_slice %arg3[%dma_wait3A_280, %mul3A_265] : memref<1x262144xi32, #tpu.memory_space<hbm>> -> memref<1x128xi32, #tpu.memory_space<hbm>>
          tpu.wait_dma2 semaphore(%dma_wait3A_275 : memref<!tpu.dma_semaphore, #tpu.memory_space<semaphore_mem>>) src(%dma_wait3A_281 : memref<1x128xi32, #tpu.memory_space<hbm>>) dst(%dma_wait3A_279 : memref<1x128xi32, #tpu.memory_space<vmem>>)
          "tpu.trace_stop"() : () -> ()
        } else {
        }
        %ne3A_185 = arith.cmpi ne, %add3A_131, %add3A_140 : i32
        %or3A_186 = arith.constant false
        %or3A_187 = arith.ori %or3A_186, %ne3A_185 : i1
        %or3A_188 = arith.constant false
        %or3A_189 = arith.ori %or3A_187, %or3A_188 : i1
        %or3A_190 = arith.ori %or3A_189, %eq3A_128 : i1
        %convert_element_type3A_191 = arith.extui %or3A_190 : i1 to i32
        %cond3A_192 = arith.constant 0 : i32
        %cond3A_193 = arith.cmpi ne, %convert_element_type3A_191, %cond3A_192 : i32
        scf.if %cond3A_193 {
        } else {
        }
        %rem3A_194 = arith.constant 2 : i32
        %rem3A_195 = arith.remui %scan3A_123, %rem3A_194 : i32
        %rem3A_196 = arith.constant 2 : i32
        %rem3A_197 = arith.remui %scan3A_124, %rem3A_196 : i32
        %run_scoped3A_198 = arith.constant 0 : i32
        "tpu.trace_start"() <{level = 10 : i32, message = "ep_run_kernel"}> : () -> ()
        "tpu.region"() ({
          %run_scoped3A_264 = tpu.sem_alloc : memref<!tpu.dma_semaphore, #tpu.memory_space<semaphore_mem>>
          %dma_start3A_265 = arith.constant 0 : i32
          %dma_start3A_266 = arith.constant 0 : i32
          %dma_start3A_267 = tpu.memref_slice %run_scoped3A_8[%rem3A_197, %dma_start3A_265, %dma_start3A_266] : memref<2x128x128xf32, #tpu.memory_space<vmem>> -> memref<1x128x128xf32, #tpu.memory_space<vmem>>
          %dma_start3A_268 = tpu.memref_squeeze %dma_start3A_267 : memref<1x128x128xf32, #tpu.memory_space<vmem>> -> memref<128x128xf32, #tpu.memory_space<vmem>>
          %dma_start3A_269 = arith.constant 0 : i32
          %dma_start3A_270 = arith.constant 0 : i32
          %dma_start3A_271 = tpu.memref_slice %run_scoped3A[%rem3A_195, %dma_start3A_269, %dma_start3A_270] : memref<2x1x128xi32, #tpu.memory_space<vmem>> -> memref<1x1x128xi32, #tpu.memory_space<vmem>>
          %dma_start3A_272 = tpu.memref_squeeze %dma_start3A_271 : memref<1x1x128xi32, #tpu.memory_space<vmem>> -> memref<1x128xi32, #tpu.memory_space<vmem>>
          %dma_start3A_273 = arith.constant 0 : i32
          %dma_start3A_274 = tpu.memref_slice %dma_start3A_272[%run_scoped3A_198, %dma_start3A_273] : memref<1x128xi32, #tpu.memory_space<vmem>> -> memref<1x128xi32, #tpu.memory_space<vmem>>
          %dma_start3A_275 = tpu.memref_squeeze %dma_start3A_274 : memref<1x128xi32, #tpu.memory_space<vmem>> -> memref<128xi32, #tpu.memory_space<vmem>>
          %dma_start3A_276 = arith.constant 0 : i32
          %dma_start3A_277 = arith.constant 0 : i32
          %dma_start3A_278 = tpu.memref_slice %arg2[%dma_start3A_276, %dma_start3A_277] : memref<32768x128xf32, #tpu.memory_space<hbm>> -> memref<32768x128xf32, #tpu.memory_space<hbm>>
          tpu.enqueue_indirect_dma source(%dma_start3A_278 : memref<32768x128xf32, #tpu.memory_space<hbm>>) target(%dma_start3A_268 : memref<128x128xf32, #tpu.memory_space<vmem>>) offsets(%dma_start3A_275 : memref<128xi32, #tpu.memory_space<vmem>>) semaphore(%run_scoped3A_264 : memref<!tpu.dma_semaphore, #tpu.memory_space<semaphore_mem>>)
          %dma_wait3A_279 = arith.constant 0 : i32
          %dma_wait3A_280 = arith.constant 0 : i32
          %dma_wait3A_281 = tpu.memref_slice %run_scoped3A_8[%rem3A_197, %dma_wait3A_279, %dma_wait3A_280] : memref<2x128x128xf32, #tpu.memory_space<vmem>> -> memref<1x128x128xf32, #tpu.memory_space<vmem>>
          %dma_wait3A_282 = tpu.memref_squeeze %dma_wait3A_281 : memref<1x128x128xf32, #tpu.memory_space<vmem>> -> memref<128x128xf32, #tpu.memory_space<vmem>>
          %dma_wait3A_283 = arith.constant 0 : i32
          %dma_wait3A_284 = arith.constant 0 : i32
          %dma_wait3A_285 = tpu.memref_slice %run_scoped3A[%rem3A_195, %dma_wait3A_283, %dma_wait3A_284] : memref<2x1x128xi32, #tpu.memory_space<vmem>> -> memref<1x1x128xi32, #tpu.memory_space<vmem>>
          %dma_wait3A_286 = tpu.memref_squeeze %dma_wait3A_285 : memref<1x1x128xi32, #tpu.memory_space<vmem>> -> memref<1x128xi32, #tpu.memory_space<vmem>>
          %dma_wait3A_287 = arith.constant 0 : i32
          %dma_wait3A_288 = tpu.memref_slice %dma_wait3A_286[%run_scoped3A_198, %dma_wait3A_287] : memref<1x128xi32, #tpu.memory_space<vmem>> -> memref<1x128xi32, #tpu.memory_space<vmem>>
          %dma_wait3A_289 = tpu.memref_squeeze %dma_wait3A_288 : memref<1x128xi32, #tpu.memory_space<vmem>> -> memref<128xi32, #tpu.memory_space<vmem>>
          %dma_wait3A_290 = arith.constant 0 : i32
          %dma_wait3A_291 = arith.constant 0 : i32
          %dma_wait3A_292 = tpu.memref_slice %arg2[%dma_wait3A_290, %dma_wait3A_291] : memref<32768x128xf32, #tpu.memory_space<hbm>> -> memref<32768x128xf32, #tpu.memory_space<hbm>>
          tpu.wait_indirect_dma semaphore(%run_scoped3A_264 : memref<!tpu.dma_semaphore, #tpu.memory_space<semaphore_mem>>) src(%dma_wait3A_292 : memref<32768x128xf32, #tpu.memory_space<hbm>>) dst(%dma_wait3A_282 : memref<128x128xf32, #tpu.memory_space<vmem>>)
          tpu.yield
        }) : () -> ()
        "tpu.trace_stop"() : () -> ()
        %ne3A_199 = arith.cmpi ne, %add3A_131, %add3A_149 : i32
        %or3A_200 = arith.constant false
        %or3A_201 = arith.ori %or3A_200, %ne3A_199 : i1
        %or3A_202 = arith.ori %or3A_201, %eq3A_130 : i1
        %convert_element_type3A_203 = arith.extui %or3A_202 : i1 to i32
        %cond3A_204 = arith.constant 0 : i32
        %cond3A_205 = arith.cmpi ne, %convert_element_type3A_203, %cond3A_204 : i32
        scf.if %cond3A_205 {
        } else {
        }
        %and3A_206 = arith.constant false
        %and3A_207 = arith.andi %or3A_202, %and3A_206 : i1
        %ne3A_208 = arith.cmpi ne, %add3A_131, %add3A_149 : i32
        %or3A_209 = arith.constant false
        %or3A_210 = arith.ori %or3A_209, %ne3A_208 : i1
        %or3A_211 = arith.constant false
        %or3A_212 = arith.ori %or3A_210, %or3A_211 : i1
        %or3A_213 = arith.ori %or3A_212, %eq3A_130 : i1
        %convert_element_type3A_214 = arith.extui %or3A_213 : i1 to i32
        %cond3A_215 = arith.constant 0 : i32
        %cond3A_216 = arith.cmpi ne, %convert_element_type3A_214, %cond3A_215 : i32
        scf.if %cond3A_216 {
          "tpu.trace_start"() <{level = 10 : i32, message = "ep_copy_out"}> : () -> ()
          %rem3A_264 = arith.constant 2 : i32
          %rem3A_265 = arith.remui %scan3A_124, %rem3A_264 : i32
          %mul3A_266 = arith.constant 128 : i32
          %mul3A_267 = arith.muli %mul3A_266, %add3A_131 : i32
          %dma_start3A_268 = arith.constant 0 : i32
          %dma_start3A_269 = arith.constant 0 : i32
          %dma_start3A_270 = tpu.memref_slice %run_scoped3A_8[%rem3A_265, %dma_start3A_268, %dma_start3A_269] : memref<2x128x128xf32, #tpu.memory_space<vmem>> -> memref<1x128x128xf32, #tpu.memory_space<vmem>>
          %dma_start3A_271 = tpu.memref_squeeze %dma_start3A_270 : memref<1x128x128xf32, #tpu.memory_space<vmem>> -> memref<128x128xf32, #tpu.memory_space<vmem>>
          %dma_start3A_272 = arith.constant 0 : i32
          %dma_start3A_273 = tpu.memref_slice %arg4[%mul3A_267, %dma_start3A_272] : memref<262144x128xf32, #tpu.memory_space<hbm>> -> memref<128x128xf32, #tpu.memory_space<hbm>>
          %dma_start3A_274 = tpu.memref_slice %run_scoped3A_9[%rem3A_265] : memref<2x!tpu.dma_semaphore, #tpu.memory_space<semaphore_mem>> -> memref<1x!tpu.dma_semaphore, #tpu.memory_space<semaphore_mem>>
          %dma_start3A_275 = tpu.memref_squeeze %dma_start3A_274 : memref<1x!tpu.dma_semaphore, #tpu.memory_space<semaphore_mem>> -> memref<!tpu.dma_semaphore, #tpu.memory_space<semaphore_mem>>
          %dma_start3A_276 = arith.constant 0 : i32
          %dma_start3A_277 = tpu.memref_slice %arg4[%mul3A_267, %dma_start3A_276] : memref<262144x128xf32, #tpu.memory_space<hbm>> -> memref<128x128xf32, #tpu.memory_space<hbm>>
          %dma_start3A_278 = arith.constant 0 : i32
          %dma_start3A_279 = arith.constant 0 : i32
          %dma_start3A_280 = tpu.memref_slice %run_scoped3A_8[%rem3A_265, %dma_start3A_278, %dma_start3A_279] : memref<2x128x128xf32, #tpu.memory_space<vmem>> -> memref<1x128x128xf32, #tpu.memory_space<vmem>>
          %dma_start3A_281 = tpu.memref_squeeze %dma_start3A_280 : memref<1x128x128xf32, #tpu.memory_space<vmem>> -> memref<128x128xf32, #tpu.memory_space<vmem>>
          tpu.enqueue_dma source(%dma_start3A_281 : memref<128x128xf32, #tpu.memory_space<vmem>>) target(%dma_start3A_277 : memref<128x128xf32, #tpu.memory_space<hbm>>) target_semaphore(%dma_start3A_275 : memref<!tpu.dma_semaphore, #tpu.memory_space<semaphore_mem>>)
          "tpu.trace_stop"() : () -> ()
        } else {
        }
        %and3A_217 = arith.constant true
        %and3A_218 = arith.andi %or3A_213, %and3A_217 : i1
        %add3A_219 = arith.constant 1 : i32
        %add3A_220 = arith.addi %scan3A_124, %add3A_219 : i32
        %select_n3A_221 = arith.select %and3A_218, %add3A_220, %scan3A_124 : i32
        %ne3A_222 = arith.cmpi ne, %add3A_131, %add3A_140 : i32
        %or3A_223 = arith.constant false
        %or3A_224 = arith.ori %or3A_223, %ne3A_222 : i1
        %not3A_225 = arith.constant true
        %not3A_226 = arith.xori %eq3A_128, %not3A_225 : i1
        %and3A_227 = arith.andi %or3A_224, %not3A_226 : i1
        %convert_element_type3A_228 = arith.extui %and3A_227 : i1 to i32
        %cond3A_229 = arith.constant 0 : i32
        %cond3A_230 = arith.cmpi ne, %convert_element_type3A_228, %cond3A_229 : i32
        scf.if %cond3A_230 {
        } else {
        }
        %and3A_231 = arith.constant false
        %and3A_232 = arith.andi %and3A_227, %and3A_231 : i1
        %ne3A_233 = arith.cmpi ne, %add3A_131, %add3A_140 : i32
        %or3A_234 = arith.constant false
        %or3A_235 = arith.ori %or3A_234, %ne3A_233 : i1
        %or3A_236 = arith.constant false
        %or3A_237 = arith.ori %or3A_235, %or3A_236 : i1
        %not3A_238 = arith.constant true
        %not3A_239 = arith.xori %eq3A_128, %not3A_238 : i1
        %and3A_240 = arith.andi %or3A_237, %not3A_239 : i1
        %convert_element_type3A_241 = arith.extui %and3A_240 : i1 to i32
        %cond3A_242 = arith.constant 0 : i32
        %cond3A_243 = arith.cmpi ne, %convert_element_type3A_241, %cond3A_242 : i32
        scf.if %cond3A_243 {
          "tpu.trace_start"() <{level = 10 : i32, message = "ep_wait_out"}> : () -> ()
          %rem3A_264 = arith.constant 2 : i32
          %rem3A_265 = arith.remui %scan3A_125, %rem3A_264 : i32
          %mul3A_266 = arith.constant 128 : i32
          %mul3A_267 = arith.muli %mul3A_266, %add3A_140 : i32
          %dma_wait3A_268 = arith.constant 0 : i32
          %dma_wait3A_269 = arith.constant 0 : i32
          %dma_wait3A_270 = tpu.memref_slice %run_scoped3A_8[%rem3A_265, %dma_wait3A_268, %dma_wait3A_269] : memref<2x128x128xf32, #tpu.memory_space<vmem>> -> memref<1x128x128xf32, #tpu.memory_space<vmem>>
          %dma_wait3A_271 = tpu.memref_squeeze %dma_wait3A_270 : memref<1x128x128xf32, #tpu.memory_space<vmem>> -> memref<128x128xf32, #tpu.memory_space<vmem>>
          %dma_wait3A_272 = arith.constant 0 : i32
          %dma_wait3A_273 = tpu.memref_slice %arg4[%mul3A_267, %dma_wait3A_272] : memref<262144x128xf32, #tpu.memory_space<hbm>> -> memref<128x128xf32, #tpu.memory_space<hbm>>
          %dma_wait3A_274 = tpu.memref_slice %run_scoped3A_9[%rem3A_265] : memref<2x!tpu.dma_semaphore, #tpu.memory_space<semaphore_mem>> -> memref<1x!tpu.dma_semaphore, #tpu.memory_space<semaphore_mem>>
          %dma_wait3A_275 = tpu.memref_squeeze %dma_wait3A_274 : memref<1x!tpu.dma_semaphore, #tpu.memory_space<semaphore_mem>> -> memref<!tpu.dma_semaphore, #tpu.memory_space<semaphore_mem>>
          %dma_wait3A_276 = arith.constant 0 : i32
          %dma_wait3A_277 = tpu.memref_slice %arg4[%mul3A_267, %dma_wait3A_276] : memref<262144x128xf32, #tpu.memory_space<hbm>> -> memref<128x128xf32, #tpu.memory_space<hbm>>
          %dma_wait3A_278 = arith.constant 0 : i32
          %dma_wait3A_279 = arith.constant 0 : i32
          %dma_wait3A_280 = tpu.memref_slice %run_scoped3A_8[%rem3A_265, %dma_wait3A_278, %dma_wait3A_279] : memref<2x128x128xf32, #tpu.memory_space<vmem>> -> memref<1x128x128xf32, #tpu.memory_space<vmem>>
          %dma_wait3A_281 = tpu.memref_squeeze %dma_wait3A_280 : memref<1x128x128xf32, #tpu.memory_space<vmem>> -> memref<128x128xf32, #tpu.memory_space<vmem>>
          tpu.wait_dma2 semaphore(%dma_wait3A_275 : memref<!tpu.dma_semaphore, #tpu.memory_space<semaphore_mem>>) src(%dma_wait3A_281 : memref<128x128xf32, #tpu.memory_space<vmem>>) dst(%dma_wait3A_277 : memref<128x128xf32, #tpu.memory_space<hbm>>)
          "tpu.trace_stop"() : () -> ()
        } else {
        }
        %and3A_244 = arith.constant true
        %and3A_245 = arith.andi %and3A_240, %and3A_244 : i1
        %add3A_246 = arith.constant 1 : i32
        %add3A_247 = arith.addi %scan3A_125, %add3A_246 : i32
        %select_n3A_248 = arith.select %and3A_245, %add3A_247, %scan3A_125 : i32
        %ne3A_249 = arith.cmpi ne, %add3A_131, %add3A_149 : i32
        %or3A_250 = arith.constant false
        %or3A_251 = arith.ori %or3A_250, %ne3A_249 : i1
        %or3A_252 = arith.ori %or3A_251, %eq3A_130 : i1
        %add3A_253 = arith.constant 1 : i32
        %add3A_254 = arith.addi %scan3A_123, %add3A_253 : i32
        %select_n3A_255 = arith.select %or3A_252, %add3A_254, %scan3A_123 : i32
        %add3A_256 = arith.constant 1 : i32
        %add3A_257 = arith.addi %scan3A_126, %add3A_256 : i32
        %select_n3A_258 = arith.constant true
        %select_n3A_259 = arith.select %select_n3A_258, %add3A_257, %scan3A_126 : i32
        %eq3A_260 = arith.constant 64 : i32
        %eq3A_261 = arith.cmpi eq, %select_n3A_259, %eq3A_260 : i32
        %select_n3A_262 = arith.constant 0 : i32
        %select_n3A_263 = arith.select %eq3A_261, %select_n3A_262, %select_n3A_259 : i32
        scf.yield %select_n3A_167, %select_n3A_255, %select_n3A_221, %select_n3A_248, %select_n3A_263 : i32, i32, i32, i32, i32
      }
      %scan3A_68 = arith.constant 64 : i32
      %sub3A = arith.constant 1 : i32
      %sub3A_69 = arith.subi %scan3A_67#4, %sub3A : i32
      %select_n3A_70 = arith.constant true
      %select_n3A_71 = arith.select %select_n3A_70, %sub3A_69, %scan3A_67#4 : i32
      %eq3A_72 = arith.constant -1 : i32
      %eq3A_73 = arith.cmpi eq, %select_n3A_71, %eq3A_72 : i32
      %select_n3A_74 = arith.constant 63 : i32
      %select_n3A_75 = arith.select %eq3A_73, %select_n3A_74, %select_n3A_71 : i32
      %add3A_76 = arith.addi %select_n3A_75, %mul3A_6 : i32
      %sub3A_77 = arith.constant 1 : i32
      %sub3A_78 = arith.subi %select_n3A_75, %sub3A_77 : i32
      %select_n3A_79 = arith.constant true
      %select_n3A_80 = arith.select %select_n3A_79, %sub3A_78, %select_n3A_75 : i32
      %eq3A_81 = arith.constant -1 : i32
      %eq3A_82 = arith.cmpi eq, %select_n3A_80, %eq3A_81 : i32
      %select_n3A_83 = arith.constant 63 : i32
      %select_n3A_84 = arith.select %eq3A_82, %select_n3A_83, %select_n3A_80 : i32
      %add3A_85 = arith.addi %select_n3A_84, %mul3A_6 : i32
      %add3A_86 = arith.constant 1 : i32
      %add3A_87 = arith.addi %select_n3A_75, %add3A_86 : i32
      %select_n3A_88 = arith.constant true
      %select_n3A_89 = arith.select %select_n3A_88, %add3A_87, %select_n3A_75 : i32
      %eq3A_90 = arith.constant 64 : i32
      %eq3A_91 = arith.cmpi eq, %select_n3A_89, %eq3A_90 : i32
      %select_n3A_92 = arith.constant 0 : i32
      %select_n3A_93 = arith.select %eq3A_91, %select_n3A_92, %select_n3A_89 : i32
      %add3A_94 = arith.addi %select_n3A_93, %mul3A_6 : i32
      %add3A_95 = arith.constant 1 : i32
      %add3A_96 = arith.addi %select_n3A_93, %add3A_95 : i32
      %select_n3A_97 = arith.constant true
      %select_n3A_98 = arith.select %select_n3A_97, %add3A_96, %select_n3A_93 : i32
      %eq3A_99 = arith.constant 64 : i32
      %eq3A_100 = arith.cmpi eq, %select_n3A_98, %eq3A_99 : i32
      %select_n3A_101 = arith.constant 0 : i32
      %select_n3A_102 = arith.select %eq3A_100, %select_n3A_101, %select_n3A_98 : i32
      %add3A_103 = arith.addi %select_n3A_102, %mul3A_6 : i32
      "tpu.trace_start"() <{level = 10 : i32, message = "ep_finalize"}> : () -> ()
      %rem3A_104 = arith.constant 2 : i32
      %rem3A_105 = arith.remui %scan3A_67#3, %rem3A_104 : i32
      %mul3A_106 = arith.constant 128 : i32
      %mul3A_107 = arith.muli %mul3A_106, %add3A_76 : i32
      %dma_wait3A = arith.constant 0 : i32
      %dma_wait3A_108 = arith.constant 0 : i32
      %dma_wait3A_109 = tpu.memref_slice %run_scoped3A_8[%rem3A_105, %dma_wait3A, %dma_wait3A_108] : memref<2x128x128xf32, #tpu.memory_space<vmem>> -> memref<1x128x128xf32, #tpu.memory_space<vmem>>
      %dma_wait3A_110 = tpu.memref_squeeze %dma_wait3A_109 : memref<1x128x128xf32, #tpu.memory_space<vmem>> -> memref<128x128xf32, #tpu.memory_space<vmem>>
      %dma_wait3A_111 = arith.constant 0 : i32
      %dma_wait3A_112 = tpu.memref_slice %arg4[%mul3A_107, %dma_wait3A_111] : memref<262144x128xf32, #tpu.memory_space<hbm>> -> memref<128x128xf32, #tpu.memory_space<hbm>>
      %dma_wait3A_113 = tpu.memref_slice %run_scoped3A_9[%rem3A_105] : memref<2x!tpu.dma_semaphore, #tpu.memory_space<semaphore_mem>> -> memref<1x!tpu.dma_semaphore, #tpu.memory_space<semaphore_mem>>
      %dma_wait3A_114 = tpu.memref_squeeze %dma_wait3A_113 : memref<1x!tpu.dma_semaphore, #tpu.memory_space<semaphore_mem>> -> memref<!tpu.dma_semaphore, #tpu.memory_space<semaphore_mem>>
      %dma_wait3A_115 = arith.constant 0 : i32
      %dma_wait3A_116 = tpu.memref_slice %arg4[%mul3A_107, %dma_wait3A_115] : memref<262144x128xf32, #tpu.memory_space<hbm>> -> memref<128x128xf32, #tpu.memory_space<hbm>>
      %dma_wait3A_117 = arith.constant 0 : i32
      %dma_wait3A_118 = arith.constant 0 : i32
      %dma_wait3A_119 = tpu.memref_slice %run_scoped3A_8[%rem3A_105, %dma_wait3A_117, %dma_wait3A_118] : memref<2x128x128xf32, #tpu.memory_space<vmem>> -> memref<1x128x128xf32, #tpu.memory_space<vmem>>
      %dma_wait3A_120 = tpu.memref_squeeze %dma_wait3A_119 : memref<1x128x128xf32, #tpu.memory_space<vmem>> -> memref<128x128xf32, #tpu.memory_space<vmem>>
      tpu.wait_dma2 semaphore(%dma_wait3A_114 : memref<!tpu.dma_semaphore, #tpu.memory_space<semaphore_mem>>) src(%dma_wait3A_120 : memref<128x128xf32, #tpu.memory_space<vmem>>) dst(%dma_wait3A_116 : memref<128x128xf32, #tpu.memory_space<hbm>>)
      "tpu.trace_stop"() : () -> ()
      tpu.yield
    }) : () -> ()
    return
  }
}

module attributes {stable_mosaic.version = 14 : i64} {
  func.func @_fps_body(%arg0: i32, %arg1: memref<1x4x4096xf32, #tpu.memory_space<vmem>>, %arg2: memref<1x4x4096xf32, #tpu.memory_space<vmem>>, %arg3: memref<1x4x4096xf32, #tpu.memory_space<vmem>>, %arg4: memref<1x4x1024xi32, #tpu.memory_space<vmem>>) attributes {dimension_semantics = [#tpu.dimension_semantics<parallel>], iteration_bounds = array<i64: 2>, scalar_prefetch = 0 : i64, scratch_operands = 0 : i64, tpu.core_type = #tpu.core_type<tc>, window_params = [{transform_indices = @transform_0, window_bounds = array<i64: 1, 4, 4096>}, {transform_indices = @transform_1, window_bounds = array<i64: 1, 4, 4096>}, {transform_indices = @transform_2, window_bounds = array<i64: 1, 4, 4096>}, {transform_indices = @transform_3, window_bounds = array<i64: 1, 4, 1024>}]} {
    %get3A = arith.constant 0 : index
    %get3A_0 = arith.constant 0 : index
    %get3A_1 = arith.constant 0 : index
    %get3A_2 = vector.load %arg1[%get3A, %get3A_0, %get3A_1] : memref<1x4x4096xf32, #tpu.memory_space<vmem>>, vector<1x4x4096xf32>
    %get3A_3 = vector.shape_cast %get3A_2 : vector<1x4x4096xf32> to vector<4x4096xf32>
    %get3A_4 = arith.constant 0 : index
    %get3A_5 = arith.constant 0 : index
    %get3A_6 = arith.constant 0 : index
    %get3A_7 = vector.load %arg2[%get3A_4, %get3A_5, %get3A_6] : memref<1x4x4096xf32, #tpu.memory_space<vmem>>, vector<1x4x4096xf32>
    %get3A_8 = vector.shape_cast %get3A_7 : vector<1x4x4096xf32> to vector<4x4096xf32>
    %get3A_9 = arith.constant 0 : index
    %get3A_10 = arith.constant 0 : index
    %get3A_11 = arith.constant 0 : index
    %get3A_12 = vector.load %arg3[%get3A_9, %get3A_10, %get3A_11] : memref<1x4x4096xf32, #tpu.memory_space<vmem>>, vector<1x4x4096xf32>
    %get3A_13 = vector.shape_cast %get3A_12 : vector<1x4x4096xf32> to vector<4x4096xf32>
    %iota3A = tpu.iota {dimensions = array<i32: 1>} : vector<4x4096xi32>
    %iota3A_14 = tpu.iota {dimensions = array<i32: 1>} : vector<4x1024xi32>
    %iota3A_15 = tpu.iota {dimensions = array<i32: 0>} : vector<4x1xi32>
    %mul3A = arith.constant 4 : i32
    %mul3A_16 = arith.muli %arg0, %mul3A : i32
    %add3A = vector.broadcast %mul3A_16 : i32 to vector<4x1xi32>
    %add3A_17 = arith.addi %iota3A_15, %add3A : vector<4x1xi32>
    %mul3A_18 = arith.constant 4096 : i32
    %mul3A_19 = vector.broadcast %mul3A_18 : i32 to vector<4x1xi32>
    %mul3A_20 = arith.muli %add3A_17, %mul3A_19 : vector<4x1xi32>
    %broadcast_in_dim3A = arith.constant 1.000000e+10 : f32
    %broadcast_in_dim3A_21 = vector.broadcast %broadcast_in_dim3A : f32 to vector<4x4096xf32>
    %broadcast_in_dim3A_22 = arith.constant 0 : i32
    %broadcast_in_dim3A_23 = vector.broadcast %broadcast_in_dim3A_22 : i32 to vector<4x1xi32>
    %broadcast_in_dim3A_24 = arith.constant 0 : i32
    %broadcast_in_dim3A_25 = vector.broadcast %broadcast_in_dim3A_24 : i32 to vector<4x1024xi32>
    %scan3A = arith.constant 0 : i32
    %scan3A_26 = arith.constant 1024 : i32
    %scan3A_27 = arith.addi %scan3A, %scan3A_26 : i32
    %scan3A_28 = arith.constant 1 : i32
    %scan3A_29:3 = scf.for %scan3A_36 = %scan3A to %scan3A_27 step %scan3A_28 iter_args(%scan3A_37 = %broadcast_in_dim3A_21, %scan3A_38 = %broadcast_in_dim3A_23, %scan3A_39 = %broadcast_in_dim3A_25) -> (vector<4x4096xf32>, vector<4x1xi32>, vector<4x1024xi32>)  : i32 {
      %eq3A = vector.broadcast %scan3A_36 : i32 to vector<4x1024xi32>
      %eq3A_40 = arith.cmpi eq, %iota3A_14, %eq3A : vector<4x1024xi32>
      %add3A_41 = arith.addi %scan3A_38, %mul3A_20 : vector<4x1xi32>
      %broadcast_in_dim3A_42 = vector.shape_cast %add3A_41 : vector<4x1xi32> to vector<4x1xi32>
      %broadcast_in_dim3A_43 = vector.broadcast %broadcast_in_dim3A_42 : vector<4x1xi32> to vector<4x1024xi32>
      %select_n3A = arith.select %eq3A_40, %broadcast_in_dim3A_43, %scan3A_39 : vector<4x1024xi1>, vector<4x1024xi32>
      %eq3A_44 = vector.broadcast %scan3A_38 : vector<4x1xi32> to vector<4x4096xi32>
      %eq3A_45 = arith.cmpi eq, %iota3A, %eq3A_44 : vector<4x4096xi32>
      %jit3A = arith.constant 0.000000e+00 : f32
      %broadcast_in_dim3A_46 = vector.broadcast %jit3A : f32 to vector<4x4096xf32>
      %select_n3A_47 = arith.select %eq3A_45, %get3A_3, %broadcast_in_dim3A_46 : vector<4x4096xi1>, vector<4x4096xf32>
      %reduce_sum3A = arith.constant dense<0.000000e+00> : vector<4xf32>
      %reduce_sum3A_48 = vector.multi_reduction <add>, %select_n3A_47, %reduce_sum3A [1] : vector<4x4096xf32> to vector<4xf32>
      %broadcast_in_dim3A_49 = vector.shape_cast %reduce_sum3A_48 : vector<4xf32> to vector<4x1xf32>
      %jit3A_50 = arith.constant 0.000000e+00 : f32
      %broadcast_in_dim3A_51 = vector.broadcast %jit3A_50 : f32 to vector<4x4096xf32>
      %select_n3A_52 = arith.select %eq3A_45, %get3A_8, %broadcast_in_dim3A_51 : vector<4x4096xi1>, vector<4x4096xf32>
      %reduce_sum3A_53 = arith.constant dense<0.000000e+00> : vector<4xf32>
      %reduce_sum3A_54 = vector.multi_reduction <add>, %select_n3A_52, %reduce_sum3A_53 [1] : vector<4x4096xf32> to vector<4xf32>
      %broadcast_in_dim3A_55 = vector.shape_cast %reduce_sum3A_54 : vector<4xf32> to vector<4x1xf32>
      %jit3A_56 = arith.constant 0.000000e+00 : f32
      %broadcast_in_dim3A_57 = vector.broadcast %jit3A_56 : f32 to vector<4x4096xf32>
      %select_n3A_58 = arith.select %eq3A_45, %get3A_13, %broadcast_in_dim3A_57 : vector<4x4096xi1>, vector<4x4096xf32>
      %reduce_sum3A_59 = arith.constant dense<0.000000e+00> : vector<4xf32>
      %reduce_sum3A_60 = vector.multi_reduction <add>, %select_n3A_58, %reduce_sum3A_59 [1] : vector<4x4096xf32> to vector<4xf32>
      %broadcast_in_dim3A_61 = vector.shape_cast %reduce_sum3A_60 : vector<4xf32> to vector<4x1xf32>
      %sub3A = vector.broadcast %broadcast_in_dim3A_49 : vector<4x1xf32> to vector<4x4096xf32>
      %sub3A_62 = arith.subf %get3A_3, %sub3A : vector<4x4096xf32>
      %sub3A_63 = vector.broadcast %broadcast_in_dim3A_55 : vector<4x1xf32> to vector<4x4096xf32>
      %sub3A_64 = arith.subf %get3A_8, %sub3A_63 : vector<4x4096xf32>
      %sub3A_65 = vector.broadcast %broadcast_in_dim3A_61 : vector<4x1xf32> to vector<4x4096xf32>
      %sub3A_66 = arith.subf %get3A_13, %sub3A_65 : vector<4x4096xf32>
      %mul3A_67 = arith.mulf %sub3A_62, %sub3A_62 : vector<4x4096xf32>
      %mul3A_68 = arith.mulf %sub3A_64, %sub3A_64 : vector<4x4096xf32>
      %add3A_69 = arith.addf %mul3A_67, %mul3A_68 : vector<4x4096xf32>
      %mul3A_70 = arith.mulf %sub3A_66, %sub3A_66 : vector<4x4096xf32>
      %add3A_71 = arith.addf %add3A_69, %mul3A_70 : vector<4x4096xf32>
      %min3A = arith.minimumf %scan3A_37, %add3A_71 : vector<4x4096xf32>
      %reduce_max3A = arith.constant dense<0xFF800000> : vector<4xf32>
      %reduce_max3A_72 = vector.multi_reduction <maximumf>, %min3A, %reduce_max3A [1] : vector<4x4096xf32> to vector<4xf32>
      %broadcast_in_dim3A_73 = vector.shape_cast %reduce_max3A_72 : vector<4xf32> to vector<4x1xf32>
      %eq3A_74 = vector.broadcast %broadcast_in_dim3A_73 : vector<4x1xf32> to vector<4x4096xf32>
      %eq3A_75 = arith.cmpf oeq, %min3A, %eq3A_74 : vector<4x4096xf32>
      %jit3A_76 = arith.constant 4096 : i32
      %broadcast_in_dim3A_77 = vector.broadcast %jit3A_76 : i32 to vector<4x4096xi32>
      %select_n3A_78 = arith.select %eq3A_75, %iota3A, %broadcast_in_dim3A_77 : vector<4x4096xi1>, vector<4x4096xi32>
      %reduce_min3A = arith.constant dense<2147483647> : vector<4xi32>
      %reduce_min3A_79 = vector.multi_reduction <minsi>, %select_n3A_78, %reduce_min3A [1] : vector<4x4096xi32> to vector<4xi32>
      %broadcast_in_dim3A_80 = vector.shape_cast %reduce_min3A_79 : vector<4xi32> to vector<4x1xi32>
      scf.yield %min3A, %broadcast_in_dim3A_80, %select_n3A : vector<4x4096xf32>, vector<4x1xi32>, vector<4x1024xi32>
    }
    %scan3A_30 = arith.constant 1024 : i32
    %swap3A = arith.constant 0 : index
    %swap3A_31 = arith.constant 0 : index
    %swap3A_32 = arith.constant 0 : index
    %swap3A_33 = vector.load %arg4[%swap3A, %swap3A_31, %swap3A_32] : memref<1x4x1024xi32, #tpu.memory_space<vmem>>, vector<1x4x1024xi32>
    %swap3A_34 = vector.shape_cast %swap3A_33 : vector<1x4x1024xi32> to vector<4x1024xi32>
    %swap3A_35 = vector.shape_cast %scan3A_29#2 : vector<4x1024xi32> to vector<1x4x1024xi32>
    tpu.vector_store %arg4[%swap3A, %swap3A_31, %swap3A_32], %swap3A_35 {strides = array<i32>} : memref<1x4x1024xi32, #tpu.memory_space<vmem>>, vector<1x4x1024xi32>,
    return
  }
  func.func @transform_0(%arg0: i32) -> (i32, i32, i32) {
    %c0_i32 = arith.constant 0 : i32
    %c0_i32_0 = arith.constant 0 : i32
    %c0_i32_1 = arith.constant 0 : i32
    return %arg0, %c0_i32, %c0_i32_0 : i32, i32, i32
  }
  func.func @transform_1(%arg0: i32) -> (i32, i32, i32) {
    %c0_i32 = arith.constant 0 : i32
    %c0_i32_0 = arith.constant 0 : i32
    %c0_i32_1 = arith.constant 0 : i32
    return %arg0, %c0_i32, %c0_i32_0 : i32, i32, i32
  }
  func.func @transform_2(%arg0: i32) -> (i32, i32, i32) {
    %c0_i32 = arith.constant 0 : i32
    %c0_i32_0 = arith.constant 0 : i32
    %c0_i32_1 = arith.constant 0 : i32
    return %arg0, %c0_i32, %c0_i32_0 : i32, i32, i32
  }
  func.func @transform_3(%arg0: i32) -> (i32, i32, i32) {
    %c0_i32 = arith.constant 0 : i32
    %c0_i32_0 = arith.constant 0 : i32
    %c0_i32_1 = arith.constant 0 : i32
    return %arg0, %c0_i32, %c0_i32_0 : i32, i32, i32
  }
}

module attributes {stable_mosaic.version = 14 : i64} {
  func.func @_bq_body(%arg0: i32, %arg1: i32, %arg2: memref<1x256x3xf32, #tpu.memory_space<vmem>>, %arg3: memref<1x3x4096xf32, #tpu.memory_space<vmem>>, %arg4: memref<1x256x32xi32, #tpu.memory_space<vmem>>) attributes {dimension_semantics = [#tpu.dimension_semantics<parallel>, #tpu.dimension_semantics<parallel>], iteration_bounds = array<i64: 8, 4>, scalar_prefetch = 0 : i64, scratch_operands = 0 : i64, tpu.core_type = #tpu.core_type<tc>, window_params = [{transform_indices = @transform_0, window_bounds = array<i64: 1, 256, 3>}, {transform_indices = @transform_1, window_bounds = array<i64: 1, 3, 4096>}, {transform_indices = @transform_2, window_bounds = array<i64: 1, 256, 32>}]} {
    %get3A = arith.constant 0 : index
    %get3A_0 = arith.constant 0 : index
    %get3A_1 = arith.constant 0 : index
    %get3A_2 = vector.load %arg2[%get3A, %get3A_0, %get3A_1] : memref<1x256x3xf32, #tpu.memory_space<vmem>>, vector<1x256x3xf32>
    %get3A_3 = vector.shape_cast %get3A_2 : vector<1x256x3xf32> to vector<256x3xf32>
    %get3A_4 = arith.constant 0 : index
    %get3A_5 = arith.constant 0 : index
    %get3A_6 = arith.constant 0 : index
    %get3A_7 = vector.load %arg3[%get3A_4, %get3A_5, %get3A_6] : memref<1x3x4096xf32, #tpu.memory_space<vmem>>, vector<1x3x4096xf32>
    %get3A_8 = vector.shape_cast %get3A_7 : vector<1x3x4096xf32> to vector<3x4096xf32>
    %mul3A = arith.mulf %get3A_3, %get3A_3 : vector<256x3xf32>
    %reduce_sum3A = arith.constant dense<0.000000e+00> : vector<256xf32>
    %reduce_sum3A_9 = vector.multi_reduction <add>, %mul3A, %reduce_sum3A [1] : vector<256x3xf32> to vector<256xf32>
    %broadcast_in_dim3A = vector.shape_cast %reduce_sum3A_9 : vector<256xf32> to vector<256x1xf32>
    %mul3A_10 = arith.mulf %get3A_8, %get3A_8 : vector<3x4096xf32>
    %reduce_sum3A_11 = arith.constant dense<0.000000e+00> : vector<4096xf32>
    %reduce_sum3A_12 = vector.multi_reduction <add>, %mul3A_10, %reduce_sum3A_11 [0] : vector<3x4096xf32> to vector<4096xf32>
    %broadcast_in_dim3A_13 = vector.shape_cast %reduce_sum3A_12 : vector<4096xf32> to vector<1x4096xf32>
    %dot_general3A = arith.constant dense<0.000000e+00> : vector<256x4096xf32>
    %dot_general3A_14 = tpu.matmul %get3A_3, %get3A_8, %dot_general3A {dimension_numbers = #tpu.dot_dimension_numbers<[1], [0], [0], [1], [0, 0, 1, 1], [], []>, transpose_lhs_hint = false} : vector<256x3xf32>, vector<3x4096xf32>, vector<256x4096xf32> -> vector<256x4096xf32>
    %add3A = vector.broadcast %broadcast_in_dim3A : vector<256x1xf32> to vector<256x4096xf32>
    %add3A_15 = vector.broadcast %broadcast_in_dim3A_13 : vector<1x4096xf32> to vector<256x4096xf32>
    %add3A_16 = arith.addf %add3A, %add3A_15 : vector<256x4096xf32>
    %mul3A_17 = arith.constant 2.000000e+00 : f32
    %mul3A_18 = vector.broadcast %mul3A_17 : f32 to vector<256x4096xf32>
    %mul3A_19 = arith.mulf %mul3A_18, %dot_general3A_14 : vector<256x4096xf32>
    %sub3A = arith.subf %add3A_16, %mul3A_19 : vector<256x4096xf32>
    %iota3A = tpu.iota {dimensions = array<i32: 1>} : vector<256x4096xi32>
    %convert_element_type3A = arith.sitofp %iota3A : vector<256x4096xi32> to vector<256x4096xf32>
    %gt3A = arith.constant 9.000000e-02 : f32
    %gt3A_20 = vector.broadcast %gt3A : f32 to vector<256x4096xf32>
    %gt3A_21 = arith.cmpf ogt, %sub3A, %gt3A_20 : vector<256x4096xf32>
    %jit3A = arith.constant 4.096000e+03 : f32
    %broadcast_in_dim3A_22 = vector.broadcast %jit3A : f32 to vector<256x4096xf32>
    %select_n3A = arith.select %gt3A_21, %broadcast_in_dim3A_22, %convert_element_type3A : vector<256x4096xi1>, vector<256x4096xf32>
    %mul3A_23 = arith.constant 4096 : i32
    %mul3A_24 = arith.muli %arg0, %mul3A_23 : i32
    %reduce_min3A = arith.constant dense<0x7F800000> : vector<256xf32>
    %reduce_min3A_25 = vector.multi_reduction <minimumf>, %select_n3A, %reduce_min3A [1] : vector<256x4096xf32> to vector<256xf32>
    %broadcast_in_dim3A_26 = vector.shape_cast %reduce_min3A_25 : vector<256xf32> to vector<256x1xf32>
    %convert_element_type3A_27 = arith.fptosi %broadcast_in_dim3A_26 : vector<256x1xf32> to vector<256x1xi32>
    %add3A_28 = vector.broadcast %mul3A_24 : i32 to vector<256x1xi32>
    %add3A_29 = arith.addi %convert_element_type3A_27, %add3A_28 : vector<256x1xi32>
    %swap3A = arith.constant 0 : index
    %swap3A_30 = arith.constant 0 : index
    %swap3A_31 = arith.constant 0 : index
    %swap3A_32 = vector.load %arg4[%swap3A, %swap3A_30, %swap3A_31] : memref<1x256x32xi32, #tpu.memory_space<vmem>>, vector<1x256x1xi32>
    %swap3A_33 = vector.shape_cast %swap3A_32 : vector<1x256x1xi32> to vector<256x1xi32>
    %swap3A_34 = vector.shape_cast %add3A_29 : vector<256x1xi32> to vector<1x256x1xi32>
    tpu.vector_store %arg4[%swap3A, %swap3A_30, %swap3A_31], %swap3A_34 {strides = array<i32>} : memref<1x256x32xi32, #tpu.memory_space<vmem>>, vector<1x256x1xi32>,
    %eq3A = vector.broadcast %broadcast_in_dim3A_26 : vector<256x1xf32> to vector<256x4096xf32>
    %eq3A_35 = arith.cmpf oeq, %select_n3A, %eq3A : vector<256x4096xf32>
    %jit3A_36 = arith.constant 4.096000e+03 : f32
    %broadcast_in_dim3A_37 = vector.broadcast %jit3A_36 : f32 to vector<256x4096xf32>
    %select_n3A_38 = arith.select %eq3A_35, %broadcast_in_dim3A_37, %select_n3A : vector<256x4096xi1>, vector<256x4096xf32>
    %reduce_min3A_39 = arith.constant dense<0x7F800000> : vector<256xf32>
    %reduce_min3A_40 = vector.multi_reduction <minimumf>, %select_n3A_38, %reduce_min3A_39 [1] : vector<256x4096xf32> to vector<256xf32>
    %broadcast_in_dim3A_41 = vector.shape_cast %reduce_min3A_40 : vector<256xf32> to vector<256x1xf32>
    %eq3A_42 = arith.constant 4.096000e+03 : f32
    %eq3A_43 = vector.broadcast %eq3A_42 : f32 to vector<256x1xf32>
    %eq3A_44 = arith.cmpf oeq, %broadcast_in_dim3A_41, %eq3A_43 : vector<256x1xf32>
    %select_n3A_45 = arith.select %eq3A_44, %broadcast_in_dim3A_26, %broadcast_in_dim3A_41 : vector<256x1xi1>, vector<256x1xf32>
    %convert_element_type3A_46 = arith.fptosi %select_n3A_45 : vector<256x1xf32> to vector<256x1xi32>
    %add3A_47 = vector.broadcast %mul3A_24 : i32 to vector<256x1xi32>
    %add3A_48 = arith.addi %convert_element_type3A_46, %add3A_47 : vector<256x1xi32>
    %swap3A_49 = arith.constant 0 : index
    %swap3A_50 = arith.constant 0 : index
    %swap3A_51 = arith.constant 1 : index
    %swap3A_52 = vector.load %arg4[%swap3A_49, %swap3A_50, %swap3A_51] : memref<1x256x32xi32, #tpu.memory_space<vmem>>, vector<1x256x1xi32>
    %swap3A_53 = vector.shape_cast %swap3A_52 : vector<1x256x1xi32> to vector<256x1xi32>
    %swap3A_54 = vector.shape_cast %add3A_48 : vector<256x1xi32> to vector<1x256x1xi32>
    tpu.vector_store %arg4[%swap3A_49, %swap3A_50, %swap3A_51], %swap3A_54 {strides = array<i32>} : memref<1x256x32xi32, #tpu.memory_space<vmem>>, vector<1x256x1xi32>,
    %eq3A_55 = vector.broadcast %broadcast_in_dim3A_41 : vector<256x1xf32> to vector<256x4096xf32>
    %eq3A_56 = arith.cmpf oeq, %select_n3A_38, %eq3A_55 : vector<256x4096xf32>
    %jit3A_57 = arith.constant 4.096000e+03 : f32
    %broadcast_in_dim3A_58 = vector.broadcast %jit3A_57 : f32 to vector<256x4096xf32>
    %select_n3A_59 = arith.select %eq3A_56, %broadcast_in_dim3A_58, %select_n3A_38 : vector<256x4096xi1>, vector<256x4096xf32>
    %reduce_min3A_60 = arith.constant dense<0x7F800000> : vector<256xf32>
    %reduce_min3A_61 = vector.multi_reduction <minimumf>, %select_n3A_59, %reduce_min3A_60 [1] : vector<256x4096xf32> to vector<256xf32>
    %broadcast_in_dim3A_62 = vector.shape_cast %reduce_min3A_61 : vector<256xf32> to vector<256x1xf32>
    %eq3A_63 = arith.constant 4.096000e+03 : f32
    %eq3A_64 = vector.broadcast %eq3A_63 : f32 to vector<256x1xf32>
    %eq3A_65 = arith.cmpf oeq, %broadcast_in_dim3A_62, %eq3A_64 : vector<256x1xf32>
    %select_n3A_66 = arith.select %eq3A_65, %broadcast_in_dim3A_26, %broadcast_in_dim3A_62 : vector<256x1xi1>, vector<256x1xf32>
    %convert_element_type3A_67 = arith.fptosi %select_n3A_66 : vector<256x1xf32> to vector<256x1xi32>
    %add3A_68 = vector.broadcast %mul3A_24 : i32 to vector<256x1xi32>
    %add3A_69 = arith.addi %convert_element_type3A_67, %add3A_68 : vector<256x1xi32>
    %swap3A_70 = arith.constant 0 : index
    %swap3A_71 = arith.constant 0 : index
    %swap3A_72 = arith.constant 2 : index
    %swap3A_73 = vector.load %arg4[%swap3A_70, %swap3A_71, %swap3A_72] : memref<1x256x32xi32, #tpu.memory_space<vmem>>, vector<1x256x1xi32>
    %swap3A_74 = vector.shape_cast %swap3A_73 : vector<1x256x1xi32> to vector<256x1xi32>
    %swap3A_75 = vector.shape_cast %add3A_69 : vector<256x1xi32> to vector<1x256x1xi32>
    tpu.vector_store %arg4[%swap3A_70, %swap3A_71, %swap3A_72], %swap3A_75 {strides = array<i32>} : memref<1x256x32xi32, #tpu.memory_space<vmem>>, vector<1x256x1xi32>,
    %eq3A_76 = vector.broadcast %broadcast_in_dim3A_62 : vector<256x1xf32> to vector<256x4096xf32>
    %eq3A_77 = arith.cmpf oeq, %select_n3A_59, %eq3A_76 : vector<256x4096xf32>
    %jit3A_78 = arith.constant 4.096000e+03 : f32
    %broadcast_in_dim3A_79 = vector.broadcast %jit3A_78 : f32 to vector<256x4096xf32>
    %select_n3A_80 = arith.select %eq3A_77, %broadcast_in_dim3A_79, %select_n3A_59 : vector<256x4096xi1>, vector<256x4096xf32>
    %reduce_min3A_81 = arith.constant dense<0x7F800000> : vector<256xf32>
    %reduce_min3A_82 = vector.multi_reduction <minimumf>, %select_n3A_80, %reduce_min3A_81 [1] : vector<256x4096xf32> to vector<256xf32>
    %broadcast_in_dim3A_83 = vector.shape_cast %reduce_min3A_82 : vector<256xf32> to vector<256x1xf32>
    %eq3A_84 = arith.constant 4.096000e+03 : f32
    %eq3A_85 = vector.broadcast %eq3A_84 : f32 to vector<256x1xf32>
    %eq3A_86 = arith.cmpf oeq, %broadcast_in_dim3A_83, %eq3A_85 : vector<256x1xf32>
    %select_n3A_87 = arith.select %eq3A_86, %broadcast_in_dim3A_26, %broadcast_in_dim3A_83 : vector<256x1xi1>, vector<256x1xf32>
    %convert_element_type3A_88 = arith.fptosi %select_n3A_87 : vector<256x1xf32> to vector<256x1xi32>
    %add3A_89 = vector.broadcast %mul3A_24 : i32 to vector<256x1xi32>
    %add3A_90 = arith.addi %convert_element_type3A_88, %add3A_89 : vector<256x1xi32>
    %swap3A_91 = arith.constant 0 : index
    %swap3A_92 = arith.constant 0 : index
    %swap3A_93 = arith.constant 3 : index
    %swap3A_94 = vector.load %arg4[%swap3A_91, %swap3A_92, %swap3A_93] : memref<1x256x32xi32, #tpu.memory_space<vmem>>, vector<1x256x1xi32>
    %swap3A_95 = vector.shape_cast %swap3A_94 : vector<1x256x1xi32> to vector<256x1xi32>
    %swap3A_96 = vector.shape_cast %add3A_90 : vector<256x1xi32> to vector<1x256x1xi32>
    tpu.vector_store %arg4[%swap3A_91, %swap3A_92, %swap3A_93], %swap3A_96 {strides = array<i32>} : memref<1x256x32xi32, #tpu.memory_space<vmem>>, vector<1x256x1xi32>,
    %eq3A_97 = vector.broadcast %broadcast_in_dim3A_83 : vector<256x1xf32> to vector<256x4096xf32>
    %eq3A_98 = arith.cmpf oeq, %select_n3A_80, %eq3A_97 : vector<256x4096xf32>
    %jit3A_99 = arith.constant 4.096000e+03 : f32
    %broadcast_in_dim3A_100 = vector.broadcast %jit3A_99 : f32 to vector<256x4096xf32>
    %select_n3A_101 = arith.select %eq3A_98, %broadcast_in_dim3A_100, %select_n3A_80 : vector<256x4096xi1>, vector<256x4096xf32>
    %reduce_min3A_102 = arith.constant dense<0x7F800000> : vector<256xf32>
    %reduce_min3A_103 = vector.multi_reduction <minimumf>, %select_n3A_101, %reduce_min3A_102 [1] : vector<256x4096xf32> to vector<256xf32>
    %broadcast_in_dim3A_104 = vector.shape_cast %reduce_min3A_103 : vector<256xf32> to vector<256x1xf32>
    %eq3A_105 = arith.constant 4.096000e+03 : f32
    %eq3A_106 = vector.broadcast %eq3A_105 : f32 to vector<256x1xf32>
    %eq3A_107 = arith.cmpf oeq, %broadcast_in_dim3A_104, %eq3A_106 : vector<256x1xf32>
    %select_n3A_108 = arith.select %eq3A_107, %broadcast_in_dim3A_26, %broadcast_in_dim3A_104 : vector<256x1xi1>, vector<256x1xf32>
    %convert_element_type3A_109 = arith.fptosi %select_n3A_108 : vector<256x1xf32> to vector<256x1xi32>
    %add3A_110 = vector.broadcast %mul3A_24 : i32 to vector<256x1xi32>
    %add3A_111 = arith.addi %convert_element_type3A_109, %add3A_110 : vector<256x1xi32>
    %swap3A_112 = arith.constant 0 : index
    %swap3A_113 = arith.constant 0 : index
    %swap3A_114 = arith.constant 4 : index
    %swap3A_115 = vector.load %arg4[%swap3A_112, %swap3A_113, %swap3A_114] : memref<1x256x32xi32, #tpu.memory_space<vmem>>, vector<1x256x1xi32>
    %swap3A_116 = vector.shape_cast %swap3A_115 : vector<1x256x1xi32> to vector<256x1xi32>
    %swap3A_117 = vector.shape_cast %add3A_111 : vector<256x1xi32> to vector<1x256x1xi32>
    tpu.vector_store %arg4[%swap3A_112, %swap3A_113, %swap3A_114], %swap3A_117 {strides = array<i32>} : memref<1x256x32xi32, #tpu.memory_space<vmem>>, vector<1x256x1xi32>,
    %eq3A_118 = vector.broadcast %broadcast_in_dim3A_104 : vector<256x1xf32> to vector<256x4096xf32>
    %eq3A_119 = arith.cmpf oeq, %select_n3A_101, %eq3A_118 : vector<256x4096xf32>
    %jit3A_120 = arith.constant 4.096000e+03 : f32
    %broadcast_in_dim3A_121 = vector.broadcast %jit3A_120 : f32 to vector<256x4096xf32>
    %select_n3A_122 = arith.select %eq3A_119, %broadcast_in_dim3A_121, %select_n3A_101 : vector<256x4096xi1>, vector<256x4096xf32>
    %reduce_min3A_123 = arith.constant dense<0x7F800000> : vector<256xf32>
    %reduce_min3A_124 = vector.multi_reduction <minimumf>, %select_n3A_122, %reduce_min3A_123 [1] : vector<256x4096xf32> to vector<256xf32>
    %broadcast_in_dim3A_125 = vector.shape_cast %reduce_min3A_124 : vector<256xf32> to vector<256x1xf32>
    %eq3A_126 = arith.constant 4.096000e+03 : f32
    %eq3A_127 = vector.broadcast %eq3A_126 : f32 to vector<256x1xf32>
    %eq3A_128 = arith.cmpf oeq, %broadcast_in_dim3A_125, %eq3A_127 : vector<256x1xf32>
    %select_n3A_129 = arith.select %eq3A_128, %broadcast_in_dim3A_26, %broadcast_in_dim3A_125 : vector<256x1xi1>, vector<256x1xf32>
    %convert_element_type3A_130 = arith.fptosi %select_n3A_129 : vector<256x1xf32> to vector<256x1xi32>
    %add3A_131 = vector.broadcast %mul3A_24 : i32 to vector<256x1xi32>
    %add3A_132 = arith.addi %convert_element_type3A_130, %add3A_131 : vector<256x1xi32>
    %swap3A_133 = arith.constant 0 : index
    %swap3A_134 = arith.constant 0 : index
    %swap3A_135 = arith.constant 5 : index
    %swap3A_136 = vector.load %arg4[%swap3A_133, %swap3A_134, %swap3A_135] : memref<1x256x32xi32, #tpu.memory_space<vmem>>, vector<1x256x1xi32>
    %swap3A_137 = vector.shape_cast %swap3A_136 : vector<1x256x1xi32> to vector<256x1xi32>
    %swap3A_138 = vector.shape_cast %add3A_132 : vector<256x1xi32> to vector<1x256x1xi32>
    tpu.vector_store %arg4[%swap3A_133, %swap3A_134, %swap3A_135], %swap3A_138 {strides = array<i32>} : memref<1x256x32xi32, #tpu.memory_space<vmem>>, vector<1x256x1xi32>,
    %eq3A_139 = vector.broadcast %broadcast_in_dim3A_125 : vector<256x1xf32> to vector<256x4096xf32>
    %eq3A_140 = arith.cmpf oeq, %select_n3A_122, %eq3A_139 : vector<256x4096xf32>
    %jit3A_141 = arith.constant 4.096000e+03 : f32
    %broadcast_in_dim3A_142 = vector.broadcast %jit3A_141 : f32 to vector<256x4096xf32>
    %select_n3A_143 = arith.select %eq3A_140, %broadcast_in_dim3A_142, %select_n3A_122 : vector<256x4096xi1>, vector<256x4096xf32>
    %reduce_min3A_144 = arith.constant dense<0x7F800000> : vector<256xf32>
    %reduce_min3A_145 = vector.multi_reduction <minimumf>, %select_n3A_143, %reduce_min3A_144 [1] : vector<256x4096xf32> to vector<256xf32>
    %broadcast_in_dim3A_146 = vector.shape_cast %reduce_min3A_145 : vector<256xf32> to vector<256x1xf32>
    %eq3A_147 = arith.constant 4.096000e+03 : f32
    %eq3A_148 = vector.broadcast %eq3A_147 : f32 to vector<256x1xf32>
    %eq3A_149 = arith.cmpf oeq, %broadcast_in_dim3A_146, %eq3A_148 : vector<256x1xf32>
    %select_n3A_150 = arith.select %eq3A_149, %broadcast_in_dim3A_26, %broadcast_in_dim3A_146 : vector<256x1xi1>, vector<256x1xf32>
    %convert_element_type3A_151 = arith.fptosi %select_n3A_150 : vector<256x1xf32> to vector<256x1xi32>
    %add3A_152 = vector.broadcast %mul3A_24 : i32 to vector<256x1xi32>
    %add3A_153 = arith.addi %convert_element_type3A_151, %add3A_152 : vector<256x1xi32>
    %swap3A_154 = arith.constant 0 : index
    %swap3A_155 = arith.constant 0 : index
    %swap3A_156 = arith.constant 6 : index
    %swap3A_157 = vector.load %arg4[%swap3A_154, %swap3A_155, %swap3A_156] : memref<1x256x32xi32, #tpu.memory_space<vmem>>, vector<1x256x1xi32>
    %swap3A_158 = vector.shape_cast %swap3A_157 : vector<1x256x1xi32> to vector<256x1xi32>
    %swap3A_159 = vector.shape_cast %add3A_153 : vector<256x1xi32> to vector<1x256x1xi32>
    tpu.vector_store %arg4[%swap3A_154, %swap3A_155, %swap3A_156], %swap3A_159 {strides = array<i32>} : memref<1x256x32xi32, #tpu.memory_space<vmem>>, vector<1x256x1xi32>,
    %eq3A_160 = vector.broadcast %broadcast_in_dim3A_146 : vector<256x1xf32> to vector<256x4096xf32>
    %eq3A_161 = arith.cmpf oeq, %select_n3A_143, %eq3A_160 : vector<256x4096xf32>
    %jit3A_162 = arith.constant 4.096000e+03 : f32
    %broadcast_in_dim3A_163 = vector.broadcast %jit3A_162 : f32 to vector<256x4096xf32>
    %select_n3A_164 = arith.select %eq3A_161, %broadcast_in_dim3A_163, %select_n3A_143 : vector<256x4096xi1>, vector<256x4096xf32>
    %reduce_min3A_165 = arith.constant dense<0x7F800000> : vector<256xf32>
    %reduce_min3A_166 = vector.multi_reduction <minimumf>, %select_n3A_164, %reduce_min3A_165 [1] : vector<256x4096xf32> to vector<256xf32>
    %broadcast_in_dim3A_167 = vector.shape_cast %reduce_min3A_166 : vector<256xf32> to vector<256x1xf32>
    %eq3A_168 = arith.constant 4.096000e+03 : f32
    %eq3A_169 = vector.broadcast %eq3A_168 : f32 to vector<256x1xf32>
    %eq3A_170 = arith.cmpf oeq, %broadcast_in_dim3A_167, %eq3A_169 : vector<256x1xf32>
    %select_n3A_171 = arith.select %eq3A_170, %broadcast_in_dim3A_26, %broadcast_in_dim3A_167 : vector<256x1xi1>, vector<256x1xf32>
    %convert_element_type3A_172 = arith.fptosi %select_n3A_171 : vector<256x1xf32> to vector<256x1xi32>
    %add3A_173 = vector.broadcast %mul3A_24 : i32 to vector<256x1xi32>
    %add3A_174 = arith.addi %convert_element_type3A_172, %add3A_173 : vector<256x1xi32>
    %swap3A_175 = arith.constant 0 : index
    %swap3A_176 = arith.constant 0 : index
    %swap3A_177 = arith.constant 7 : index
    %swap3A_178 = vector.load %arg4[%swap3A_175, %swap3A_176, %swap3A_177] : memref<1x256x32xi32, #tpu.memory_space<vmem>>, vector<1x256x1xi32>
    %swap3A_179 = vector.shape_cast %swap3A_178 : vector<1x256x1xi32> to vector<256x1xi32>
    %swap3A_180 = vector.shape_cast %add3A_174 : vector<256x1xi32> to vector<1x256x1xi32>
    tpu.vector_store %arg4[%swap3A_175, %swap3A_176, %swap3A_177], %swap3A_180 {strides = array<i32>} : memref<1x256x32xi32, #tpu.memory_space<vmem>>, vector<1x256x1xi32>,
    %eq3A_181 = vector.broadcast %broadcast_in_dim3A_167 : vector<256x1xf32> to vector<256x4096xf32>
    %eq3A_182 = arith.cmpf oeq, %select_n3A_164, %eq3A_181 : vector<256x4096xf32>
    %jit3A_183 = arith.constant 4.096000e+03 : f32
    %broadcast_in_dim3A_184 = vector.broadcast %jit3A_183 : f32 to vector<256x4096xf32>
    %select_n3A_185 = arith.select %eq3A_182, %broadcast_in_dim3A_184, %select_n3A_164 : vector<256x4096xi1>, vector<256x4096xf32>
    %reduce_min3A_186 = arith.constant dense<0x7F800000> : vector<256xf32>
    %reduce_min3A_187 = vector.multi_reduction <minimumf>, %select_n3A_185, %reduce_min3A_186 [1] : vector<256x4096xf32> to vector<256xf32>
    %broadcast_in_dim3A_188 = vector.shape_cast %reduce_min3A_187 : vector<256xf32> to vector<256x1xf32>
    %eq3A_189 = arith.constant 4.096000e+03 : f32
    %eq3A_190 = vector.broadcast %eq3A_189 : f32 to vector<256x1xf32>
    %eq3A_191 = arith.cmpf oeq, %broadcast_in_dim3A_188, %eq3A_190 : vector<256x1xf32>
    %select_n3A_192 = arith.select %eq3A_191, %broadcast_in_dim3A_26, %broadcast_in_dim3A_188 : vector<256x1xi1>, vector<256x1xf32>
    %convert_element_type3A_193 = arith.fptosi %select_n3A_192 : vector<256x1xf32> to vector<256x1xi32>
    %add3A_194 = vector.broadcast %mul3A_24 : i32 to vector<256x1xi32>
    %add3A_195 = arith.addi %convert_element_type3A_193, %add3A_194 : vector<256x1xi32>
    %swap3A_196 = arith.constant 0 : index
    %swap3A_197 = arith.constant 0 : index
    %swap3A_198 = arith.constant 8 : index
    %swap3A_199 = vector.load %arg4[%swap3A_196, %swap3A_197, %swap3A_198] : memref<1x256x32xi32, #tpu.memory_space<vmem>>, vector<1x256x1xi32>
    %swap3A_200 = vector.shape_cast %swap3A_199 : vector<1x256x1xi32> to vector<256x1xi32>
    %swap3A_201 = vector.shape_cast %add3A_195 : vector<256x1xi32> to vector<1x256x1xi32>
    tpu.vector_store %arg4[%swap3A_196, %swap3A_197, %swap3A_198], %swap3A_201 {strides = array<i32>} : memref<1x256x32xi32, #tpu.memory_space<vmem>>, vector<1x256x1xi32>,
    %eq3A_202 = vector.broadcast %broadcast_in_dim3A_188 : vector<256x1xf32> to vector<256x4096xf32>
    %eq3A_203 = arith.cmpf oeq, %select_n3A_185, %eq3A_202 : vector<256x4096xf32>
    %jit3A_204 = arith.constant 4.096000e+03 : f32
    %broadcast_in_dim3A_205 = vector.broadcast %jit3A_204 : f32 to vector<256x4096xf32>
    %select_n3A_206 = arith.select %eq3A_203, %broadcast_in_dim3A_205, %select_n3A_185 : vector<256x4096xi1>, vector<256x4096xf32>
    %reduce_min3A_207 = arith.constant dense<0x7F800000> : vector<256xf32>
    %reduce_min3A_208 = vector.multi_reduction <minimumf>, %select_n3A_206, %reduce_min3A_207 [1] : vector<256x4096xf32> to vector<256xf32>
    %broadcast_in_dim3A_209 = vector.shape_cast %reduce_min3A_208 : vector<256xf32> to vector<256x1xf32>
    %eq3A_210 = arith.constant 4.096000e+03 : f32
    %eq3A_211 = vector.broadcast %eq3A_210 : f32 to vector<256x1xf32>
    %eq3A_212 = arith.cmpf oeq, %broadcast_in_dim3A_209, %eq3A_211 : vector<256x1xf32>
    %select_n3A_213 = arith.select %eq3A_212, %broadcast_in_dim3A_26, %broadcast_in_dim3A_209 : vector<256x1xi1>, vector<256x1xf32>
    %convert_element_type3A_214 = arith.fptosi %select_n3A_213 : vector<256x1xf32> to vector<256x1xi32>
    %add3A_215 = vector.broadcast %mul3A_24 : i32 to vector<256x1xi32>
    %add3A_216 = arith.addi %convert_element_type3A_214, %add3A_215 : vector<256x1xi32>
    %swap3A_217 = arith.constant 0 : index
    %swap3A_218 = arith.constant 0 : index
    %swap3A_219 = arith.constant 9 : index
    %swap3A_220 = vector.load %arg4[%swap3A_217, %swap3A_218, %swap3A_219] : memref<1x256x32xi32, #tpu.memory_space<vmem>>, vector<1x256x1xi32>
    %swap3A_221 = vector.shape_cast %swap3A_220 : vector<1x256x1xi32> to vector<256x1xi32>
    %swap3A_222 = vector.shape_cast %add3A_216 : vector<256x1xi32> to vector<1x256x1xi32>
    tpu.vector_store %arg4[%swap3A_217, %swap3A_218, %swap3A_219], %swap3A_222 {strides = array<i32>} : memref<1x256x32xi32, #tpu.memory_space<vmem>>, vector<1x256x1xi32>,
    %eq3A_223 = vector.broadcast %broadcast_in_dim3A_209 : vector<256x1xf32> to vector<256x4096xf32>
    %eq3A_224 = arith.cmpf oeq, %select_n3A_206, %eq3A_223 : vector<256x4096xf32>
    %jit3A_225 = arith.constant 4.096000e+03 : f32
    %broadcast_in_dim3A_226 = vector.broadcast %jit3A_225 : f32 to vector<256x4096xf32>
    %select_n3A_227 = arith.select %eq3A_224, %broadcast_in_dim3A_226, %select_n3A_206 : vector<256x4096xi1>, vector<256x4096xf32>
    %reduce_min3A_228 = arith.constant dense<0x7F800000> : vector<256xf32>
    %reduce_min3A_229 = vector.multi_reduction <minimumf>, %select_n3A_227, %reduce_min3A_228 [1] : vector<256x4096xf32> to vector<256xf32>
    %broadcast_in_dim3A_230 = vector.shape_cast %reduce_min3A_229 : vector<256xf32> to vector<256x1xf32>
    %eq3A_231 = arith.constant 4.096000e+03 : f32
    %eq3A_232 = vector.broadcast %eq3A_231 : f32 to vector<256x1xf32>
    %eq3A_233 = arith.cmpf oeq, %broadcast_in_dim3A_230, %eq3A_232 : vector<256x1xf32>
    %select_n3A_234 = arith.select %eq3A_233, %broadcast_in_dim3A_26, %broadcast_in_dim3A_230 : vector<256x1xi1>, vector<256x1xf32>
    %convert_element_type3A_235 = arith.fptosi %select_n3A_234 : vector<256x1xf32> to vector<256x1xi32>
    %add3A_236 = vector.broadcast %mul3A_24 : i32 to vector<256x1xi32>
    %add3A_237 = arith.addi %convert_element_type3A_235, %add3A_236 : vector<256x1xi32>
    %swap3A_238 = arith.constant 0 : index
    %swap3A_239 = arith.constant 0 : index
    %swap3A_240 = arith.constant 10 : index
    %swap3A_241 = vector.load %arg4[%swap3A_238, %swap3A_239, %swap3A_240] : memref<1x256x32xi32, #tpu.memory_space<vmem>>, vector<1x256x1xi32>
    %swap3A_242 = vector.shape_cast %swap3A_241 : vector<1x256x1xi32> to vector<256x1xi32>
    %swap3A_243 = vector.shape_cast %add3A_237 : vector<256x1xi32> to vector<1x256x1xi32>
    tpu.vector_store %arg4[%swap3A_238, %swap3A_239, %swap3A_240], %swap3A_243 {strides = array<i32>} : memref<1x256x32xi32, #tpu.memory_space<vmem>>, vector<1x256x1xi32>,
    %eq3A_244 = vector.broadcast %broadcast_in_dim3A_230 : vector<256x1xf32> to vector<256x4096xf32>
    %eq3A_245 = arith.cmpf oeq, %select_n3A_227, %eq3A_244 : vector<256x4096xf32>
    %jit3A_246 = arith.constant 4.096000e+03 : f32
    %broadcast_in_dim3A_247 = vector.broadcast %jit3A_246 : f32 to vector<256x4096xf32>
    %select_n3A_248 = arith.select %eq3A_245, %broadcast_in_dim3A_247, %select_n3A_227 : vector<256x4096xi1>, vector<256x4096xf32>
    %reduce_min3A_249 = arith.constant dense<0x7F800000> : vector<256xf32>
    %reduce_min3A_250 = vector.multi_reduction <minimumf>, %select_n3A_248, %reduce_min3A_249 [1] : vector<256x4096xf32> to vector<256xf32>
    %broadcast_in_dim3A_251 = vector.shape_cast %reduce_min3A_250 : vector<256xf32> to vector<256x1xf32>
    %eq3A_252 = arith.constant 4.096000e+03 : f32
    %eq3A_253 = vector.broadcast %eq3A_252 : f32 to vector<256x1xf32>
    %eq3A_254 = arith.cmpf oeq, %broadcast_in_dim3A_251, %eq3A_253 : vector<256x1xf32>
    %select_n3A_255 = arith.select %eq3A_254, %broadcast_in_dim3A_26, %broadcast_in_dim3A_251 : vector<256x1xi1>, vector<256x1xf32>
    %convert_element_type3A_256 = arith.fptosi %select_n3A_255 : vector<256x1xf32> to vector<256x1xi32>
    %add3A_257 = vector.broadcast %mul3A_24 : i32 to vector<256x1xi32>
    %add3A_258 = arith.addi %convert_element_type3A_256, %add3A_257 : vector<256x1xi32>
    %swap3A_259 = arith.constant 0 : index
    %swap3A_260 = arith.constant 0 : index
    %swap3A_261 = arith.constant 11 : index
    %swap3A_262 = vector.load %arg4[%swap3A_259, %swap3A_260, %swap3A_261] : memref<1x256x32xi32, #tpu.memory_space<vmem>>, vector<1x256x1xi32>
    %swap3A_263 = vector.shape_cast %swap3A_262 : vector<1x256x1xi32> to vector<256x1xi32>
    %swap3A_264 = vector.shape_cast %add3A_258 : vector<256x1xi32> to vector<1x256x1xi32>
    tpu.vector_store %arg4[%swap3A_259, %swap3A_260, %swap3A_261], %swap3A_264 {strides = array<i32>} : memref<1x256x32xi32, #tpu.memory_space<vmem>>, vector<1x256x1xi32>,
    %eq3A_265 = vector.broadcast %broadcast_in_dim3A_251 : vector<256x1xf32> to vector<256x4096xf32>
    %eq3A_266 = arith.cmpf oeq, %select_n3A_248, %eq3A_265 : vector<256x4096xf32>
    %jit3A_267 = arith.constant 4.096000e+03 : f32
    %broadcast_in_dim3A_268 = vector.broadcast %jit3A_267 : f32 to vector<256x4096xf32>
    %select_n3A_269 = arith.select %eq3A_266, %broadcast_in_dim3A_268, %select_n3A_248 : vector<256x4096xi1>, vector<256x4096xf32>
    %reduce_min3A_270 = arith.constant dense<0x7F800000> : vector<256xf32>
    %reduce_min3A_271 = vector.multi_reduction <minimumf>, %select_n3A_269, %reduce_min3A_270 [1] : vector<256x4096xf32> to vector<256xf32>
    %broadcast_in_dim3A_272 = vector.shape_cast %reduce_min3A_271 : vector<256xf32> to vector<256x1xf32>
    %eq3A_273 = arith.constant 4.096000e+03 : f32
    %eq3A_274 = vector.broadcast %eq3A_273 : f32 to vector<256x1xf32>
    %eq3A_275 = arith.cmpf oeq, %broadcast_in_dim3A_272, %eq3A_274 : vector<256x1xf32>
    %select_n3A_276 = arith.select %eq3A_275, %broadcast_in_dim3A_26, %broadcast_in_dim3A_272 : vector<256x1xi1>, vector<256x1xf32>
    %convert_element_type3A_277 = arith.fptosi %select_n3A_276 : vector<256x1xf32> to vector<256x1xi32>
    %add3A_278 = vector.broadcast %mul3A_24 : i32 to vector<256x1xi32>
    %add3A_279 = arith.addi %convert_element_type3A_277, %add3A_278 : vector<256x1xi32>
    %swap3A_280 = arith.constant 0 : index
    %swap3A_281 = arith.constant 0 : index
    %swap3A_282 = arith.constant 12 : index
    %swap3A_283 = vector.load %arg4[%swap3A_280, %swap3A_281, %swap3A_282] : memref<1x256x32xi32, #tpu.memory_space<vmem>>, vector<1x256x1xi32>
    %swap3A_284 = vector.shape_cast %swap3A_283 : vector<1x256x1xi32> to vector<256x1xi32>
    %swap3A_285 = vector.shape_cast %add3A_279 : vector<256x1xi32> to vector<1x256x1xi32>
    tpu.vector_store %arg4[%swap3A_280, %swap3A_281, %swap3A_282], %swap3A_285 {strides = array<i32>} : memref<1x256x32xi32, #tpu.memory_space<vmem>>, vector<1x256x1xi32>,
    %eq3A_286 = vector.broadcast %broadcast_in_dim3A_272 : vector<256x1xf32> to vector<256x4096xf32>
    %eq3A_287 = arith.cmpf oeq, %select_n3A_269, %eq3A_286 : vector<256x4096xf32>
    %jit3A_288 = arith.constant 4.096000e+03 : f32
    %broadcast_in_dim3A_289 = vector.broadcast %jit3A_288 : f32 to vector<256x4096xf32>
    %select_n3A_290 = arith.select %eq3A_287, %broadcast_in_dim3A_289, %select_n3A_269 : vector<256x4096xi1>, vector<256x4096xf32>
    %reduce_min3A_291 = arith.constant dense<0x7F800000> : vector<256xf32>
    %reduce_min3A_292 = vector.multi_reduction <minimumf>, %select_n3A_290, %reduce_min3A_291 [1] : vector<256x4096xf32> to vector<256xf32>
    %broadcast_in_dim3A_293 = vector.shape_cast %reduce_min3A_292 : vector<256xf32> to vector<256x1xf32>
    %eq3A_294 = arith.constant 4.096000e+03 : f32
    %eq3A_295 = vector.broadcast %eq3A_294 : f32 to vector<256x1xf32>
    %eq3A_296 = arith.cmpf oeq, %broadcast_in_dim3A_293, %eq3A_295 : vector<256x1xf32>
    %select_n3A_297 = arith.select %eq3A_296, %broadcast_in_dim3A_26, %broadcast_in_dim3A_293 : vector<256x1xi1>, vector<256x1xf32>
    %convert_element_type3A_298 = arith.fptosi %select_n3A_297 : vector<256x1xf32> to vector<256x1xi32>
    %add3A_299 = vector.broadcast %mul3A_24 : i32 to vector<256x1xi32>
    %add3A_300 = arith.addi %convert_element_type3A_298, %add3A_299 : vector<256x1xi32>
    %swap3A_301 = arith.constant 0 : index
    %swap3A_302 = arith.constant 0 : index
    %swap3A_303 = arith.constant 13 : index
    %swap3A_304 = vector.load %arg4[%swap3A_301, %swap3A_302, %swap3A_303] : memref<1x256x32xi32, #tpu.memory_space<vmem>>, vector<1x256x1xi32>
    %swap3A_305 = vector.shape_cast %swap3A_304 : vector<1x256x1xi32> to vector<256x1xi32>
    %swap3A_306 = vector.shape_cast %add3A_300 : vector<256x1xi32> to vector<1x256x1xi32>
    tpu.vector_store %arg4[%swap3A_301, %swap3A_302, %swap3A_303], %swap3A_306 {strides = array<i32>} : memref<1x256x32xi32, #tpu.memory_space<vmem>>, vector<1x256x1xi32>,
    %eq3A_307 = vector.broadcast %broadcast_in_dim3A_293 : vector<256x1xf32> to vector<256x4096xf32>
    %eq3A_308 = arith.cmpf oeq, %select_n3A_290, %eq3A_307 : vector<256x4096xf32>
    %jit3A_309 = arith.constant 4.096000e+03 : f32
    %broadcast_in_dim3A_310 = vector.broadcast %jit3A_309 : f32 to vector<256x4096xf32>
    %select_n3A_311 = arith.select %eq3A_308, %broadcast_in_dim3A_310, %select_n3A_290 : vector<256x4096xi1>, vector<256x4096xf32>
    %reduce_min3A_312 = arith.constant dense<0x7F800000> : vector<256xf32>
    %reduce_min3A_313 = vector.multi_reduction <minimumf>, %select_n3A_311, %reduce_min3A_312 [1] : vector<256x4096xf32> to vector<256xf32>
    %broadcast_in_dim3A_314 = vector.shape_cast %reduce_min3A_313 : vector<256xf32> to vector<256x1xf32>
    %eq3A_315 = arith.constant 4.096000e+03 : f32
    %eq3A_316 = vector.broadcast %eq3A_315 : f32 to vector<256x1xf32>
    %eq3A_317 = arith.cmpf oeq, %broadcast_in_dim3A_314, %eq3A_316 : vector<256x1xf32>
    %select_n3A_318 = arith.select %eq3A_317, %broadcast_in_dim3A_26, %broadcast_in_dim3A_314 : vector<256x1xi1>, vector<256x1xf32>
    %convert_element_type3A_319 = arith.fptosi %select_n3A_318 : vector<256x1xf32> to vector<256x1xi32>
    %add3A_320 = vector.broadcast %mul3A_24 : i32 to vector<256x1xi32>
    %add3A_321 = arith.addi %convert_element_type3A_319, %add3A_320 : vector<256x1xi32>
    %swap3A_322 = arith.constant 0 : index
    %swap3A_323 = arith.constant 0 : index
    %swap3A_324 = arith.constant 14 : index
    %swap3A_325 = vector.load %arg4[%swap3A_322, %swap3A_323, %swap3A_324] : memref<1x256x32xi32, #tpu.memory_space<vmem>>, vector<1x256x1xi32>
    %swap3A_326 = vector.shape_cast %swap3A_325 : vector<1x256x1xi32> to vector<256x1xi32>
    %swap3A_327 = vector.shape_cast %add3A_321 : vector<256x1xi32> to vector<1x256x1xi32>
    tpu.vector_store %arg4[%swap3A_322, %swap3A_323, %swap3A_324], %swap3A_327 {strides = array<i32>} : memref<1x256x32xi32, #tpu.memory_space<vmem>>, vector<1x256x1xi32>,
    %eq3A_328 = vector.broadcast %broadcast_in_dim3A_314 : vector<256x1xf32> to vector<256x4096xf32>
    %eq3A_329 = arith.cmpf oeq, %select_n3A_311, %eq3A_328 : vector<256x4096xf32>
    %jit3A_330 = arith.constant 4.096000e+03 : f32
    %broadcast_in_dim3A_331 = vector.broadcast %jit3A_330 : f32 to vector<256x4096xf32>
    %select_n3A_332 = arith.select %eq3A_329, %broadcast_in_dim3A_331, %select_n3A_311 : vector<256x4096xi1>, vector<256x4096xf32>
    %reduce_min3A_333 = arith.constant dense<0x7F800000> : vector<256xf32>
    %reduce_min3A_334 = vector.multi_reduction <minimumf>, %select_n3A_332, %reduce_min3A_333 [1] : vector<256x4096xf32> to vector<256xf32>
    %broadcast_in_dim3A_335 = vector.shape_cast %reduce_min3A_334 : vector<256xf32> to vector<256x1xf32>
    %eq3A_336 = arith.constant 4.096000e+03 : f32
    %eq3A_337 = vector.broadcast %eq3A_336 : f32 to vector<256x1xf32>
    %eq3A_338 = arith.cmpf oeq, %broadcast_in_dim3A_335, %eq3A_337 : vector<256x1xf32>
    %select_n3A_339 = arith.select %eq3A_338, %broadcast_in_dim3A_26, %broadcast_in_dim3A_335 : vector<256x1xi1>, vector<256x1xf32>
    %convert_element_type3A_340 = arith.fptosi %select_n3A_339 : vector<256x1xf32> to vector<256x1xi32>
    %add3A_341 = vector.broadcast %mul3A_24 : i32 to vector<256x1xi32>
    %add3A_342 = arith.addi %convert_element_type3A_340, %add3A_341 : vector<256x1xi32>
    %swap3A_343 = arith.constant 0 : index
    %swap3A_344 = arith.constant 0 : index
    %swap3A_345 = arith.constant 15 : index
    %swap3A_346 = vector.load %arg4[%swap3A_343, %swap3A_344, %swap3A_345] : memref<1x256x32xi32, #tpu.memory_space<vmem>>, vector<1x256x1xi32>
    %swap3A_347 = vector.shape_cast %swap3A_346 : vector<1x256x1xi32> to vector<256x1xi32>
    %swap3A_348 = vector.shape_cast %add3A_342 : vector<256x1xi32> to vector<1x256x1xi32>
    tpu.vector_store %arg4[%swap3A_343, %swap3A_344, %swap3A_345], %swap3A_348 {strides = array<i32>} : memref<1x256x32xi32, #tpu.memory_space<vmem>>, vector<1x256x1xi32>,
    %eq3A_349 = vector.broadcast %broadcast_in_dim3A_335 : vector<256x1xf32> to vector<256x4096xf32>
    %eq3A_350 = arith.cmpf oeq, %select_n3A_332, %eq3A_349 : vector<256x4096xf32>
    %jit3A_351 = arith.constant 4.096000e+03 : f32
    %broadcast_in_dim3A_352 = vector.broadcast %jit3A_351 : f32 to vector<256x4096xf32>
    %select_n3A_353 = arith.select %eq3A_350, %broadcast_in_dim3A_352, %select_n3A_332 : vector<256x4096xi1>, vector<256x4096xf32>
    %reduce_min3A_354 = arith.constant dense<0x7F800000> : vector<256xf32>
    %reduce_min3A_355 = vector.multi_reduction <minimumf>, %select_n3A_353, %reduce_min3A_354 [1] : vector<256x4096xf32> to vector<256xf32>
    %broadcast_in_dim3A_356 = vector.shape_cast %reduce_min3A_355 : vector<256xf32> to vector<256x1xf32>
    %eq3A_357 = arith.constant 4.096000e+03 : f32
    %eq3A_358 = vector.broadcast %eq3A_357 : f32 to vector<256x1xf32>
    %eq3A_359 = arith.cmpf oeq, %broadcast_in_dim3A_356, %eq3A_358 : vector<256x1xf32>
    %select_n3A_360 = arith.select %eq3A_359, %broadcast_in_dim3A_26, %broadcast_in_dim3A_356 : vector<256x1xi1>, vector<256x1xf32>
    %convert_element_type3A_361 = arith.fptosi %select_n3A_360 : vector<256x1xf32> to vector<256x1xi32>
    %add3A_362 = vector.broadcast %mul3A_24 : i32 to vector<256x1xi32>
    %add3A_363 = arith.addi %convert_element_type3A_361, %add3A_362 : vector<256x1xi32>
    %swap3A_364 = arith.constant 0 : index
    %swap3A_365 = arith.constant 0 : index
    %swap3A_366 = arith.constant 16 : index
    %swap3A_367 = vector.load %arg4[%swap3A_364, %swap3A_365, %swap3A_366] : memref<1x256x32xi32, #tpu.memory_space<vmem>>, vector<1x256x1xi32>
    %swap3A_368 = vector.shape_cast %swap3A_367 : vector<1x256x1xi32> to vector<256x1xi32>
    %swap3A_369 = vector.shape_cast %add3A_363 : vector<256x1xi32> to vector<1x256x1xi32>
    tpu.vector_store %arg4[%swap3A_364, %swap3A_365, %swap3A_366], %swap3A_369 {strides = array<i32>} : memref<1x256x32xi32, #tpu.memory_space<vmem>>, vector<1x256x1xi32>,
    %eq3A_370 = vector.broadcast %broadcast_in_dim3A_356 : vector<256x1xf32> to vector<256x4096xf32>
    %eq3A_371 = arith.cmpf oeq, %select_n3A_353, %eq3A_370 : vector<256x4096xf32>
    %jit3A_372 = arith.constant 4.096000e+03 : f32
    %broadcast_in_dim3A_373 = vector.broadcast %jit3A_372 : f32 to vector<256x4096xf32>
    %select_n3A_374 = arith.select %eq3A_371, %broadcast_in_dim3A_373, %select_n3A_353 : vector<256x4096xi1>, vector<256x4096xf32>
    %reduce_min3A_375 = arith.constant dense<0x7F800000> : vector<256xf32>
    %reduce_min3A_376 = vector.multi_reduction <minimumf>, %select_n3A_374, %reduce_min3A_375 [1] : vector<256x4096xf32> to vector<256xf32>
    %broadcast_in_dim3A_377 = vector.shape_cast %reduce_min3A_376 : vector<256xf32> to vector<256x1xf32>
    %eq3A_378 = arith.constant 4.096000e+03 : f32
    %eq3A_379 = vector.broadcast %eq3A_378 : f32 to vector<256x1xf32>
    %eq3A_380 = arith.cmpf oeq, %broadcast_in_dim3A_377, %eq3A_379 : vector<256x1xf32>
    %select_n3A_381 = arith.select %eq3A_380, %broadcast_in_dim3A_26, %broadcast_in_dim3A_377 : vector<256x1xi1>, vector<256x1xf32>
    %convert_element_type3A_382 = arith.fptosi %select_n3A_381 : vector<256x1xf32> to vector<256x1xi32>
    %add3A_383 = vector.broadcast %mul3A_24 : i32 to vector<256x1xi32>
    %add3A_384 = arith.addi %convert_element_type3A_382, %add3A_383 : vector<256x1xi32>
    %swap3A_385 = arith.constant 0 : index
    %swap3A_386 = arith.constant 0 : index
    %swap3A_387 = arith.constant 17 : index
    %swap3A_388 = vector.load %arg4[%swap3A_385, %swap3A_386, %swap3A_387] : memref<1x256x32xi32, #tpu.memory_space<vmem>>, vector<1x256x1xi32>
    %swap3A_389 = vector.shape_cast %swap3A_388 : vector<1x256x1xi32> to vector<256x1xi32>
    %swap3A_390 = vector.shape_cast %add3A_384 : vector<256x1xi32> to vector<1x256x1xi32>
    tpu.vector_store %arg4[%swap3A_385, %swap3A_386, %swap3A_387], %swap3A_390 {strides = array<i32>} : memref<1x256x32xi32, #tpu.memory_space<vmem>>, vector<1x256x1xi32>,
    %eq3A_391 = vector.broadcast %broadcast_in_dim3A_377 : vector<256x1xf32> to vector<256x4096xf32>
    %eq3A_392 = arith.cmpf oeq, %select_n3A_374, %eq3A_391 : vector<256x4096xf32>
    %jit3A_393 = arith.constant 4.096000e+03 : f32
    %broadcast_in_dim3A_394 = vector.broadcast %jit3A_393 : f32 to vector<256x4096xf32>
    %select_n3A_395 = arith.select %eq3A_392, %broadcast_in_dim3A_394, %select_n3A_374 : vector<256x4096xi1>, vector<256x4096xf32>
    %reduce_min3A_396 = arith.constant dense<0x7F800000> : vector<256xf32>
    %reduce_min3A_397 = vector.multi_reduction <minimumf>, %select_n3A_395, %reduce_min3A_396 [1] : vector<256x4096xf32> to vector<256xf32>
    %broadcast_in_dim3A_398 = vector.shape_cast %reduce_min3A_397 : vector<256xf32> to vector<256x1xf32>
    %eq3A_399 = arith.constant 4.096000e+03 : f32
    %eq3A_400 = vector.broadcast %eq3A_399 : f32 to vector<256x1xf32>
    %eq3A_401 = arith.cmpf oeq, %broadcast_in_dim3A_398, %eq3A_400 : vector<256x1xf32>
    %select_n3A_402 = arith.select %eq3A_401, %broadcast_in_dim3A_26, %broadcast_in_dim3A_398 : vector<256x1xi1>, vector<256x1xf32>
    %convert_element_type3A_403 = arith.fptosi %select_n3A_402 : vector<256x1xf32> to vector<256x1xi32>
    %add3A_404 = vector.broadcast %mul3A_24 : i32 to vector<256x1xi32>
    %add3A_405 = arith.addi %convert_element_type3A_403, %add3A_404 : vector<256x1xi32>
    %swap3A_406 = arith.constant 0 : index
    %swap3A_407 = arith.constant 0 : index
    %swap3A_408 = arith.constant 18 : index
    %swap3A_409 = vector.load %arg4[%swap3A_406, %swap3A_407, %swap3A_408] : memref<1x256x32xi32, #tpu.memory_space<vmem>>, vector<1x256x1xi32>
    %swap3A_410 = vector.shape_cast %swap3A_409 : vector<1x256x1xi32> to vector<256x1xi32>
    %swap3A_411 = vector.shape_cast %add3A_405 : vector<256x1xi32> to vector<1x256x1xi32>
    tpu.vector_store %arg4[%swap3A_406, %swap3A_407, %swap3A_408], %swap3A_411 {strides = array<i32>} : memref<1x256x32xi32, #tpu.memory_space<vmem>>, vector<1x256x1xi32>,
    %eq3A_412 = vector.broadcast %broadcast_in_dim3A_398 : vector<256x1xf32> to vector<256x4096xf32>
    %eq3A_413 = arith.cmpf oeq, %select_n3A_395, %eq3A_412 : vector<256x4096xf32>
    %jit3A_414 = arith.constant 4.096000e+03 : f32
    %broadcast_in_dim3A_415 = vector.broadcast %jit3A_414 : f32 to vector<256x4096xf32>
    %select_n3A_416 = arith.select %eq3A_413, %broadcast_in_dim3A_415, %select_n3A_395 : vector<256x4096xi1>, vector<256x4096xf32>
    %reduce_min3A_417 = arith.constant dense<0x7F800000> : vector<256xf32>
    %reduce_min3A_418 = vector.multi_reduction <minimumf>, %select_n3A_416, %reduce_min3A_417 [1] : vector<256x4096xf32> to vector<256xf32>
    %broadcast_in_dim3A_419 = vector.shape_cast %reduce_min3A_418 : vector<256xf32> to vector<256x1xf32>
    %eq3A_420 = arith.constant 4.096000e+03 : f32
    %eq3A_421 = vector.broadcast %eq3A_420 : f32 to vector<256x1xf32>
    %eq3A_422 = arith.cmpf oeq, %broadcast_in_dim3A_419, %eq3A_421 : vector<256x1xf32>
    %select_n3A_423 = arith.select %eq3A_422, %broadcast_in_dim3A_26, %broadcast_in_dim3A_419 : vector<256x1xi1>, vector<256x1xf32>
    %convert_element_type3A_424 = arith.fptosi %select_n3A_423 : vector<256x1xf32> to vector<256x1xi32>
    %add3A_425 = vector.broadcast %mul3A_24 : i32 to vector<256x1xi32>
    %add3A_426 = arith.addi %convert_element_type3A_424, %add3A_425 : vector<256x1xi32>
    %swap3A_427 = arith.constant 0 : index
    %swap3A_428 = arith.constant 0 : index
    %swap3A_429 = arith.constant 19 : index
    %swap3A_430 = vector.load %arg4[%swap3A_427, %swap3A_428, %swap3A_429] : memref<1x256x32xi32, #tpu.memory_space<vmem>>, vector<1x256x1xi32>
    %swap3A_431 = vector.shape_cast %swap3A_430 : vector<1x256x1xi32> to vector<256x1xi32>
    %swap3A_432 = vector.shape_cast %add3A_426 : vector<256x1xi32> to vector<1x256x1xi32>
    tpu.vector_store %arg4[%swap3A_427, %swap3A_428, %swap3A_429], %swap3A_432 {strides = array<i32>} : memref<1x256x32xi32, #tpu.memory_space<vmem>>, vector<1x256x1xi32>,
    %eq3A_433 = vector.broadcast %broadcast_in_dim3A_419 : vector<256x1xf32> to vector<256x4096xf32>
    %eq3A_434 = arith.cmpf oeq, %select_n3A_416, %eq3A_433 : vector<256x4096xf32>
    %jit3A_435 = arith.constant 4.096000e+03 : f32
    %broadcast_in_dim3A_436 = vector.broadcast %jit3A_435 : f32 to vector<256x4096xf32>
    %select_n3A_437 = arith.select %eq3A_434, %broadcast_in_dim3A_436, %select_n3A_416 : vector<256x4096xi1>, vector<256x4096xf32>
    %reduce_min3A_438 = arith.constant dense<0x7F800000> : vector<256xf32>
    %reduce_min3A_439 = vector.multi_reduction <minimumf>, %select_n3A_437, %reduce_min3A_438 [1] : vector<256x4096xf32> to vector<256xf32>
    %broadcast_in_dim3A_440 = vector.shape_cast %reduce_min3A_439 : vector<256xf32> to vector<256x1xf32>
    %eq3A_441 = arith.constant 4.096000e+03 : f32
    %eq3A_442 = vector.broadcast %eq3A_441 : f32 to vector<256x1xf32>
    %eq3A_443 = arith.cmpf oeq, %broadcast_in_dim3A_440, %eq3A_442 : vector<256x1xf32>
    %select_n3A_444 = arith.select %eq3A_443, %broadcast_in_dim3A_26, %broadcast_in_dim3A_440 : vector<256x1xi1>, vector<256x1xf32>
    %convert_element_type3A_445 = arith.fptosi %select_n3A_444 : vector<256x1xf32> to vector<256x1xi32>
    %add3A_446 = vector.broadcast %mul3A_24 : i32 to vector<256x1xi32>
    %add3A_447 = arith.addi %convert_element_type3A_445, %add3A_446 : vector<256x1xi32>
    %swap3A_448 = arith.constant 0 : index
    %swap3A_449 = arith.constant 0 : index
    %swap3A_450 = arith.constant 20 : index
    %swap3A_451 = vector.load %arg4[%swap3A_448, %swap3A_449, %swap3A_450] : memref<1x256x32xi32, #tpu.memory_space<vmem>>, vector<1x256x1xi32>
    %swap3A_452 = vector.shape_cast %swap3A_451 : vector<1x256x1xi32> to vector<256x1xi32>
    %swap3A_453 = vector.shape_cast %add3A_447 : vector<256x1xi32> to vector<1x256x1xi32>
    tpu.vector_store %arg4[%swap3A_448, %swap3A_449, %swap3A_450], %swap3A_453 {strides = array<i32>} : memref<1x256x32xi32, #tpu.memory_space<vmem>>, vector<1x256x1xi32>,
    %eq3A_454 = vector.broadcast %broadcast_in_dim3A_440 : vector<256x1xf32> to vector<256x4096xf32>
    %eq3A_455 = arith.cmpf oeq, %select_n3A_437, %eq3A_454 : vector<256x4096xf32>
    %jit3A_456 = arith.constant 4.096000e+03 : f32
    %broadcast_in_dim3A_457 = vector.broadcast %jit3A_456 : f32 to vector<256x4096xf32>
    %select_n3A_458 = arith.select %eq3A_455, %broadcast_in_dim3A_457, %select_n3A_437 : vector<256x4096xi1>, vector<256x4096xf32>
    %reduce_min3A_459 = arith.constant dense<0x7F800000> : vector<256xf32>
    %reduce_min3A_460 = vector.multi_reduction <minimumf>, %select_n3A_458, %reduce_min3A_459 [1] : vector<256x4096xf32> to vector<256xf32>
    %broadcast_in_dim3A_461 = vector.shape_cast %reduce_min3A_460 : vector<256xf32> to vector<256x1xf32>
    %eq3A_462 = arith.constant 4.096000e+03 : f32
    %eq3A_463 = vector.broadcast %eq3A_462 : f32 to vector<256x1xf32>
    %eq3A_464 = arith.cmpf oeq, %broadcast_in_dim3A_461, %eq3A_463 : vector<256x1xf32>
    %select_n3A_465 = arith.select %eq3A_464, %broadcast_in_dim3A_26, %broadcast_in_dim3A_461 : vector<256x1xi1>, vector<256x1xf32>
    %convert_element_type3A_466 = arith.fptosi %select_n3A_465 : vector<256x1xf32> to vector<256x1xi32>
    %add3A_467 = vector.broadcast %mul3A_24 : i32 to vector<256x1xi32>
    %add3A_468 = arith.addi %convert_element_type3A_466, %add3A_467 : vector<256x1xi32>
    %swap3A_469 = arith.constant 0 : index
    %swap3A_470 = arith.constant 0 : index
    %swap3A_471 = arith.constant 21 : index
    %swap3A_472 = vector.load %arg4[%swap3A_469, %swap3A_470, %swap3A_471] : memref<1x256x32xi32, #tpu.memory_space<vmem>>, vector<1x256x1xi32>
    %swap3A_473 = vector.shape_cast %swap3A_472 : vector<1x256x1xi32> to vector<256x1xi32>
    %swap3A_474 = vector.shape_cast %add3A_468 : vector<256x1xi32> to vector<1x256x1xi32>
    tpu.vector_store %arg4[%swap3A_469, %swap3A_470, %swap3A_471], %swap3A_474 {strides = array<i32>} : memref<1x256x32xi32, #tpu.memory_space<vmem>>, vector<1x256x1xi32>,
    %eq3A_475 = vector.broadcast %broadcast_in_dim3A_461 : vector<256x1xf32> to vector<256x4096xf32>
    %eq3A_476 = arith.cmpf oeq, %select_n3A_458, %eq3A_475 : vector<256x4096xf32>
    %jit3A_477 = arith.constant 4.096000e+03 : f32
    %broadcast_in_dim3A_478 = vector.broadcast %jit3A_477 : f32 to vector<256x4096xf32>
    %select_n3A_479 = arith.select %eq3A_476, %broadcast_in_dim3A_478, %select_n3A_458 : vector<256x4096xi1>, vector<256x4096xf32>
    %reduce_min3A_480 = arith.constant dense<0x7F800000> : vector<256xf32>
    %reduce_min3A_481 = vector.multi_reduction <minimumf>, %select_n3A_479, %reduce_min3A_480 [1] : vector<256x4096xf32> to vector<256xf32>
    %broadcast_in_dim3A_482 = vector.shape_cast %reduce_min3A_481 : vector<256xf32> to vector<256x1xf32>
    %eq3A_483 = arith.constant 4.096000e+03 : f32
    %eq3A_484 = vector.broadcast %eq3A_483 : f32 to vector<256x1xf32>
    %eq3A_485 = arith.cmpf oeq, %broadcast_in_dim3A_482, %eq3A_484 : vector<256x1xf32>
    %select_n3A_486 = arith.select %eq3A_485, %broadcast_in_dim3A_26, %broadcast_in_dim3A_482 : vector<256x1xi1>, vector<256x1xf32>
    %convert_element_type3A_487 = arith.fptosi %select_n3A_486 : vector<256x1xf32> to vector<256x1xi32>
    %add3A_488 = vector.broadcast %mul3A_24 : i32 to vector<256x1xi32>
    %add3A_489 = arith.addi %convert_element_type3A_487, %add3A_488 : vector<256x1xi32>
    %swap3A_490 = arith.constant 0 : index
    %swap3A_491 = arith.constant 0 : index
    %swap3A_492 = arith.constant 22 : index
    %swap3A_493 = vector.load %arg4[%swap3A_490, %swap3A_491, %swap3A_492] : memref<1x256x32xi32, #tpu.memory_space<vmem>>, vector<1x256x1xi32>
    %swap3A_494 = vector.shape_cast %swap3A_493 : vector<1x256x1xi32> to vector<256x1xi32>
    %swap3A_495 = vector.shape_cast %add3A_489 : vector<256x1xi32> to vector<1x256x1xi32>
    tpu.vector_store %arg4[%swap3A_490, %swap3A_491, %swap3A_492], %swap3A_495 {strides = array<i32>} : memref<1x256x32xi32, #tpu.memory_space<vmem>>, vector<1x256x1xi32>,
    %eq3A_496 = vector.broadcast %broadcast_in_dim3A_482 : vector<256x1xf32> to vector<256x4096xf32>
    %eq3A_497 = arith.cmpf oeq, %select_n3A_479, %eq3A_496 : vector<256x4096xf32>
    %jit3A_498 = arith.constant 4.096000e+03 : f32
    %broadcast_in_dim3A_499 = vector.broadcast %jit3A_498 : f32 to vector<256x4096xf32>
    %select_n3A_500 = arith.select %eq3A_497, %broadcast_in_dim3A_499, %select_n3A_479 : vector<256x4096xi1>, vector<256x4096xf32>
    %reduce_min3A_501 = arith.constant dense<0x7F800000> : vector<256xf32>
    %reduce_min3A_502 = vector.multi_reduction <minimumf>, %select_n3A_500, %reduce_min3A_501 [1] : vector<256x4096xf32> to vector<256xf32>
    %broadcast_in_dim3A_503 = vector.shape_cast %reduce_min3A_502 : vector<256xf32> to vector<256x1xf32>
    %eq3A_504 = arith.constant 4.096000e+03 : f32
    %eq3A_505 = vector.broadcast %eq3A_504 : f32 to vector<256x1xf32>
    %eq3A_506 = arith.cmpf oeq, %broadcast_in_dim3A_503, %eq3A_505 : vector<256x1xf32>
    %select_n3A_507 = arith.select %eq3A_506, %broadcast_in_dim3A_26, %broadcast_in_dim3A_503 : vector<256x1xi1>, vector<256x1xf32>
    %convert_element_type3A_508 = arith.fptosi %select_n3A_507 : vector<256x1xf32> to vector<256x1xi32>
    %add3A_509 = vector.broadcast %mul3A_24 : i32 to vector<256x1xi32>
    %add3A_510 = arith.addi %convert_element_type3A_508, %add3A_509 : vector<256x1xi32>
    %swap3A_511 = arith.constant 0 : index
    %swap3A_512 = arith.constant 0 : index
    %swap3A_513 = arith.constant 23 : index
    %swap3A_514 = vector.load %arg4[%swap3A_511, %swap3A_512, %swap3A_513] : memref<1x256x32xi32, #tpu.memory_space<vmem>>, vector<1x256x1xi32>
    %swap3A_515 = vector.shape_cast %swap3A_514 : vector<1x256x1xi32> to vector<256x1xi32>
    %swap3A_516 = vector.shape_cast %add3A_510 : vector<256x1xi32> to vector<1x256x1xi32>
    tpu.vector_store %arg4[%swap3A_511, %swap3A_512, %swap3A_513], %swap3A_516 {strides = array<i32>} : memref<1x256x32xi32, #tpu.memory_space<vmem>>, vector<1x256x1xi32>,
    %eq3A_517 = vector.broadcast %broadcast_in_dim3A_503 : vector<256x1xf32> to vector<256x4096xf32>
    %eq3A_518 = arith.cmpf oeq, %select_n3A_500, %eq3A_517 : vector<256x4096xf32>
    %jit3A_519 = arith.constant 4.096000e+03 : f32
    %broadcast_in_dim3A_520 = vector.broadcast %jit3A_519 : f32 to vector<256x4096xf32>
    %select_n3A_521 = arith.select %eq3A_518, %broadcast_in_dim3A_520, %select_n3A_500 : vector<256x4096xi1>, vector<256x4096xf32>
    %reduce_min3A_522 = arith.constant dense<0x7F800000> : vector<256xf32>
    %reduce_min3A_523 = vector.multi_reduction <minimumf>, %select_n3A_521, %reduce_min3A_522 [1] : vector<256x4096xf32> to vector<256xf32>
    %broadcast_in_dim3A_524 = vector.shape_cast %reduce_min3A_523 : vector<256xf32> to vector<256x1xf32>
    %eq3A_525 = arith.constant 4.096000e+03 : f32
    %eq3A_526 = vector.broadcast %eq3A_525 : f32 to vector<256x1xf32>
    %eq3A_527 = arith.cmpf oeq, %broadcast_in_dim3A_524, %eq3A_526 : vector<256x1xf32>
    %select_n3A_528 = arith.select %eq3A_527, %broadcast_in_dim3A_26, %broadcast_in_dim3A_524 : vector<256x1xi1>, vector<256x1xf32>
    %convert_element_type3A_529 = arith.fptosi %select_n3A_528 : vector<256x1xf32> to vector<256x1xi32>
    %add3A_530 = vector.broadcast %mul3A_24 : i32 to vector<256x1xi32>
    %add3A_531 = arith.addi %convert_element_type3A_529, %add3A_530 : vector<256x1xi32>
    %swap3A_532 = arith.constant 0 : index
    %swap3A_533 = arith.constant 0 : index
    %swap3A_534 = arith.constant 24 : index
    %swap3A_535 = vector.load %arg4[%swap3A_532, %swap3A_533, %swap3A_534] : memref<1x256x32xi32, #tpu.memory_space<vmem>>, vector<1x256x1xi32>
    %swap3A_536 = vector.shape_cast %swap3A_535 : vector<1x256x1xi32> to vector<256x1xi32>
    %swap3A_537 = vector.shape_cast %add3A_531 : vector<256x1xi32> to vector<1x256x1xi32>
    tpu.vector_store %arg4[%swap3A_532, %swap3A_533, %swap3A_534], %swap3A_537 {strides = array<i32>} : memref<1x256x32xi32, #tpu.memory_space<vmem>>, vector<1x256x1xi32>,
    %eq3A_538 = vector.broadcast %broadcast_in_dim3A_524 : vector<256x1xf32> to vector<256x4096xf32>
    %eq3A_539 = arith.cmpf oeq, %select_n3A_521, %eq3A_538 : vector<256x4096xf32>
    %jit3A_540 = arith.constant 4.096000e+03 : f32
    %broadcast_in_dim3A_541 = vector.broadcast %jit3A_540 : f32 to vector<256x4096xf32>
    %select_n3A_542 = arith.select %eq3A_539, %broadcast_in_dim3A_541, %select_n3A_521 : vector<256x4096xi1>, vector<256x4096xf32>
    %reduce_min3A_543 = arith.constant dense<0x7F800000> : vector<256xf32>
    %reduce_min3A_544 = vector.multi_reduction <minimumf>, %select_n3A_542, %reduce_min3A_543 [1] : vector<256x4096xf32> to vector<256xf32>
    %broadcast_in_dim3A_545 = vector.shape_cast %reduce_min3A_544 : vector<256xf32> to vector<256x1xf32>
    %eq3A_546 = arith.constant 4.096000e+03 : f32
    %eq3A_547 = vector.broadcast %eq3A_546 : f32 to vector<256x1xf32>
    %eq3A_548 = arith.cmpf oeq, %broadcast_in_dim3A_545, %eq3A_547 : vector<256x1xf32>
    %select_n3A_549 = arith.select %eq3A_548, %broadcast_in_dim3A_26, %broadcast_in_dim3A_545 : vector<256x1xi1>, vector<256x1xf32>
    %convert_element_type3A_550 = arith.fptosi %select_n3A_549 : vector<256x1xf32> to vector<256x1xi32>
    %add3A_551 = vector.broadcast %mul3A_24 : i32 to vector<256x1xi32>
    %add3A_552 = arith.addi %convert_element_type3A_550, %add3A_551 : vector<256x1xi32>
    %swap3A_553 = arith.constant 0 : index
    %swap3A_554 = arith.constant 0 : index
    %swap3A_555 = arith.constant 25 : index
    %swap3A_556 = vector.load %arg4[%swap3A_553, %swap3A_554, %swap3A_555] : memref<1x256x32xi32, #tpu.memory_space<vmem>>, vector<1x256x1xi32>
    %swap3A_557 = vector.shape_cast %swap3A_556 : vector<1x256x1xi32> to vector<256x1xi32>
    %swap3A_558 = vector.shape_cast %add3A_552 : vector<256x1xi32> to vector<1x256x1xi32>
    tpu.vector_store %arg4[%swap3A_553, %swap3A_554, %swap3A_555], %swap3A_558 {strides = array<i32>} : memref<1x256x32xi32, #tpu.memory_space<vmem>>, vector<1x256x1xi32>,
    %eq3A_559 = vector.broadcast %broadcast_in_dim3A_545 : vector<256x1xf32> to vector<256x4096xf32>
    %eq3A_560 = arith.cmpf oeq, %select_n3A_542, %eq3A_559 : vector<256x4096xf32>
    %jit3A_561 = arith.constant 4.096000e+03 : f32
    %broadcast_in_dim3A_562 = vector.broadcast %jit3A_561 : f32 to vector<256x4096xf32>
    %select_n3A_563 = arith.select %eq3A_560, %broadcast_in_dim3A_562, %select_n3A_542 : vector<256x4096xi1>, vector<256x4096xf32>
    %reduce_min3A_564 = arith.constant dense<0x7F800000> : vector<256xf32>
    %reduce_min3A_565 = vector.multi_reduction <minimumf>, %select_n3A_563, %reduce_min3A_564 [1] : vector<256x4096xf32> to vector<256xf32>
    %broadcast_in_dim3A_566 = vector.shape_cast %reduce_min3A_565 : vector<256xf32> to vector<256x1xf32>
    %eq3A_567 = arith.constant 4.096000e+03 : f32
    %eq3A_568 = vector.broadcast %eq3A_567 : f32 to vector<256x1xf32>
    %eq3A_569 = arith.cmpf oeq, %broadcast_in_dim3A_566, %eq3A_568 : vector<256x1xf32>
    %select_n3A_570 = arith.select %eq3A_569, %broadcast_in_dim3A_26, %broadcast_in_dim3A_566 : vector<256x1xi1>, vector<256x1xf32>
    %convert_element_type3A_571 = arith.fptosi %select_n3A_570 : vector<256x1xf32> to vector<256x1xi32>
    %add3A_572 = vector.broadcast %mul3A_24 : i32 to vector<256x1xi32>
    %add3A_573 = arith.addi %convert_element_type3A_571, %add3A_572 : vector<256x1xi32>
    %swap3A_574 = arith.constant 0 : index
    %swap3A_575 = arith.constant 0 : index
    %swap3A_576 = arith.constant 26 : index
    %swap3A_577 = vector.load %arg4[%swap3A_574, %swap3A_575, %swap3A_576] : memref<1x256x32xi32, #tpu.memory_space<vmem>>, vector<1x256x1xi32>
    %swap3A_578 = vector.shape_cast %swap3A_577 : vector<1x256x1xi32> to vector<256x1xi32>
    %swap3A_579 = vector.shape_cast %add3A_573 : vector<256x1xi32> to vector<1x256x1xi32>
    tpu.vector_store %arg4[%swap3A_574, %swap3A_575, %swap3A_576], %swap3A_579 {strides = array<i32>} : memref<1x256x32xi32, #tpu.memory_space<vmem>>, vector<1x256x1xi32>,
    %eq3A_580 = vector.broadcast %broadcast_in_dim3A_566 : vector<256x1xf32> to vector<256x4096xf32>
    %eq3A_581 = arith.cmpf oeq, %select_n3A_563, %eq3A_580 : vector<256x4096xf32>
    %jit3A_582 = arith.constant 4.096000e+03 : f32
    %broadcast_in_dim3A_583 = vector.broadcast %jit3A_582 : f32 to vector<256x4096xf32>
    %select_n3A_584 = arith.select %eq3A_581, %broadcast_in_dim3A_583, %select_n3A_563 : vector<256x4096xi1>, vector<256x4096xf32>
    %reduce_min3A_585 = arith.constant dense<0x7F800000> : vector<256xf32>
    %reduce_min3A_586 = vector.multi_reduction <minimumf>, %select_n3A_584, %reduce_min3A_585 [1] : vector<256x4096xf32> to vector<256xf32>
    %broadcast_in_dim3A_587 = vector.shape_cast %reduce_min3A_586 : vector<256xf32> to vector<256x1xf32>
    %eq3A_588 = arith.constant 4.096000e+03 : f32
    %eq3A_589 = vector.broadcast %eq3A_588 : f32 to vector<256x1xf32>
    %eq3A_590 = arith.cmpf oeq, %broadcast_in_dim3A_587, %eq3A_589 : vector<256x1xf32>
    %select_n3A_591 = arith.select %eq3A_590, %broadcast_in_dim3A_26, %broadcast_in_dim3A_587 : vector<256x1xi1>, vector<256x1xf32>
    %convert_element_type3A_592 = arith.fptosi %select_n3A_591 : vector<256x1xf32> to vector<256x1xi32>
    %add3A_593 = vector.broadcast %mul3A_24 : i32 to vector<256x1xi32>
    %add3A_594 = arith.addi %convert_element_type3A_592, %add3A_593 : vector<256x1xi32>
    %swap3A_595 = arith.constant 0 : index
    %swap3A_596 = arith.constant 0 : index
    %swap3A_597 = arith.constant 27 : index
    %swap3A_598 = vector.load %arg4[%swap3A_595, %swap3A_596, %swap3A_597] : memref<1x256x32xi32, #tpu.memory_space<vmem>>, vector<1x256x1xi32>
    %swap3A_599 = vector.shape_cast %swap3A_598 : vector<1x256x1xi32> to vector<256x1xi32>
    %swap3A_600 = vector.shape_cast %add3A_594 : vector<256x1xi32> to vector<1x256x1xi32>
    tpu.vector_store %arg4[%swap3A_595, %swap3A_596, %swap3A_597], %swap3A_600 {strides = array<i32>} : memref<1x256x32xi32, #tpu.memory_space<vmem>>, vector<1x256x1xi32>,
    %eq3A_601 = vector.broadcast %broadcast_in_dim3A_587 : vector<256x1xf32> to vector<256x4096xf32>
    %eq3A_602 = arith.cmpf oeq, %select_n3A_584, %eq3A_601 : vector<256x4096xf32>
    %jit3A_603 = arith.constant 4.096000e+03 : f32
    %broadcast_in_dim3A_604 = vector.broadcast %jit3A_603 : f32 to vector<256x4096xf32>
    %select_n3A_605 = arith.select %eq3A_602, %broadcast_in_dim3A_604, %select_n3A_584 : vector<256x4096xi1>, vector<256x4096xf32>
    %reduce_min3A_606 = arith.constant dense<0x7F800000> : vector<256xf32>
    %reduce_min3A_607 = vector.multi_reduction <minimumf>, %select_n3A_605, %reduce_min3A_606 [1] : vector<256x4096xf32> to vector<256xf32>
    %broadcast_in_dim3A_608 = vector.shape_cast %reduce_min3A_607 : vector<256xf32> to vector<256x1xf32>
    %eq3A_609 = arith.constant 4.096000e+03 : f32
    %eq3A_610 = vector.broadcast %eq3A_609 : f32 to vector<256x1xf32>
    %eq3A_611 = arith.cmpf oeq, %broadcast_in_dim3A_608, %eq3A_610 : vector<256x1xf32>
    %select_n3A_612 = arith.select %eq3A_611, %broadcast_in_dim3A_26, %broadcast_in_dim3A_608 : vector<256x1xi1>, vector<256x1xf32>
    %convert_element_type3A_613 = arith.fptosi %select_n3A_612 : vector<256x1xf32> to vector<256x1xi32>
    %add3A_614 = vector.broadcast %mul3A_24 : i32 to vector<256x1xi32>
    %add3A_615 = arith.addi %convert_element_type3A_613, %add3A_614 : vector<256x1xi32>
    %swap3A_616 = arith.constant 0 : index
    %swap3A_617 = arith.constant 0 : index
    %swap3A_618 = arith.constant 28 : index
    %swap3A_619 = vector.load %arg4[%swap3A_616, %swap3A_617, %swap3A_618] : memref<1x256x32xi32, #tpu.memory_space<vmem>>, vector<1x256x1xi32>
    %swap3A_620 = vector.shape_cast %swap3A_619 : vector<1x256x1xi32> to vector<256x1xi32>
    %swap3A_621 = vector.shape_cast %add3A_615 : vector<256x1xi32> to vector<1x256x1xi32>
    tpu.vector_store %arg4[%swap3A_616, %swap3A_617, %swap3A_618], %swap3A_621 {strides = array<i32>} : memref<1x256x32xi32, #tpu.memory_space<vmem>>, vector<1x256x1xi32>,
    %eq3A_622 = vector.broadcast %broadcast_in_dim3A_608 : vector<256x1xf32> to vector<256x4096xf32>
    %eq3A_623 = arith.cmpf oeq, %select_n3A_605, %eq3A_622 : vector<256x4096xf32>
    %jit3A_624 = arith.constant 4.096000e+03 : f32
    %broadcast_in_dim3A_625 = vector.broadcast %jit3A_624 : f32 to vector<256x4096xf32>
    %select_n3A_626 = arith.select %eq3A_623, %broadcast_in_dim3A_625, %select_n3A_605 : vector<256x4096xi1>, vector<256x4096xf32>
    %reduce_min3A_627 = arith.constant dense<0x7F800000> : vector<256xf32>
    %reduce_min3A_628 = vector.multi_reduction <minimumf>, %select_n3A_626, %reduce_min3A_627 [1] : vector<256x4096xf32> to vector<256xf32>
    %broadcast_in_dim3A_629 = vector.shape_cast %reduce_min3A_628 : vector<256xf32> to vector<256x1xf32>
    %eq3A_630 = arith.constant 4.096000e+03 : f32
    %eq3A_631 = vector.broadcast %eq3A_630 : f32 to vector<256x1xf32>
    %eq3A_632 = arith.cmpf oeq, %broadcast_in_dim3A_629, %eq3A_631 : vector<256x1xf32>
    %select_n3A_633 = arith.select %eq3A_632, %broadcast_in_dim3A_26, %broadcast_in_dim3A_629 : vector<256x1xi1>, vector<256x1xf32>
    %convert_element_type3A_634 = arith.fptosi %select_n3A_633 : vector<256x1xf32> to vector<256x1xi32>
    %add3A_635 = vector.broadcast %mul3A_24 : i32 to vector<256x1xi32>
    %add3A_636 = arith.addi %convert_element_type3A_634, %add3A_635 : vector<256x1xi32>
    %swap3A_637 = arith.constant 0 : index
    %swap3A_638 = arith.constant 0 : index
    %swap3A_639 = arith.constant 29 : index
    %swap3A_640 = vector.load %arg4[%swap3A_637, %swap3A_638, %swap3A_639] : memref<1x256x32xi32, #tpu.memory_space<vmem>>, vector<1x256x1xi32>
    %swap3A_641 = vector.shape_cast %swap3A_640 : vector<1x256x1xi32> to vector<256x1xi32>
    %swap3A_642 = vector.shape_cast %add3A_636 : vector<256x1xi32> to vector<1x256x1xi32>
    tpu.vector_store %arg4[%swap3A_637, %swap3A_638, %swap3A_639], %swap3A_642 {strides = array<i32>} : memref<1x256x32xi32, #tpu.memory_space<vmem>>, vector<1x256x1xi32>,
    %eq3A_643 = vector.broadcast %broadcast_in_dim3A_629 : vector<256x1xf32> to vector<256x4096xf32>
    %eq3A_644 = arith.cmpf oeq, %select_n3A_626, %eq3A_643 : vector<256x4096xf32>
    %jit3A_645 = arith.constant 4.096000e+03 : f32
    %broadcast_in_dim3A_646 = vector.broadcast %jit3A_645 : f32 to vector<256x4096xf32>
    %select_n3A_647 = arith.select %eq3A_644, %broadcast_in_dim3A_646, %select_n3A_626 : vector<256x4096xi1>, vector<256x4096xf32>
    %reduce_min3A_648 = arith.constant dense<0x7F800000> : vector<256xf32>
    %reduce_min3A_649 = vector.multi_reduction <minimumf>, %select_n3A_647, %reduce_min3A_648 [1] : vector<256x4096xf32> to vector<256xf32>
    %broadcast_in_dim3A_650 = vector.shape_cast %reduce_min3A_649 : vector<256xf32> to vector<256x1xf32>
    %eq3A_651 = arith.constant 4.096000e+03 : f32
    %eq3A_652 = vector.broadcast %eq3A_651 : f32 to vector<256x1xf32>
    %eq3A_653 = arith.cmpf oeq, %broadcast_in_dim3A_650, %eq3A_652 : vector<256x1xf32>
    %select_n3A_654 = arith.select %eq3A_653, %broadcast_in_dim3A_26, %broadcast_in_dim3A_650 : vector<256x1xi1>, vector<256x1xf32>
    %convert_element_type3A_655 = arith.fptosi %select_n3A_654 : vector<256x1xf32> to vector<256x1xi32>
    %add3A_656 = vector.broadcast %mul3A_24 : i32 to vector<256x1xi32>
    %add3A_657 = arith.addi %convert_element_type3A_655, %add3A_656 : vector<256x1xi32>
    %swap3A_658 = arith.constant 0 : index
    %swap3A_659 = arith.constant 0 : index
    %swap3A_660 = arith.constant 30 : index
    %swap3A_661 = vector.load %arg4[%swap3A_658, %swap3A_659, %swap3A_660] : memref<1x256x32xi32, #tpu.memory_space<vmem>>, vector<1x256x1xi32>
    %swap3A_662 = vector.shape_cast %swap3A_661 : vector<1x256x1xi32> to vector<256x1xi32>
    %swap3A_663 = vector.shape_cast %add3A_657 : vector<256x1xi32> to vector<1x256x1xi32>
    tpu.vector_store %arg4[%swap3A_658, %swap3A_659, %swap3A_660], %swap3A_663 {strides = array<i32>} : memref<1x256x32xi32, #tpu.memory_space<vmem>>, vector<1x256x1xi32>,
    %eq3A_664 = vector.broadcast %broadcast_in_dim3A_650 : vector<256x1xf32> to vector<256x4096xf32>
    %eq3A_665 = arith.cmpf oeq, %select_n3A_647, %eq3A_664 : vector<256x4096xf32>
    %jit3A_666 = arith.constant 4.096000e+03 : f32
    %broadcast_in_dim3A_667 = vector.broadcast %jit3A_666 : f32 to vector<256x4096xf32>
    %select_n3A_668 = arith.select %eq3A_665, %broadcast_in_dim3A_667, %select_n3A_647 : vector<256x4096xi1>, vector<256x4096xf32>
    %reduce_min3A_669 = arith.constant dense<0x7F800000> : vector<256xf32>
    %reduce_min3A_670 = vector.multi_reduction <minimumf>, %select_n3A_668, %reduce_min3A_669 [1] : vector<256x4096xf32> to vector<256xf32>
    %broadcast_in_dim3A_671 = vector.shape_cast %reduce_min3A_670 : vector<256xf32> to vector<256x1xf32>
    %eq3A_672 = arith.constant 4.096000e+03 : f32
    %eq3A_673 = vector.broadcast %eq3A_672 : f32 to vector<256x1xf32>
    %eq3A_674 = arith.cmpf oeq, %broadcast_in_dim3A_671, %eq3A_673 : vector<256x1xf32>
    %select_n3A_675 = arith.select %eq3A_674, %broadcast_in_dim3A_26, %broadcast_in_dim3A_671 : vector<256x1xi1>, vector<256x1xf32>
    %convert_element_type3A_676 = arith.fptosi %select_n3A_675 : vector<256x1xf32> to vector<256x1xi32>
    %add3A_677 = vector.broadcast %mul3A_24 : i32 to vector<256x1xi32>
    %add3A_678 = arith.addi %convert_element_type3A_676, %add3A_677 : vector<256x1xi32>
    %swap3A_679 = arith.constant 0 : index
    %swap3A_680 = arith.constant 0 : index
    %swap3A_681 = arith.constant 31 : index
    %swap3A_682 = vector.load %arg4[%swap3A_679, %swap3A_680, %swap3A_681] : memref<1x256x32xi32, #tpu.memory_space<vmem>>, vector<1x256x1xi32>
    %swap3A_683 = vector.shape_cast %swap3A_682 : vector<1x256x1xi32> to vector<256x1xi32>
    %swap3A_684 = vector.shape_cast %add3A_678 : vector<256x1xi32> to vector<1x256x1xi32>
    tpu.vector_store %arg4[%swap3A_679, %swap3A_680, %swap3A_681], %swap3A_684 {strides = array<i32>} : memref<1x256x32xi32, #tpu.memory_space<vmem>>, vector<1x256x1xi32>,
    return
  }
  func.func @transform_0(%arg0: i32, %arg1: i32) -> (i32, i32, i32) {
    %c0_i32 = arith.constant 0 : i32
    %c0_i32_0 = arith.constant 0 : i32
    return %arg0, %arg1, %c0_i32 : i32, i32, i32
  }
  func.func @transform_1(%arg0: i32, %arg1: i32) -> (i32, i32, i32) {
    %c0_i32 = arith.constant 0 : i32
    %c0_i32_0 = arith.constant 0 : i32
    %c0_i32_1 = arith.constant 0 : i32
    return %arg0, %c0_i32, %c0_i32_0 : i32, i32, i32
  }
  func.func @transform_2(%arg0: i32, %arg1: i32) -> (i32, i32, i32) {
    %c0_i32 = arith.constant 0 : i32
    %c0_i32_0 = arith.constant 0 : i32
    return %arg0, %arg1, %c0_i32 : i32, i32, i32
  }
}

module attributes {stable_mosaic.version = 14 : i64} {
  func.func @_sphere_body(%arg0: i32, %arg1: memref<2048x128xf32, #tpu.memory_space<vmem>>, %arg2: memref<2048x8xf32, #tpu.memory_space<vmem>>, %arg3: memref<128x64xf32, #tpu.memory_space<vmem>>, %arg4: memref<8x64xf32, #tpu.memory_space<vmem>>, %arg5: memref<1x64xf32, #tpu.memory_space<vmem>>, %arg6: memref<2048x8xf32, #tpu.memory_space<vmem>>, %arg7: memref<1x2x64xf32, #tpu.memory_space<vmem>>) attributes {dimension_semantics = [#tpu.dimension_semantics<parallel>], iteration_bounds = array<i64: 128>, scalar_prefetch = 0 : i64, scratch_operands = 0 : i64, tpu.core_type = #tpu.core_type<tc>, window_params = [{transform_indices = @transform_0, window_bounds = array<i64: 2048, 128>}, {transform_indices = @transform_1, window_bounds = array<i64: 2048, 8>}, {pipeline_mode = #tpu.pipeline_mode<synchronous>, transform_indices = @transform_2, window_bounds = array<i64: 128, 64>}, {pipeline_mode = #tpu.pipeline_mode<synchronous>, transform_indices = @transform_3, window_bounds = array<i64: 8, 64>}, {pipeline_mode = #tpu.pipeline_mode<synchronous>, transform_indices = @transform_4, window_bounds = array<i64: 1, 64>}, {transform_indices = @transform_5, window_bounds = array<i64: 2048, 8>}, {transform_indices = @transform_6, window_bounds = array<i64: 1, 2, 64>}]} {
    %get3A = arith.constant 0 : index
    %get3A_0 = arith.constant 0 : index
    %get3A_1 = vector.load %arg1[%get3A, %get3A_0] : memref<2048x128xf32, #tpu.memory_space<vmem>>, vector<2048x128xf32>
    %transpose3A = tpu.transpose %get3A_1, [1, 0] : vector<2048x128xf32> -> vector<128x2048xf32>
    %get3A_2 = arith.constant 0 : index
    %get3A_3 = arith.constant 0 : index
    %get3A_4 = vector.load %arg2[%get3A_2, %get3A_3] : memref<2048x8xf32, #tpu.memory_space<vmem>>, vector<2048x8xf32>
    %transpose3A_5 = tpu.transpose %get3A_4, [1, 0] : vector<2048x8xf32> -> vector<8x2048xf32>
    %slice3A = vector.extract_strided_slice %transpose3A {offsets = [0, 0], sizes = [1, 2048], strides = [1, 1]} : vector<128x2048xf32> to vector<1x2048xf32>
    %slice3A_6 = vector.extract_strided_slice %transpose3A_5 {offsets = [0, 0], sizes = [1, 2048], strides = [1, 1]} : vector<8x2048xf32> to vector<1x2048xf32>
    %sub3A = arith.subf %slice3A, %slice3A_6 : vector<1x2048xf32>
    %slice3A_7 = vector.extract_strided_slice %transpose3A {offsets = [1, 0], sizes = [1, 2048], strides = [1, 1]} : vector<128x2048xf32> to vector<1x2048xf32>
    %slice3A_8 = vector.extract_strided_slice %transpose3A_5 {offsets = [1, 0], sizes = [1, 2048], strides = [1, 1]} : vector<8x2048xf32> to vector<1x2048xf32>
    %sub3A_9 = arith.subf %slice3A_7, %slice3A_8 : vector<1x2048xf32>
    %slice3A_10 = vector.extract_strided_slice %transpose3A {offsets = [2, 0], sizes = [1, 2048], strides = [1, 1]} : vector<128x2048xf32> to vector<1x2048xf32>
    %slice3A_11 = vector.extract_strided_slice %transpose3A_5 {offsets = [2, 0], sizes = [1, 2048], strides = [1, 1]} : vector<8x2048xf32> to vector<1x2048xf32>
    %sub3A_12 = arith.subf %slice3A_10, %slice3A_11 : vector<1x2048xf32>
    %mul3A = arith.mulf %sub3A, %sub3A : vector<1x2048xf32>
    %mul3A_13 = arith.mulf %sub3A_9, %sub3A_9 : vector<1x2048xf32>
    %add3A = arith.addf %mul3A, %mul3A_13 : vector<1x2048xf32>
    %mul3A_14 = arith.mulf %sub3A_12, %sub3A_12 : vector<1x2048xf32>
    %add3A_15 = arith.addf %add3A, %mul3A_14 : vector<1x2048xf32>
    %add3A_16 = arith.constant 9.99999996E-13 : f32
    %add3A_17 = vector.broadcast %add3A_16 : f32 to vector<1x2048xf32>
    %add3A_18 = arith.addf %add3A_15, %add3A_17 : vector<1x2048xf32>
    %sqrt3A = math.sqrt %add3A_18 : vector<1x2048xf32>
    %div3A = arith.divf %sub3A_12, %sqrt3A : vector<1x2048xf32>
    %jit3A = arith.constant -0.999998986 : f32
    %jit3A_19 = arith.constant 0.999998986 : f32
    %max3A = vector.broadcast %jit3A : f32 to vector<1x2048xf32>
    %max3A_20 = arith.maximumf %max3A, %div3A : vector<1x2048xf32>
    %min3A = vector.broadcast %jit3A_19 : f32 to vector<1x2048xf32>
    %min3A_21 = arith.minimumf %min3A, %max3A_20 : vector<1x2048xf32>
    %mul3A_22 = arith.mulf %min3A_21, %min3A_21 : vector<1x2048xf32>
    %sub3A_23 = arith.constant 1.000000e+00 : f32
    %sub3A_24 = vector.broadcast %sub3A_23 : f32 to vector<1x2048xf32>
    %sub3A_25 = arith.subf %sub3A_24, %mul3A_22 : vector<1x2048xf32>
    %max3A_26 = arith.constant 0.000000e+00 : f32
    %max3A_27 = vector.broadcast %max3A_26 : f32 to vector<1x2048xf32>
    %max3A_28 = arith.maximumf %sub3A_25, %max3A_27 : vector<1x2048xf32>
    %sqrt3A_29 = math.sqrt %max3A_28 : vector<1x2048xf32>
    %atan23A = math.atan2 %sqrt3A_29, %min3A_21 : vector<1x2048xf32>
    %mul3A_30 = arith.constant 0.318309873 : f32
    %mul3A_31 = vector.broadcast %mul3A_30 : f32 to vector<1x2048xf32>
    %mul3A_32 = arith.mulf %atan23A, %mul3A_31 : vector<1x2048xf32>
    %atan23A_33 = math.atan2 %sub3A_9, %sub3A : vector<1x2048xf32>
    %mul3A_34 = arith.constant 0.159154937 : f32
    %mul3A_35 = vector.broadcast %mul3A_34 : f32 to vector<1x2048xf32>
    %mul3A_36 = arith.mulf %atan23A_33, %mul3A_35 : vector<1x2048xf32>
    %add3A_37 = arith.constant 5.000000e-01 : f32
    %add3A_38 = vector.broadcast %add3A_37 : f32 to vector<1x2048xf32>
    %add3A_39 = arith.addf %mul3A_36, %add3A_38 : vector<1x2048xf32>
    %broadcast_in_dim3A = arith.constant 0.000000e+00 : f32
    %broadcast_in_dim3A_40 = vector.broadcast %broadcast_in_dim3A : f32 to vector<1x2048xf32>
    %concatenate3A = tpu.concatenate %sub3A, %sub3A_9, %sub3A_12, %sqrt3A, %mul3A_32, %add3A_39, %broadcast_in_dim3A_40, %broadcast_in_dim3A_40 in 0 : vector<1x2048xf32>, vector<1x2048xf32>, vector<1x2048xf32>, vector<1x2048xf32>, vector<1x2048xf32>, vector<1x2048xf32>, vector<1x2048xf32>, vector<1x2048xf32> -> vector<8x2048xf32>
    %transpose3A_41 = tpu.transpose %concatenate3A, [1, 0] : vector<8x2048xf32> -> vector<2048x8xf32>
    %swap3A = arith.constant 0 : index
    %swap3A_42 = arith.constant 0 : index
    %swap3A_43 = vector.load %arg6[%swap3A, %swap3A_42] : memref<2048x8xf32, #tpu.memory_space<vmem>>, vector<2048x8xf32>
    tpu.vector_store %arg6[%swap3A, %swap3A_42], %transpose3A_41 {strides = array<i32>} : memref<2048x8xf32, #tpu.memory_space<vmem>>, vector<2048x8xf32>,
    %get3A_44 = arith.constant 0 : index
    %get3A_45 = arith.constant 0 : index
    %get3A_46 = vector.load %arg3[%get3A_44, %get3A_45] : memref<128x64xf32, #tpu.memory_space<vmem>>, vector<128x64xf32>
    %dot_general3A = arith.constant dense<0.000000e+00> : vector<2048x64xf32>
    %dot_general3A_47 = tpu.matmul %get3A_1, %get3A_46, %dot_general3A {dimension_numbers = #tpu.dot_dimension_numbers<[1], [0], [0], [1], [0, 0, 1, 1], [], []>, transpose_lhs_hint = false} : vector<2048x128xf32>, vector<128x64xf32>, vector<2048x64xf32> -> vector<2048x64xf32>
    %get3A_48 = arith.constant 0 : index
    %get3A_49 = arith.constant 0 : index
    %get3A_50 = vector.load %arg4[%get3A_48, %get3A_49] : memref<8x64xf32, #tpu.memory_space<vmem>>, vector<8x64xf32>
    %dot_general3A_51 = arith.constant dense<0.000000e+00> : vector<2048x64xf32>
    %dot_general3A_52 = tpu.matmul %transpose3A_41, %get3A_50, %dot_general3A_51 {dimension_numbers = #tpu.dot_dimension_numbers<[1], [0], [0], [1], [0, 0, 1, 1], [], []>, transpose_lhs_hint = false} : vector<2048x8xf32>, vector<8x64xf32>, vector<2048x64xf32> -> vector<2048x64xf32>
    %add3A_53 = arith.addf %dot_general3A_47, %dot_general3A_52 : vector<2048x64xf32>
    %get3A_54 = arith.constant 0 : index
    %get3A_55 = arith.constant 0 : index
    %get3A_56 = vector.load %arg5[%get3A_54, %get3A_55] : memref<1x64xf32, #tpu.memory_space<vmem>>, vector<1x64xf32>
    %add3A_57 = vector.broadcast %get3A_56 : vector<1x64xf32> to vector<2048x64xf32>
    %add3A_58 = arith.addf %add3A_53, %add3A_57 : vector<2048x64xf32>
    %reduce_sum3A = arith.constant dense<0.000000e+00> : vector<64xf32>
    %reduce_sum3A_59 = vector.multi_reduction <add>, %add3A_58, %reduce_sum3A [0] : vector<2048x64xf32> to vector<64xf32>
    %broadcast_in_dim3A_60 = vector.shape_cast %reduce_sum3A_59 : vector<64xf32> to vector<1x64xf32>
    %mul3A_61 = arith.mulf %add3A_58, %add3A_58 : vector<2048x64xf32>
    %reduce_sum3A_62 = arith.constant dense<0.000000e+00> : vector<64xf32>
    %reduce_sum3A_63 = vector.multi_reduction <add>, %mul3A_61, %reduce_sum3A_62 [0] : vector<2048x64xf32> to vector<64xf32>
    %broadcast_in_dim3A_64 = vector.shape_cast %reduce_sum3A_63 : vector<64xf32> to vector<1x64xf32>
    %concatenate3A_65 = tpu.concatenate %broadcast_in_dim3A_60, %broadcast_in_dim3A_64 in 0 : vector<1x64xf32>, vector<1x64xf32> -> vector<2x64xf32>
    %swap3A_66 = arith.constant 0 : index
    %swap3A_67 = arith.constant 0 : index
    %swap3A_68 = arith.constant 0 : index
    %swap3A_69 = vector.load %arg7[%swap3A_66, %swap3A_67, %swap3A_68] : memref<1x2x64xf32, #tpu.memory_space<vmem>>, vector<1x2x64xf32>
    %swap3A_70 = vector.shape_cast %swap3A_69 : vector<1x2x64xf32> to vector<2x64xf32>
    %swap3A_71 = vector.shape_cast %concatenate3A_65 : vector<2x64xf32> to vector<1x2x64xf32>
    tpu.vector_store %arg7[%swap3A_66, %swap3A_67, %swap3A_68], %swap3A_71 {strides = array<i32>} : memref<1x2x64xf32, #tpu.memory_space<vmem>>, vector<1x2x64xf32>,
    return
  }
  func.func @transform_0(%arg0: i32) -> (i32, i32) {
    %c0_i32 = arith.constant 0 : i32
    %c0_i32_0 = arith.constant 0 : i32
    return %arg0, %c0_i32 : i32, i32
  }
  func.func @transform_1(%arg0: i32) -> (i32, i32) {
    %c0_i32 = arith.constant 0 : i32
    %c0_i32_0 = arith.constant 0 : i32
    return %arg0, %c0_i32 : i32, i32
  }
  func.func @transform_2(%arg0: i32) -> (i32, i32) {
    %c0_i32 = arith.constant 0 : i32
    %c0_i32_0 = arith.constant 0 : i32
    %c0_i32_1 = arith.constant 0 : i32
    return %c0_i32, %c0_i32_0 : i32, i32
  }
  func.func @transform_3(%arg0: i32) -> (i32, i32) {
    %c0_i32 = arith.constant 0 : i32
    %c0_i32_0 = arith.constant 0 : i32
    %c0_i32_1 = arith.constant 0 : i32
    return %c0_i32, %c0_i32_0 : i32, i32
  }
  func.func @transform_4(%arg0: i32) -> (i32, i32) {
    %c0_i32 = arith.constant 0 : i32
    %c0_i32_0 = arith.constant 0 : i32
    %c0_i32_1 = arith.constant 0 : i32
    return %c0_i32, %c0_i32_0 : i32, i32
  }
  func.func @transform_5(%arg0: i32) -> (i32, i32) {
    %c0_i32 = arith.constant 0 : i32
    %c0_i32_0 = arith.constant 0 : i32
    return %arg0, %c0_i32 : i32, i32
  }
  func.func @transform_6(%arg0: i32) -> (i32, i32, i32) {
    %c0_i32 = arith.constant 0 : i32
    %c0_i32_0 = arith.constant 0 : i32
    %c0_i32_1 = arith.constant 0 : i32
    return %arg0, %c0_i32, %c0_i32_0 : i32, i32, i32
  }
}

module attributes {stable_mosaic.version = 14 : i64} {
  func.func @_stats_body(%arg0: i32, %arg1: memref<4096x128xf32, #tpu.memory_space<vmem>>, %arg2: memref<4096x8xf32, #tpu.memory_space<vmem>>, %arg3: memref<128x64xf32, #tpu.memory_space<vmem>>, %arg4: memref<8x64xf32, #tpu.memory_space<vmem>>, %arg5: memref<1x64xf32, #tpu.memory_space<vmem>>, %arg6: memref<1x64xf32, #tpu.memory_space<vmem>>, %arg7: memref<1x64xf32, #tpu.memory_space<vmem>>, %arg8: memref<64x64xf32, #tpu.memory_space<vmem>>, %arg9: memref<1x64xf32, #tpu.memory_space<vmem>>, %arg10: memref<1x2x64xf32, #tpu.memory_space<vmem>>) attributes {dimension_semantics = [#tpu.dimension_semantics<parallel>], iteration_bounds = array<i64: 64>, scalar_prefetch = 0 : i64, scratch_operands = 0 : i64, tpu.core_type = #tpu.core_type<tc>, window_params = [{transform_indices = @transform_0, window_bounds = array<i64: 4096, 128>}, {transform_indices = @transform_1, window_bounds = array<i64: 4096, 8>}, {pipeline_mode = #tpu.pipeline_mode<synchronous>, transform_indices = @transform_2, window_bounds = array<i64: 128, 64>}, {pipeline_mode = #tpu.pipeline_mode<synchronous>, transform_indices = @transform_3, window_bounds = array<i64: 8, 64>}, {pipeline_mode = #tpu.pipeline_mode<synchronous>, transform_indices = @transform_4, window_bounds = array<i64: 1, 64>}, {pipeline_mode = #tpu.pipeline_mode<synchronous>, transform_indices = @transform_5, window_bounds = array<i64: 1, 64>}, {pipeline_mode = #tpu.pipeline_mode<synchronous>, transform_indices = @transform_6, window_bounds = array<i64: 1, 64>}, {pipeline_mode = #tpu.pipeline_mode<synchronous>, transform_indices = @transform_7, window_bounds = array<i64: 64, 64>}, {pipeline_mode = #tpu.pipeline_mode<synchronous>, transform_indices = @transform_8, window_bounds = array<i64: 1, 64>}, {transform_indices = @transform_9, window_bounds = array<i64: 1, 2, 64>}]} {
    %get3A = arith.constant 0 : index
    %get3A_0 = arith.constant 0 : index
    %get3A_1 = vector.load %arg1[%get3A, %get3A_0] : memref<4096x128xf32, #tpu.memory_space<vmem>>, vector<4096x128xf32>
    %get3A_2 = arith.constant 0 : index
    %get3A_3 = arith.constant 0 : index
    %get3A_4 = vector.load %arg2[%get3A_2, %get3A_3] : memref<4096x8xf32, #tpu.memory_space<vmem>>, vector<4096x8xf32>
    %get3A_5 = arith.constant 0 : index
    %get3A_6 = arith.constant 0 : index
    %get3A_7 = vector.load %arg3[%get3A_5, %get3A_6] : memref<128x64xf32, #tpu.memory_space<vmem>>, vector<128x64xf32>
    %dot_general3A = arith.constant dense<0.000000e+00> : vector<4096x64xf32>
    %dot_general3A_8 = tpu.matmul %get3A_1, %get3A_7, %dot_general3A {dimension_numbers = #tpu.dot_dimension_numbers<[1], [0], [0], [1], [0, 0, 1, 1], [], []>, transpose_lhs_hint = false} : vector<4096x128xf32>, vector<128x64xf32>, vector<4096x64xf32> -> vector<4096x64xf32>
    %get3A_9 = arith.constant 0 : index
    %get3A_10 = arith.constant 0 : index
    %get3A_11 = vector.load %arg4[%get3A_9, %get3A_10] : memref<8x64xf32, #tpu.memory_space<vmem>>, vector<8x64xf32>
    %dot_general3A_12 = arith.constant dense<0.000000e+00> : vector<4096x64xf32>
    %dot_general3A_13 = tpu.matmul %get3A_4, %get3A_11, %dot_general3A_12 {dimension_numbers = #tpu.dot_dimension_numbers<[1], [0], [0], [1], [0, 0, 1, 1], [], []>, transpose_lhs_hint = false} : vector<4096x8xf32>, vector<8x64xf32>, vector<4096x64xf32> -> vector<4096x64xf32>
    %add3A = arith.addf %dot_general3A_8, %dot_general3A_13 : vector<4096x64xf32>
    %get3A_14 = arith.constant 0 : index
    %get3A_15 = arith.constant 0 : index
    %get3A_16 = vector.load %arg5[%get3A_14, %get3A_15] : memref<1x64xf32, #tpu.memory_space<vmem>>, vector<1x64xf32>
    %add3A_17 = vector.broadcast %get3A_16 : vector<1x64xf32> to vector<4096x64xf32>
    %add3A_18 = arith.addf %add3A, %add3A_17 : vector<4096x64xf32>
    %get3A_19 = arith.constant 0 : index
    %get3A_20 = arith.constant 0 : index
    %get3A_21 = vector.load %arg6[%get3A_19, %get3A_20] : memref<1x64xf32, #tpu.memory_space<vmem>>, vector<1x64xf32>
    %mul3A = vector.broadcast %get3A_21 : vector<1x64xf32> to vector<4096x64xf32>
    %mul3A_22 = arith.mulf %add3A_18, %mul3A : vector<4096x64xf32>
    %get3A_23 = arith.constant 0 : index
    %get3A_24 = arith.constant 0 : index
    %get3A_25 = vector.load %arg7[%get3A_23, %get3A_24] : memref<1x64xf32, #tpu.memory_space<vmem>>, vector<1x64xf32>
    %add3A_26 = vector.broadcast %get3A_25 : vector<1x64xf32> to vector<4096x64xf32>
    %add3A_27 = arith.addf %mul3A_22, %add3A_26 : vector<4096x64xf32>
    %max3A = arith.constant 0.000000e+00 : f32
    %max3A_28 = vector.broadcast %max3A : f32 to vector<4096x64xf32>
    %max3A_29 = arith.maximumf %add3A_27, %max3A_28 : vector<4096x64xf32>
    %get3A_30 = arith.constant 0 : index
    %get3A_31 = arith.constant 0 : index
    %get3A_32 = vector.load %arg8[%get3A_30, %get3A_31] : memref<64x64xf32, #tpu.memory_space<vmem>>, vector<64x64xf32>
    %dot_general3A_33 = arith.constant dense<0.000000e+00> : vector<4096x64xf32>
    %dot_general3A_34 = tpu.matmul %max3A_29, %get3A_32, %dot_general3A_33 {dimension_numbers = #tpu.dot_dimension_numbers<[1], [0], [0], [1], [0, 0, 1, 1], [], []>, transpose_lhs_hint = false} : vector<4096x64xf32>, vector<64x64xf32>, vector<4096x64xf32> -> vector<4096x64xf32>
    %get3A_35 = arith.constant 0 : index
    %get3A_36 = arith.constant 0 : index
    %get3A_37 = vector.load %arg9[%get3A_35, %get3A_36] : memref<1x64xf32, #tpu.memory_space<vmem>>, vector<1x64xf32>
    %add3A_38 = vector.broadcast %get3A_37 : vector<1x64xf32> to vector<4096x64xf32>
    %add3A_39 = arith.addf %dot_general3A_34, %add3A_38 : vector<4096x64xf32>
    %reduce_sum3A = arith.constant dense<0.000000e+00> : vector<64xf32>
    %reduce_sum3A_40 = vector.multi_reduction <add>, %add3A_39, %reduce_sum3A [0] : vector<4096x64xf32> to vector<64xf32>
    %broadcast_in_dim3A = vector.shape_cast %reduce_sum3A_40 : vector<64xf32> to vector<1x64xf32>
    %mul3A_41 = arith.mulf %add3A_39, %add3A_39 : vector<4096x64xf32>
    %reduce_sum3A_42 = arith.constant dense<0.000000e+00> : vector<64xf32>
    %reduce_sum3A_43 = vector.multi_reduction <add>, %mul3A_41, %reduce_sum3A_42 [0] : vector<4096x64xf32> to vector<64xf32>
    %broadcast_in_dim3A_44 = vector.shape_cast %reduce_sum3A_43 : vector<64xf32> to vector<1x64xf32>
    %concatenate3A = tpu.concatenate %broadcast_in_dim3A, %broadcast_in_dim3A_44 in 0 : vector<1x64xf32>, vector<1x64xf32> -> vector<2x64xf32>
    %swap3A = arith.constant 0 : index
    %swap3A_45 = arith.constant 0 : index
    %swap3A_46 = arith.constant 0 : index
    %swap3A_47 = vector.load %arg10[%swap3A, %swap3A_45, %swap3A_46] : memref<1x2x64xf32, #tpu.memory_space<vmem>>, vector<1x2x64xf32>
    %swap3A_48 = vector.shape_cast %swap3A_47 : vector<1x2x64xf32> to vector<2x64xf32>
    %swap3A_49 = vector.shape_cast %concatenate3A : vector<2x64xf32> to vector<1x2x64xf32>
    tpu.vector_store %arg10[%swap3A, %swap3A_45, %swap3A_46], %swap3A_49 {strides = array<i32>} : memref<1x2x64xf32, #tpu.memory_space<vmem>>, vector<1x2x64xf32>,
    return
  }
  func.func @transform_0(%arg0: i32) -> (i32, i32) {
    %c0_i32 = arith.constant 0 : i32
    %c0_i32_0 = arith.constant 0 : i32
    return %arg0, %c0_i32 : i32, i32
  }
  func.func @transform_1(%arg0: i32) -> (i32, i32) {
    %c0_i32 = arith.constant 0 : i32
    %c0_i32_0 = arith.constant 0 : i32
    return %arg0, %c0_i32 : i32, i32
  }
  func.func @transform_2(%arg0: i32) -> (i32, i32) {
    %c0_i32 = arith.constant 0 : i32
    %c0_i32_0 = arith.constant 0 : i32
    %c0_i32_1 = arith.constant 0 : i32
    return %c0_i32, %c0_i32_0 : i32, i32
  }
  func.func @transform_3(%arg0: i32) -> (i32, i32) {
    %c0_i32 = arith.constant 0 : i32
    %c0_i32_0 = arith.constant 0 : i32
    %c0_i32_1 = arith.constant 0 : i32
    return %c0_i32, %c0_i32_0 : i32, i32
  }
  func.func @transform_4(%arg0: i32) -> (i32, i32) {
    %c0_i32 = arith.constant 0 : i32
    %c0_i32_0 = arith.constant 0 : i32
    %c0_i32_1 = arith.constant 0 : i32
    return %c0_i32, %c0_i32_0 : i32, i32
  }
  func.func @transform_5(%arg0: i32) -> (i32, i32) {
    %c0_i32 = arith.constant 0 : i32
    %c0_i32_0 = arith.constant 0 : i32
    %c0_i32_1 = arith.constant 0 : i32
    return %c0_i32, %c0_i32_0 : i32, i32
  }
  func.func @transform_6(%arg0: i32) -> (i32, i32) {
    %c0_i32 = arith.constant 0 : i32
    %c0_i32_0 = arith.constant 0 : i32
    %c0_i32_1 = arith.constant 0 : i32
    return %c0_i32, %c0_i32_0 : i32, i32
  }
  func.func @transform_7(%arg0: i32) -> (i32, i32) {
    %c0_i32 = arith.constant 0 : i32
    %c0_i32_0 = arith.constant 0 : i32
    %c0_i32_1 = arith.constant 0 : i32
    return %c0_i32, %c0_i32_0 : i32, i32
  }
  func.func @transform_8(%arg0: i32) -> (i32, i32) {
    %c0_i32 = arith.constant 0 : i32
    %c0_i32_0 = arith.constant 0 : i32
    %c0_i32_1 = arith.constant 0 : i32
    return %c0_i32, %c0_i32_0 : i32, i32
  }
  func.func @transform_9(%arg0: i32) -> (i32, i32, i32) {
    %c0_i32 = arith.constant 0 : i32
    %c0_i32_0 = arith.constant 0 : i32
    %c0_i32_1 = arith.constant 0 : i32
    return %arg0, %c0_i32, %c0_i32_0 : i32, i32, i32
  }
}

module attributes {stable_mosaic.version = 14 : i64} {
  func.func @_stats_body(%arg0: i32, %arg1: memref<4096x128xf32, #tpu.memory_space<vmem>>, %arg2: memref<4096x8xf32, #tpu.memory_space<vmem>>, %arg3: memref<128x64xf32, #tpu.memory_space<vmem>>, %arg4: memref<8x64xf32, #tpu.memory_space<vmem>>, %arg5: memref<1x64xf32, #tpu.memory_space<vmem>>, %arg6: memref<1x64xf32, #tpu.memory_space<vmem>>, %arg7: memref<1x64xf32, #tpu.memory_space<vmem>>, %arg8: memref<64x64xf32, #tpu.memory_space<vmem>>, %arg9: memref<1x64xf32, #tpu.memory_space<vmem>>, %arg10: memref<1x64xf32, #tpu.memory_space<vmem>>, %arg11: memref<1x64xf32, #tpu.memory_space<vmem>>, %arg12: memref<64x128xf32, #tpu.memory_space<vmem>>, %arg13: memref<1x128xf32, #tpu.memory_space<vmem>>, %arg14: memref<1x2x128xf32, #tpu.memory_space<vmem>>) attributes {dimension_semantics = [#tpu.dimension_semantics<parallel>], iteration_bounds = array<i64: 64>, scalar_prefetch = 0 : i64, scratch_operands = 0 : i64, tpu.core_type = #tpu.core_type<tc>, window_params = [{transform_indices = @transform_0, window_bounds = array<i64: 4096, 128>}, {transform_indices = @transform_1, window_bounds = array<i64: 4096, 8>}, {pipeline_mode = #tpu.pipeline_mode<synchronous>, transform_indices = @transform_2, window_bounds = array<i64: 128, 64>}, {pipeline_mode = #tpu.pipeline_mode<synchronous>, transform_indices = @transform_3, window_bounds = array<i64: 8, 64>}, {pipeline_mode = #tpu.pipeline_mode<synchronous>, transform_indices = @transform_4, window_bounds = array<i64: 1, 64>}, {pipeline_mode = #tpu.pipeline_mode<synchronous>, transform_indices = @transform_5, window_bounds = array<i64: 1, 64>}, {pipeline_mode = #tpu.pipeline_mode<synchronous>, transform_indices = @transform_6, window_bounds = array<i64: 1, 64>}, {pipeline_mode = #tpu.pipeline_mode<synchronous>, transform_indices = @transform_7, window_bounds = array<i64: 64, 64>}, {pipeline_mode = #tpu.pipeline_mode<synchronous>, transform_indices = @transform_8, window_bounds = array<i64: 1, 64>}, {pipeline_mode = #tpu.pipeline_mode<synchronous>, transform_indices = @transform_9, window_bounds = array<i64: 1, 64>}, {pipeline_mode = #tpu.pipeline_mode<synchronous>, transform_indices = @transform_10, window_bounds = array<i64: 1, 64>}, {pipeline_mode = #tpu.pipeline_mode<synchronous>, transform_indices = @transform_11, window_bounds = array<i64: 64, 128>}, {pipeline_mode = #tpu.pipeline_mode<synchronous>, transform_indices = @transform_12, window_bounds = array<i64: 1, 128>}, {transform_indices = @transform_13, window_bounds = array<i64: 1, 2, 128>}]} {
    %get3A = arith.constant 0 : index
    %get3A_0 = arith.constant 0 : index
    %get3A_1 = vector.load %arg1[%get3A, %get3A_0] : memref<4096x128xf32, #tpu.memory_space<vmem>>, vector<4096x128xf32>
    %get3A_2 = arith.constant 0 : index
    %get3A_3 = arith.constant 0 : index
    %get3A_4 = vector.load %arg2[%get3A_2, %get3A_3] : memref<4096x8xf32, #tpu.memory_space<vmem>>, vector<4096x8xf32>
    %get3A_5 = arith.constant 0 : index
    %get3A_6 = arith.constant 0 : index
    %get3A_7 = vector.load %arg3[%get3A_5, %get3A_6] : memref<128x64xf32, #tpu.memory_space<vmem>>, vector<128x64xf32>
    %dot_general3A = arith.constant dense<0.000000e+00> : vector<4096x64xf32>
    %dot_general3A_8 = tpu.matmul %get3A_1, %get3A_7, %dot_general3A {dimension_numbers = #tpu.dot_dimension_numbers<[1], [0], [0], [1], [0, 0, 1, 1], [], []>, transpose_lhs_hint = false} : vector<4096x128xf32>, vector<128x64xf32>, vector<4096x64xf32> -> vector<4096x64xf32>
    %get3A_9 = arith.constant 0 : index
    %get3A_10 = arith.constant 0 : index
    %get3A_11 = vector.load %arg4[%get3A_9, %get3A_10] : memref<8x64xf32, #tpu.memory_space<vmem>>, vector<8x64xf32>
    %dot_general3A_12 = arith.constant dense<0.000000e+00> : vector<4096x64xf32>
    %dot_general3A_13 = tpu.matmul %get3A_4, %get3A_11, %dot_general3A_12 {dimension_numbers = #tpu.dot_dimension_numbers<[1], [0], [0], [1], [0, 0, 1, 1], [], []>, transpose_lhs_hint = false} : vector<4096x8xf32>, vector<8x64xf32>, vector<4096x64xf32> -> vector<4096x64xf32>
    %add3A = arith.addf %dot_general3A_8, %dot_general3A_13 : vector<4096x64xf32>
    %get3A_14 = arith.constant 0 : index
    %get3A_15 = arith.constant 0 : index
    %get3A_16 = vector.load %arg5[%get3A_14, %get3A_15] : memref<1x64xf32, #tpu.memory_space<vmem>>, vector<1x64xf32>
    %add3A_17 = vector.broadcast %get3A_16 : vector<1x64xf32> to vector<4096x64xf32>
    %add3A_18 = arith.addf %add3A, %add3A_17 : vector<4096x64xf32>
    %get3A_19 = arith.constant 0 : index
    %get3A_20 = arith.constant 0 : index
    %get3A_21 = vector.load %arg6[%get3A_19, %get3A_20] : memref<1x64xf32, #tpu.memory_space<vmem>>, vector<1x64xf32>
    %mul3A = vector.broadcast %get3A_21 : vector<1x64xf32> to vector<4096x64xf32>
    %mul3A_22 = arith.mulf %add3A_18, %mul3A : vector<4096x64xf32>
    %get3A_23 = arith.constant 0 : index
    %get3A_24 = arith.constant 0 : index
    %get3A_25 = vector.load %arg7[%get3A_23, %get3A_24] : memref<1x64xf32, #tpu.memory_space<vmem>>, vector<1x64xf32>
    %add3A_26 = vector.broadcast %get3A_25 : vector<1x64xf32> to vector<4096x64xf32>
    %add3A_27 = arith.addf %mul3A_22, %add3A_26 : vector<4096x64xf32>
    %max3A = arith.constant 0.000000e+00 : f32
    %max3A_28 = vector.broadcast %max3A : f32 to vector<4096x64xf32>
    %max3A_29 = arith.maximumf %add3A_27, %max3A_28 : vector<4096x64xf32>
    %get3A_30 = arith.constant 0 : index
    %get3A_31 = arith.constant 0 : index
    %get3A_32 = vector.load %arg8[%get3A_30, %get3A_31] : memref<64x64xf32, #tpu.memory_space<vmem>>, vector<64x64xf32>
    %dot_general3A_33 = arith.constant dense<0.000000e+00> : vector<4096x64xf32>
    %dot_general3A_34 = tpu.matmul %max3A_29, %get3A_32, %dot_general3A_33 {dimension_numbers = #tpu.dot_dimension_numbers<[1], [0], [0], [1], [0, 0, 1, 1], [], []>, transpose_lhs_hint = false} : vector<4096x64xf32>, vector<64x64xf32>, vector<4096x64xf32> -> vector<4096x64xf32>
    %get3A_35 = arith.constant 0 : index
    %get3A_36 = arith.constant 0 : index
    %get3A_37 = vector.load %arg9[%get3A_35, %get3A_36] : memref<1x64xf32, #tpu.memory_space<vmem>>, vector<1x64xf32>
    %add3A_38 = vector.broadcast %get3A_37 : vector<1x64xf32> to vector<4096x64xf32>
    %add3A_39 = arith.addf %dot_general3A_34, %add3A_38 : vector<4096x64xf32>
    %get3A_40 = arith.constant 0 : index
    %get3A_41 = arith.constant 0 : index
    %get3A_42 = vector.load %arg10[%get3A_40, %get3A_41] : memref<1x64xf32, #tpu.memory_space<vmem>>, vector<1x64xf32>
    %mul3A_43 = vector.broadcast %get3A_42 : vector<1x64xf32> to vector<4096x64xf32>
    %mul3A_44 = arith.mulf %add3A_39, %mul3A_43 : vector<4096x64xf32>
    %get3A_45 = arith.constant 0 : index
    %get3A_46 = arith.constant 0 : index
    %get3A_47 = vector.load %arg11[%get3A_45, %get3A_46] : memref<1x64xf32, #tpu.memory_space<vmem>>, vector<1x64xf32>
    %add3A_48 = vector.broadcast %get3A_47 : vector<1x64xf32> to vector<4096x64xf32>
    %add3A_49 = arith.addf %mul3A_44, %add3A_48 : vector<4096x64xf32>
    %max3A_50 = arith.constant 0.000000e+00 : f32
    %max3A_51 = vector.broadcast %max3A_50 : f32 to vector<4096x64xf32>
    %max3A_52 = arith.maximumf %add3A_49, %max3A_51 : vector<4096x64xf32>
    %get3A_53 = arith.constant 0 : index
    %get3A_54 = arith.constant 0 : index
    %get3A_55 = vector.load %arg12[%get3A_53, %get3A_54] : memref<64x128xf32, #tpu.memory_space<vmem>>, vector<64x128xf32>
    %dot_general3A_56 = arith.constant dense<0.000000e+00> : vector<4096x128xf32>
    %dot_general3A_57 = tpu.matmul %max3A_52, %get3A_55, %dot_general3A_56 {dimension_numbers = #tpu.dot_dimension_numbers<[1], [0], [0], [1], [0, 0, 1, 1], [], []>, transpose_lhs_hint = false} : vector<4096x64xf32>, vector<64x128xf32>, vector<4096x128xf32> -> vector<4096x128xf32>
    %get3A_58 = arith.constant 0 : index
    %get3A_59 = arith.constant 0 : index
    %get3A_60 = vector.load %arg13[%get3A_58, %get3A_59] : memref<1x128xf32, #tpu.memory_space<vmem>>, vector<1x128xf32>
    %add3A_61 = vector.broadcast %get3A_60 : vector<1x128xf32> to vector<4096x128xf32>
    %add3A_62 = arith.addf %dot_general3A_57, %add3A_61 : vector<4096x128xf32>
    %reduce_sum3A = arith.constant dense<0.000000e+00> : vector<128xf32>
    %reduce_sum3A_63 = vector.multi_reduction <add>, %add3A_62, %reduce_sum3A [0] : vector<4096x128xf32> to vector<128xf32>
    %broadcast_in_dim3A = vector.shape_cast %reduce_sum3A_63 : vector<128xf32> to vector<1x128xf32>
    %mul3A_64 = arith.mulf %add3A_62, %add3A_62 : vector<4096x128xf32>
    %reduce_sum3A_65 = arith.constant dense<0.000000e+00> : vector<128xf32>
    %reduce_sum3A_66 = vector.multi_reduction <add>, %mul3A_64, %reduce_sum3A_65 [0] : vector<4096x128xf32> to vector<128xf32>
    %broadcast_in_dim3A_67 = vector.shape_cast %reduce_sum3A_66 : vector<128xf32> to vector<1x128xf32>
    %concatenate3A = tpu.concatenate %broadcast_in_dim3A, %broadcast_in_dim3A_67 in 0 : vector<1x128xf32>, vector<1x128xf32> -> vector<2x128xf32>
    %swap3A = arith.constant 0 : index
    %swap3A_68 = arith.constant 0 : index
    %swap3A_69 = arith.constant 0 : index
    %swap3A_70 = vector.load %arg14[%swap3A, %swap3A_68, %swap3A_69] : memref<1x2x128xf32, #tpu.memory_space<vmem>>, vector<1x2x128xf32>
    %swap3A_71 = vector.shape_cast %swap3A_70 : vector<1x2x128xf32> to vector<2x128xf32>
    %swap3A_72 = vector.shape_cast %concatenate3A : vector<2x128xf32> to vector<1x2x128xf32>
    tpu.vector_store %arg14[%swap3A, %swap3A_68, %swap3A_69], %swap3A_72 {strides = array<i32>} : memref<1x2x128xf32, #tpu.memory_space<vmem>>, vector<1x2x128xf32>,
    return
  }
  func.func @transform_0(%arg0: i32) -> (i32, i32) {
    %c0_i32 = arith.constant 0 : i32
    %c0_i32_0 = arith.constant 0 : i32
    return %arg0, %c0_i32 : i32, i32
  }
  func.func @transform_1(%arg0: i32) -> (i32, i32) {
    %c0_i32 = arith.constant 0 : i32
    %c0_i32_0 = arith.constant 0 : i32
    return %arg0, %c0_i32 : i32, i32
  }
  func.func @transform_2(%arg0: i32) -> (i32, i32) {
    %c0_i32 = arith.constant 0 : i32
    %c0_i32_0 = arith.constant 0 : i32
    %c0_i32_1 = arith.constant 0 : i32
    return %c0_i32, %c0_i32_0 : i32, i32
  }
  func.func @transform_3(%arg0: i32) -> (i32, i32) {
    %c0_i32 = arith.constant 0 : i32
    %c0_i32_0 = arith.constant 0 : i32
    %c0_i32_1 = arith.constant 0 : i32
    return %c0_i32, %c0_i32_0 : i32, i32
  }
  func.func @transform_4(%arg0: i32) -> (i32, i32) {
    %c0_i32 = arith.constant 0 : i32
    %c0_i32_0 = arith.constant 0 : i32
    %c0_i32_1 = arith.constant 0 : i32
    return %c0_i32, %c0_i32_0 : i32, i32
  }
  func.func @transform_5(%arg0: i32) -> (i32, i32) {
    %c0_i32 = arith.constant 0 : i32
    %c0_i32_0 = arith.constant 0 : i32
    %c0_i32_1 = arith.constant 0 : i32
    return %c0_i32, %c0_i32_0 : i32, i32
  }
  func.func @transform_6(%arg0: i32) -> (i32, i32) {
    %c0_i32 = arith.constant 0 : i32
    %c0_i32_0 = arith.constant 0 : i32
    %c0_i32_1 = arith.constant 0 : i32
    return %c0_i32, %c0_i32_0 : i32, i32
  }
  func.func @transform_7(%arg0: i32) -> (i32, i32) {
    %c0_i32 = arith.constant 0 : i32
    %c0_i32_0 = arith.constant 0 : i32
    %c0_i32_1 = arith.constant 0 : i32
    return %c0_i32, %c0_i32_0 : i32, i32
  }
  func.func @transform_8(%arg0: i32) -> (i32, i32) {
    %c0_i32 = arith.constant 0 : i32
    %c0_i32_0 = arith.constant 0 : i32
    %c0_i32_1 = arith.constant 0 : i32
    return %c0_i32, %c0_i32_0 : i32, i32
  }
  func.func @transform_9(%arg0: i32) -> (i32, i32) {
    %c0_i32 = arith.constant 0 : i32
    %c0_i32_0 = arith.constant 0 : i32
    %c0_i32_1 = arith.constant 0 : i32
    return %c0_i32, %c0_i32_0 : i32, i32
  }
  func.func @transform_10(%arg0: i32) -> (i32, i32) {
    %c0_i32 = arith.constant 0 : i32
    %c0_i32_0 = arith.constant 0 : i32
    %c0_i32_1 = arith.constant 0 : i32
    return %c0_i32, %c0_i32_0 : i32, i32
  }
  func.func @transform_11(%arg0: i32) -> (i32, i32) {
    %c0_i32 = arith.constant 0 : i32
    %c0_i32_0 = arith.constant 0 : i32
    %c0_i32_1 = arith.constant 0 : i32
    return %c0_i32, %c0_i32_0 : i32, i32
  }
  func.func @transform_12(%arg0: i32) -> (i32, i32) {
    %c0_i32 = arith.constant 0 : i32
    %c0_i32_0 = arith.constant 0 : i32
    %c0_i32_1 = arith.constant 0 : i32
    return %c0_i32, %c0_i32_0 : i32, i32
  }
  func.func @transform_13(%arg0: i32) -> (i32, i32, i32) {
    %c0_i32 = arith.constant 0 : i32
    %c0_i32_0 = arith.constant 0 : i32
    %c0_i32_1 = arith.constant 0 : i32
    return %arg0, %c0_i32, %c0_i32_0 : i32, i32, i32
  }
}

module attributes {stable_mosaic.version = 14 : i64} {
  func.func @_final_body(%arg0: i32, %arg1: memref<4096x128xf32, #tpu.memory_space<vmem>>, %arg2: memref<4096x8xf32, #tpu.memory_space<vmem>>, %arg3: memref<128x64xf32, #tpu.memory_space<vmem>>, %arg4: memref<8x64xf32, #tpu.memory_space<vmem>>, %arg5: memref<1x64xf32, #tpu.memory_space<vmem>>, %arg6: memref<1x64xf32, #tpu.memory_space<vmem>>, %arg7: memref<1x64xf32, #tpu.memory_space<vmem>>, %arg8: memref<64x64xf32, #tpu.memory_space<vmem>>, %arg9: memref<1x64xf32, #tpu.memory_space<vmem>>, %arg10: memref<1x64xf32, #tpu.memory_space<vmem>>, %arg11: memref<1x64xf32, #tpu.memory_space<vmem>>, %arg12: memref<64x128xf32, #tpu.memory_space<vmem>>, %arg13: memref<1x128xf32, #tpu.memory_space<vmem>>, %arg14: memref<1x128xf32, #tpu.memory_space<vmem>>, %arg15: memref<1x128xf32, #tpu.memory_space<vmem>>, %arg16: memref<128x128xf32, #tpu.memory_space<vmem>>) attributes {dimension_semantics = [#tpu.dimension_semantics<parallel>], iteration_bounds = array<i64: 64>, scalar_prefetch = 0 : i64, scratch_operands = 0 : i64, tpu.core_type = #tpu.core_type<tc>, window_params = [{transform_indices = @transform_0, window_bounds = array<i64: 4096, 128>}, {transform_indices = @transform_1, window_bounds = array<i64: 4096, 8>}, {pipeline_mode = #tpu.pipeline_mode<synchronous>, transform_indices = @transform_2, window_bounds = array<i64: 128, 64>}, {pipeline_mode = #tpu.pipeline_mode<synchronous>, transform_indices = @transform_3, window_bounds = array<i64: 8, 64>}, {pipeline_mode = #tpu.pipeline_mode<synchronous>, transform_indices = @transform_4, window_bounds = array<i64: 1, 64>}, {pipeline_mode = #tpu.pipeline_mode<synchronous>, transform_indices = @transform_5, window_bounds = array<i64: 1, 64>}, {pipeline_mode = #tpu.pipeline_mode<synchronous>, transform_indices = @transform_6, window_bounds = array<i64: 1, 64>}, {pipeline_mode = #tpu.pipeline_mode<synchronous>, transform_indices = @transform_7, window_bounds = array<i64: 64, 64>}, {pipeline_mode = #tpu.pipeline_mode<synchronous>, transform_indices = @transform_8, window_bounds = array<i64: 1, 64>}, {pipeline_mode = #tpu.pipeline_mode<synchronous>, transform_indices = @transform_9, window_bounds = array<i64: 1, 64>}, {pipeline_mode = #tpu.pipeline_mode<synchronous>, transform_indices = @transform_10, window_bounds = array<i64: 1, 64>}, {pipeline_mode = #tpu.pipeline_mode<synchronous>, transform_indices = @transform_11, window_bounds = array<i64: 64, 128>}, {pipeline_mode = #tpu.pipeline_mode<synchronous>, transform_indices = @transform_12, window_bounds = array<i64: 1, 128>}, {pipeline_mode = #tpu.pipeline_mode<synchronous>, transform_indices = @transform_13, window_bounds = array<i64: 1, 128>}, {pipeline_mode = #tpu.pipeline_mode<synchronous>, transform_indices = @transform_14, window_bounds = array<i64: 1, 128>}, {transform_indices = @transform_15, window_bounds = array<i64: 128, 128>}]} {
    %get3A = arith.constant 0 : index
    %get3A_0 = arith.constant 0 : index
    %get3A_1 = vector.load %arg1[%get3A, %get3A_0] : memref<4096x128xf32, #tpu.memory_space<vmem>>, vector<4096x128xf32>
    %get3A_2 = arith.constant 0 : index
    %get3A_3 = arith.constant 0 : index
    %get3A_4 = vector.load %arg2[%get3A_2, %get3A_3] : memref<4096x8xf32, #tpu.memory_space<vmem>>, vector<4096x8xf32>
    %get3A_5 = arith.constant 0 : index
    %get3A_6 = arith.constant 0 : index
    %get3A_7 = vector.load %arg3[%get3A_5, %get3A_6] : memref<128x64xf32, #tpu.memory_space<vmem>>, vector<128x64xf32>
    %dot_general3A = arith.constant dense<0.000000e+00> : vector<4096x64xf32>
    %dot_general3A_8 = tpu.matmul %get3A_1, %get3A_7, %dot_general3A {dimension_numbers = #tpu.dot_dimension_numbers<[1], [0], [0], [1], [0, 0, 1, 1], [], []>, transpose_lhs_hint = false} : vector<4096x128xf32>, vector<128x64xf32>, vector<4096x64xf32> -> vector<4096x64xf32>
    %get3A_9 = arith.constant 0 : index
    %get3A_10 = arith.constant 0 : index
    %get3A_11 = vector.load %arg4[%get3A_9, %get3A_10] : memref<8x64xf32, #tpu.memory_space<vmem>>, vector<8x64xf32>
    %dot_general3A_12 = arith.constant dense<0.000000e+00> : vector<4096x64xf32>
    %dot_general3A_13 = tpu.matmul %get3A_4, %get3A_11, %dot_general3A_12 {dimension_numbers = #tpu.dot_dimension_numbers<[1], [0], [0], [1], [0, 0, 1, 1], [], []>, transpose_lhs_hint = false} : vector<4096x8xf32>, vector<8x64xf32>, vector<4096x64xf32> -> vector<4096x64xf32>
    %add3A = arith.addf %dot_general3A_8, %dot_general3A_13 : vector<4096x64xf32>
    %get3A_14 = arith.constant 0 : index
    %get3A_15 = arith.constant 0 : index
    %get3A_16 = vector.load %arg5[%get3A_14, %get3A_15] : memref<1x64xf32, #tpu.memory_space<vmem>>, vector<1x64xf32>
    %add3A_17 = vector.broadcast %get3A_16 : vector<1x64xf32> to vector<4096x64xf32>
    %add3A_18 = arith.addf %add3A, %add3A_17 : vector<4096x64xf32>
    %get3A_19 = arith.constant 0 : index
    %get3A_20 = arith.constant 0 : index
    %get3A_21 = vector.load %arg6[%get3A_19, %get3A_20] : memref<1x64xf32, #tpu.memory_space<vmem>>, vector<1x64xf32>
    %mul3A = vector.broadcast %get3A_21 : vector<1x64xf32> to vector<4096x64xf32>
    %mul3A_22 = arith.mulf %add3A_18, %mul3A : vector<4096x64xf32>
    %get3A_23 = arith.constant 0 : index
    %get3A_24 = arith.constant 0 : index
    %get3A_25 = vector.load %arg7[%get3A_23, %get3A_24] : memref<1x64xf32, #tpu.memory_space<vmem>>, vector<1x64xf32>
    %add3A_26 = vector.broadcast %get3A_25 : vector<1x64xf32> to vector<4096x64xf32>
    %add3A_27 = arith.addf %mul3A_22, %add3A_26 : vector<4096x64xf32>
    %max3A = arith.constant 0.000000e+00 : f32
    %max3A_28 = vector.broadcast %max3A : f32 to vector<4096x64xf32>
    %max3A_29 = arith.maximumf %add3A_27, %max3A_28 : vector<4096x64xf32>
    %get3A_30 = arith.constant 0 : index
    %get3A_31 = arith.constant 0 : index
    %get3A_32 = vector.load %arg8[%get3A_30, %get3A_31] : memref<64x64xf32, #tpu.memory_space<vmem>>, vector<64x64xf32>
    %dot_general3A_33 = arith.constant dense<0.000000e+00> : vector<4096x64xf32>
    %dot_general3A_34 = tpu.matmul %max3A_29, %get3A_32, %dot_general3A_33 {dimension_numbers = #tpu.dot_dimension_numbers<[1], [0], [0], [1], [0, 0, 1, 1], [], []>, transpose_lhs_hint = false} : vector<4096x64xf32>, vector<64x64xf32>, vector<4096x64xf32> -> vector<4096x64xf32>
    %get3A_35 = arith.constant 0 : index
    %get3A_36 = arith.constant 0 : index
    %get3A_37 = vector.load %arg9[%get3A_35, %get3A_36] : memref<1x64xf32, #tpu.memory_space<vmem>>, vector<1x64xf32>
    %add3A_38 = vector.broadcast %get3A_37 : vector<1x64xf32> to vector<4096x64xf32>
    %add3A_39 = arith.addf %dot_general3A_34, %add3A_38 : vector<4096x64xf32>
    %get3A_40 = arith.constant 0 : index
    %get3A_41 = arith.constant 0 : index
    %get3A_42 = vector.load %arg10[%get3A_40, %get3A_41] : memref<1x64xf32, #tpu.memory_space<vmem>>, vector<1x64xf32>
    %mul3A_43 = vector.broadcast %get3A_42 : vector<1x64xf32> to vector<4096x64xf32>
    %mul3A_44 = arith.mulf %add3A_39, %mul3A_43 : vector<4096x64xf32>
    %get3A_45 = arith.constant 0 : index
    %get3A_46 = arith.constant 0 : index
    %get3A_47 = vector.load %arg11[%get3A_45, %get3A_46] : memref<1x64xf32, #tpu.memory_space<vmem>>, vector<1x64xf32>
    %add3A_48 = vector.broadcast %get3A_47 : vector<1x64xf32> to vector<4096x64xf32>
    %add3A_49 = arith.addf %mul3A_44, %add3A_48 : vector<4096x64xf32>
    %max3A_50 = arith.constant 0.000000e+00 : f32
    %max3A_51 = vector.broadcast %max3A_50 : f32 to vector<4096x64xf32>
    %max3A_52 = arith.maximumf %add3A_49, %max3A_51 : vector<4096x64xf32>
    %get3A_53 = arith.constant 0 : index
    %get3A_54 = arith.constant 0 : index
    %get3A_55 = vector.load %arg12[%get3A_53, %get3A_54] : memref<64x128xf32, #tpu.memory_space<vmem>>, vector<64x128xf32>
    %dot_general3A_56 = arith.constant dense<0.000000e+00> : vector<4096x128xf32>
    %dot_general3A_57 = tpu.matmul %max3A_52, %get3A_55, %dot_general3A_56 {dimension_numbers = #tpu.dot_dimension_numbers<[1], [0], [0], [1], [0, 0, 1, 1], [], []>, transpose_lhs_hint = false} : vector<4096x64xf32>, vector<64x128xf32>, vector<4096x128xf32> -> vector<4096x128xf32>
    %get3A_58 = arith.constant 0 : index
    %get3A_59 = arith.constant 0 : index
    %get3A_60 = vector.load %arg13[%get3A_58, %get3A_59] : memref<1x128xf32, #tpu.memory_space<vmem>>, vector<1x128xf32>
    %add3A_61 = vector.broadcast %get3A_60 : vector<1x128xf32> to vector<4096x128xf32>
    %add3A_62 = arith.addf %dot_general3A_57, %add3A_61 : vector<4096x128xf32>
    %get3A_63 = arith.constant 0 : index
    %get3A_64 = arith.constant 0 : index
    %get3A_65 = vector.load %arg14[%get3A_63, %get3A_64] : memref<1x128xf32, #tpu.memory_space<vmem>>, vector<1x128xf32>
    %mul3A_66 = vector.broadcast %get3A_65 : vector<1x128xf32> to vector<4096x128xf32>
    %mul3A_67 = arith.mulf %add3A_62, %mul3A_66 : vector<4096x128xf32>
    %get3A_68 = arith.constant 0 : index
    %get3A_69 = arith.constant 0 : index
    %get3A_70 = vector.load %arg15[%get3A_68, %get3A_69] : memref<1x128xf32, #tpu.memory_space<vmem>>, vector<1x128xf32>
    %add3A_71 = vector.broadcast %get3A_70 : vector<1x128xf32> to vector<4096x128xf32>
    %add3A_72 = arith.addf %mul3A_67, %add3A_71 : vector<4096x128xf32>
    %max3A_73 = arith.constant 0.000000e+00 : f32
    %max3A_74 = vector.broadcast %max3A_73 : f32 to vector<4096x128xf32>
    %max3A_75 = arith.maximumf %add3A_72, %max3A_74 : vector<4096x128xf32>
    %reshape3A = vector.shape_cast %max3A_75 : vector<4096x128xf32> to vector<128x32x128xf32>
    %reduce_max3A = arith.constant dense<0xFF800000> : vector<128x128xf32>
    %reduce_max3A_76 = vector.multi_reduction <maximumf>, %reshape3A, %reduce_max3A [1] : vector<128x32x128xf32> to vector<128x128xf32>
    %swap3A = arith.constant 0 : index
    %swap3A_77 = arith.constant 0 : index
    %swap3A_78 = vector.load %arg16[%swap3A, %swap3A_77] : memref<128x128xf32, #tpu.memory_space<vmem>>, vector<128x128xf32>
    tpu.vector_store %arg16[%swap3A, %swap3A_77], %reduce_max3A_76 {strides = array<i32>} : memref<128x128xf32, #tpu.memory_space<vmem>>, vector<128x128xf32>,
    return
  }
  func.func @transform_0(%arg0: i32) -> (i32, i32) {
    %c0_i32 = arith.constant 0 : i32
    %c0_i32_0 = arith.constant 0 : i32
    return %arg0, %c0_i32 : i32, i32
  }
  func.func @transform_1(%arg0: i32) -> (i32, i32) {
    %c0_i32 = arith.constant 0 : i32
    %c0_i32_0 = arith.constant 0 : i32
    return %arg0, %c0_i32 : i32, i32
  }
  func.func @transform_2(%arg0: i32) -> (i32, i32) {
    %c0_i32 = arith.constant 0 : i32
    %c0_i32_0 = arith.constant 0 : i32
    %c0_i32_1 = arith.constant 0 : i32
    return %c0_i32, %c0_i32_0 : i32, i32
  }
  func.func @transform_3(%arg0: i32) -> (i32, i32) {
    %c0_i32 = arith.constant 0 : i32
    %c0_i32_0 = arith.constant 0 : i32
    %c0_i32_1 = arith.constant 0 : i32
    return %c0_i32, %c0_i32_0 : i32, i32
  }
  func.func @transform_4(%arg0: i32) -> (i32, i32) {
    %c0_i32 = arith.constant 0 : i32
    %c0_i32_0 = arith.constant 0 : i32
    %c0_i32_1 = arith.constant 0 : i32
    return %c0_i32, %c0_i32_0 : i32, i32
  }
  func.func @transform_5(%arg0: i32) -> (i32, i32) {
    %c0_i32 = arith.constant 0 : i32
    %c0_i32_0 = arith.constant 0 : i32
    %c0_i32_1 = arith.constant 0 : i32
    return %c0_i32, %c0_i32_0 : i32, i32
  }
  func.func @transform_6(%arg0: i32) -> (i32, i32) {
    %c0_i32 = arith.constant 0 : i32
    %c0_i32_0 = arith.constant 0 : i32
    %c0_i32_1 = arith.constant 0 : i32
    return %c0_i32, %c0_i32_0 : i32, i32
  }
  func.func @transform_7(%arg0: i32) -> (i32, i32) {
    %c0_i32 = arith.constant 0 : i32
    %c0_i32_0 = arith.constant 0 : i32
    %c0_i32_1 = arith.constant 0 : i32
    return %c0_i32, %c0_i32_0 : i32, i32
  }
  func.func @transform_8(%arg0: i32) -> (i32, i32) {
    %c0_i32 = arith.constant 0 : i32
    %c0_i32_0 = arith.constant 0 : i32
    %c0_i32_1 = arith.constant 0 : i32
    return %c0_i32, %c0_i32_0 : i32, i32
  }
  func.func @transform_9(%arg0: i32) -> (i32, i32) {
    %c0_i32 = arith.constant 0 : i32
    %c0_i32_0 = arith.constant 0 : i32
    %c0_i32_1 = arith.constant 0 : i32
    return %c0_i32, %c0_i32_0 : i32, i32
  }
  func.func @transform_10(%arg0: i32) -> (i32, i32) {
    %c0_i32 = arith.constant 0 : i32
    %c0_i32_0 = arith.constant 0 : i32
    %c0_i32_1 = arith.constant 0 : i32
    return %c0_i32, %c0_i32_0 : i32, i32
  }
  func.func @transform_11(%arg0: i32) -> (i32, i32) {
    %c0_i32 = arith.constant 0 : i32
    %c0_i32_0 = arith.constant 0 : i32
    %c0_i32_1 = arith.constant 0 : i32
    return %c0_i32, %c0_i32_0 : i32, i32
  }
  func.func @transform_12(%arg0: i32) -> (i32, i32) {
    %c0_i32 = arith.constant 0 : i32
    %c0_i32_0 = arith.constant 0 : i32
    %c0_i32_1 = arith.constant 0 : i32
    return %c0_i32, %c0_i32_0 : i32, i32
  }
  func.func @transform_13(%arg0: i32) -> (i32, i32) {
    %c0_i32 = arith.constant 0 : i32
    %c0_i32_0 = arith.constant 0 : i32
    %c0_i32_1 = arith.constant 0 : i32
    return %c0_i32, %c0_i32_0 : i32, i32
  }
  func.func @transform_14(%arg0: i32) -> (i32, i32) {
    %c0_i32 = arith.constant 0 : i32
    %c0_i32_0 = arith.constant 0 : i32
    %c0_i32_1 = arith.constant 0 : i32
    return %c0_i32, %c0_i32_0 : i32, i32
  }
  func.func @transform_15(%arg0: i32) -> (i32, i32) {
    %c0_i32 = arith.constant 0 : i32
    %c0_i32_0 = arith.constant 0 : i32
    return %arg0, %c0_i32 : i32, i32
  }
}

</mosaic_0001>

<sc_bundles>
// kernel: kernel.10.cloned.1.call-start
scs
__scs_entry_jumppad:
0x0: {  	(pc) =	sbr.rel $0x88, $3  }
0x1: {  	(tag) =	ssettag $0x0;
	lr =	simm.s32 $0x1  }
0x2: {  	[smem:$0x3F92] =	sst lr;
	_ =	strace $0xD0000000  }
0x3: {  	_ = 	snop  }
0x4: {  	_ = 	snop  }
0x5: {  	_ = 	snop  }
0x6: {  	_ = 	snop  }
0x7: {  	_ = 	snop  }
__scs_overlays_trampoline_lowered:
0x8: {  	[smem:$0x3FA1] =	sst s0  }
0x9: {  	[smem:$0x3FA2] =	sst s1  }
0xa: {  	[smem:$0x3FA3] =	sst s2  }
0xb: {  	[smem:$0x3FA4] =	sst s3  }
0xc: {  	[smem:$0x3FA5] =	sst s4  }
0xd: {  	[smem:$0x3FA6] =	sst s5  }
0xe: {  	[smem:$0x3FA7] =	sst s6  }
0xf: {  	[smem:$0x3FA8] =	sst s7  }
0x10: {  	[smem:$0x3FA9] =	sst s8  }
0x11: {  	[smem:$0x3FAA] =	sst s9;
	s0 =	simm.s32 @!p0 $0x0  }
0x12: {  	s1 =	sld [smem:$0x3F90];
	s0 =	simm.s32 @p0 $0x1  }
0x13: {  	[smem:$0x3FAB] =	sst s0;
	s0 =	simm.s32 @!p1 $0x0  }
0x14: {  	s2 =	sld [smem:$0x3F8F];
	s0 =	simm.s32 @p1 $0x1  }
0x15: {  	[smem:$0x3FAC] =	sst s0;
	s0 =	simm.s32 @!p2 $0x0  }
0x16: {  	s3 =	sld [smem:$0x3FDB];
	s0 =	simm.s32 @p2 $0x1  }
0x17: {  	s4 =	simm.s32 $0x1BF5;
	[smem:$0x3FAE] =	sst s0  }
0x18: {  	s0 =	sld [smem:$0x3F91];
	_ =	swait.ge [sflag:s4], $0x0  }
0x19: {  	s7 =	sld [smem:$0x3F92]  }
0x1a: {  	s8 =	sadd.s32 $0xFFFFE003, lr  }
0x1b: {  	s9 =	sadd.s32 $0xFFFFFEF7, lr;
	s5 =	simm.s32 $0xFFFFFFFF;
	p2 =	slt.u32 s8, $0xFFFFF086  }
0x1c: {  	p1 =	slt.u32 s9, $0xF7A;
	s5 =	simm.s32 @!p2 $0x0  }
0x1d: {  	s5 =	simm.s32 @p1 $0x1;
	p0 =	seq.s32 s7, s2  }
0x1e: {  	s7 =	smul.u32 @!p0 $0xF7A, s2;
	p2 =	seq.s32 @!p0 s5, $0x0  }
0x1f: {  	s9 =	smul.u32 $0xF7A, s1;
	s8 =	simm.s32 @!p0 $0x1BF5;
	p2 =	por !p2, p0  }
0x20: {  	[sflag:s8] =	ssyncset.s32 @!p0 $0xFFFFF086;
	s6 =	sadd.s32 @!p0 s3, s7;
	s7 =	simm.s32 @!p0 $0x108  }
0x21: {  	s3 =	sadd.s32 s3, s9;
	s6 =	sadd.s32 @!p0 $0x88, s6;
	s7 =	simm.s32 @p2 $0x1082  }
0x22: {  	[simem:s7], [sflag:s8] =	dma.local @!p0 [hbm:s6], $0xF7A  }
0x23: {  	s9 =	sor.u32 $0xD0000000, s2;
	s6 =	simm.s32 $0x108;
	_ =	swait.ge @!p0 [sflag:s8], $0x0  }
0x24: {  	s3 =	sadd.s32 $0x88, s3;
	s6 =	simm.s32 @!p1 $0x1082;
	[sflag:s4] =	ssyncset.s32 $0xFFFFF086  }
0x25: {  	[simem:s6], [sflag:s4] =	dma.local [hbm:s3], $0xF7A  }
0x26: {  	[smem:$0x3F92] =	sst s1;
	(tag) =	ssettag s2;
	_ =	strace s9  }
0x27: {  	s1 =	sld [smem:$0x3FA2]  }
0x28: {  	s2 =	sld [smem:$0x3FA3]  }
0x29: {  	s4 =	sld [smem:$0x3FA5]  }
0x2a: {  	p0 =	seq.s32 s5, $0x0;
	s5 =	sld [smem:$0x3FA6]  }
0x2b: {  	s6 =	sld [smem:$0x3FA7]  }
0x2c: {  	s7 =	sld [smem:$0x3FA8]  }
0x2d: {  	s3 =	simm.s32 $0x108;
	s8 =	sld [smem:$0x3FA9]  }
0x2e: {  	s3 =	simm.s32 @!p0 $0x1082;
	s9 =	sld [smem:$0x3FAA]  }
0x2f: {  	lr =	sadd.s32 s0, s3;
	s0 =	sld [smem:$0x3FA1]  }
0x30: {  	s3 =	sld [smem:$0x3FA4]  }
0x31: {  	[smem:$0x3FAD] =	sst s10  }
0x32: {  	s10 =	sld [smem:$0x3FAB];
	_ =	sdelay $0x3  }
0x33: {  	p0 =	seq.s32 s10, $0x1;
	s10 =	sld [smem:$0x3FAD];
	_ =	sdelay $0x3  }
0x34: {  	[smem:$0x3FAD] =	sst s10  }
0x35: {  	s10 =	sld [smem:$0x3FAC];
	_ =	sdelay $0x3  }
0x36: {  	p1 =	seq.s32 s10, $0x1;
	s10 =	sld [smem:$0x3FAD];
	_ =	sdelay $0x3  }
0x37: {  	[smem:$0x3FAD] =	sst s10  }
0x38: {  	s10 =	sld [smem:$0x3FAE]  }
0x39: {  	_ = 	snop;
	(pc) =	sbr.ind lr, $3  }
0x3a: {  	_ = 	snop  }
0x3b: {  	_ = 	snop  }
0x3c: {  	p2 =	seq.s32 s10, $0x1;
	s10 =	sld [smem:$0x3FAD]  }
0x3d: {  	_ =	shalt  }
0x3e: {  	_ =	shalt  }
0x3f: {  	_ =	shalt  }
0x40: {  	_ =	shalt  }
0x41: {  	_ =	shalt  }
0x42: {  	_ =	shalt  }
0x43: {  	_ =	shalt  }
0x44: {  	_ =	shalt  }
0x45: {  	_ =	shalt  }
0x46: {  	_ =	shalt  }
0x47: {  	_ =	shalt  }
0x48: {  	_ =	shalt  }
0x49: {  	_ =	shalt  }
0x4a: {  	_ =	shalt  }
0x4b: {  	_ =	shalt  }
0x4c: {  	_ =	shalt  }
0x4d: {  	_ =	shalt  }
0x4e: {  	_ =	shalt  }
0x4f: {  	_ =	shalt  }
0x50: {  	_ =	shalt  }
0x51: {  	_ =	shalt  }
0x52: {  	_ =	shalt  }
0x53: {  	_ =	shalt  }
0x54: {  	_ =	shalt  }
0x55: {  	_ =	shalt  }
0x56: {  	_ =	shalt  }
0x57: {  	_ =	shalt  }
0x58: {  	_ =	shalt  }
0x59: {  	_ =	shalt  }
0x5a: {  	_ =	shalt  }
0x5b: {  	_ =	shalt  }
0x5c: {  	_ =	shalt  }
0x5d: {  	_ =	shalt  }
0x5e: {  	_ =	shalt  }
0x5f: {  	_ =	shalt  }
0x60: {  	_ =	shalt  }
0x61: {  	_ =	shalt  }
0x62: {  	_ =	shalt  }
0x63: {  	_ =	shalt  }
0x64: {  	_ =	shalt  }
0x65: {  	_ =	shalt  }
0x66: {  	_ =	shalt  }
0x67: {  	_ =	shalt  }
0x68: {  	_ =	shalt  }
0x69: {  	_ =	shalt  }
0x6a: {  	_ =	shalt  }
0x6b: {  	_ =	shalt  }
0x6c: {  	_ =	shalt  }
0x6d: {  	_ =	shalt  }
0x6e: {  	_ =	shalt  }
0x6f: {  	_ =	shalt  }
0x70: {  	_ =	shalt  }
0x71: {  	_ =	shalt  }
0x72: {  	_ =	shalt  }
0x73: {  	_ =	shalt  }
0x74: {  	_ =	shalt  }
0x75: {  	_ =	shalt  }
0x76: {  	_ =	shalt  }
0x77: {  	_ =	shalt  }
0x78: {  	_ =	shalt  }
0x79: {  	_ =	shalt  }
0x7a: {  	_ =	shalt  }
0x7b: {  	_ =	shalt  }
0x7c: {  	_ =	shalt  }
0x7d: {  	_ =	shalt  }
0x7e: {  	_ =	shalt  }
0x7f: {  	_ =	shalt  }
0x80: {  	_ =	shalt  }
0x81: {  	_ =	shalt  }
0x82: {  	_ =	shalt  }
0x83: {  	_ =	shalt  }
0x84: {  	_ =	shalt  }
0x85: {  	_ =	shalt  }
0x86: {  	_ =	shalt  }
0x87: {  	_ =	shalt  }
.Lfunc_end0:
.L_simem_size_0:
called_computation_lowered:
.L_overlay_start_0:
0x88: {  	s2 =	sld [smem:$0x3FD9]  }
0x89: {  	s3 =	sld [smem:$0x3FFE];
	_ =	sdelay $0x1  }
0x8a: {  	s1 =	srdreg.scid  }
0x8b: {  	s0 =	sand.u32 $0x1, s1  }
0x8c: {  	s14 =	sshll.u32 s0, $0xA;
	s2 =	sadd.s32 s3, s2  }
0x8d: {  	s2 =	sadd.s32 s2, s14  }
0x8e: {  	[smem:$0x3FB9] =	sst s2  }
0x8f: {  	_ = 	snop  }
0x90: {  	s2 =	sld [smem:$0x3FD0];
	_ =	sdelay $0x2  }
0x91: {  	s15 =	simm.s32 $0xA;
	s4 =	simm.s32 $0x10  }
0x92: {  	[smem:s4], [sflag:s15] =	dma.local [hbm:s2], $0x1  }
0x93: {  	_ =	swait.eq [sflag:s15], $0x1  }
0x94: {  	[sflag:s15] =	ssyncset.done $0x0  }
0x95: {  	[sflag:s15] =	ssyncadd.s32 $0xFFFFFFFF  }
0x96: {  	s16 =	sld [smem:$0x11];
	(tm) =	ssettm $0x1  }
0x97: {  	s17 =	sld [smem:$0x3FFB];
	_ =	sdelay $0x3  }
0x98: {  	_ =	strace s17  }
0x99: {  	s3 =	sld [smem:$0x3FFC];
	_ =	sdelay $0x3  }
0x9a: {  	_ =	strace s3  }
0x9b: {  	s3 =	sld [smem:$0x3FFD];
	_ =	sdelay $0x3  }
0x9c: {  	_ =	strace s3  }
0x9d: {  	_ =	strace $0x8FFFFFFF  }
0x9e: {  	s18 =	sld [smem:$0x3FDB];
	_ =	sdelay $0x1  }
0x9f: {  	s19 =	simm.s32 $_scs_section_size  }
0xa0: {  	s5 =	simm.s32 $_size__tile_overlayer_lowered;
	s6 =	simm.s32 $_tile_overlayer_lowered  }
0xa1: {  	s22 =	simm.s32 $0x1BFF;
	s21 =	sshll.u32 s6, $0x1;
	s3 =	sadd.s32 s19, s18  }
0xa2: {  	s7 =	simm.s32 $0x0;
	s20 =	sshll.u32 s5, $0x1;
	s5 =	sadd.s32 s21, s3  }
0xa3: {  	[timem:s7], [sflag:s22] =	dma.local [hbm:s5], s20  }
0xa4: {  	_ =	swait.ge [sflag:s22], s20  }
0xa5: {  	s4 =	ssub.s32 $0x0, s20;
	[sflag:s22] =	ssyncset.done $0x0  }
0xa6: {  	[sflag:s22] =	ssyncadd.s32 s4;
	_ =	sdelay $0x1  }
0xa7: {  	s23 =	simm.s32 $0x1B8B  }
0xa8: {  	_ =	swait.ge [sflag:s23], $0x1  }
0xa9: {  	[sflag:s23] =	ssyncset.done $0x0  }
0xaa: {  	s25 =	simm.s32 $0x1B8E;
	s24 =	sld [smem:$0x3FFE];
	[sflag:s23] =	ssyncadd.s32 $0xFFFFFFFF  }
0xab: {  	s26 =	simm.s32 $execute0_lowered;
	[smem:$0x3FD2] =	sst s25  }
0xac: {  	s5 =	sshll.u32 s26, $0x1;
	_ =	strace $0x80000046;
	[dreg:$0x1] =	wrdreg $0xFFFFFFFF  }
0xad: {  	s28 =	simm.s32 $_size_execute0_lowered;
	s3 =	sadd.s32 s3, s5;
	[dreg:$0x0] =	wrdreg $0x0  }
0xae: {  	s5 =	sshll.u32 s28, $0x1;
	[dreg:$0x2] =	wrdreg s3  }
0xaf: {  	[dreg:$0x3] =	wrdreg s5  }
0xb0: {  	[dreg:$0x4] =	wrdreg $0xC0  }
0xb1: {  	_ =	task [dreg:s7], $0x5FFFF  }
0xb2: {  	[dreg:$0x1] =	wrdreg $0xFFFFFFFF  }
0xb3: {  	[dreg:$0x0] =	wrdreg $0x60  }
0xb4: {  	[dreg:$0x2] =	wrdreg s24  }
0xb5: {  	[dreg:$0x3] =	wrdreg s16  }
0xb6: {  	[dreg:$0x4] =	wrdreg $0x9  }
0xb7: {  	_ =	task.clear_ibuf [dreg:s7], $0x5FFFF;
	_ =	strace $0x90000046  }
0xb8: {  	s29 =	simm.s32 $0x9;
	_ =	strace $0x8000004F  }
0xb9: {  	_ =	swait.ge [sflag:s29], $0x1  }
0xba: {  	[sflag:s29] =	ssyncadd.s32 $0xFFFFFFFF  }
0xbb: {  	_ =	strace $0x9000004F  }
0xbc: {  	_ =	sfence  }
0xbd: {  	s30 =	sld [smem:$0x0];
	_ =	sdelay $0x2  }
0xbe: {  	s31 =	sshll.u32 s1, $0xD;
	s1 =	sshrl.u32 s1, $0x2  }
0xbf: {  	s3 =	sand.u32 $0x4000, s31;
	s1 =	sadd.s32 s1, s30  }
0xc0: {  	s0 =	sor.u32 s3, s0;
	s1 =	sshll.u32 s1, $0x11  }
0xc1: {  	s0 =	sor.u32 s1, s0  }
0xc2: {  	s0 =	sadd.s32 $0x8F2B, s0  }
0xc3: {  	[sflag:s0] =	ssyncadd.remote.s32 $0x1  }
0xc4: {  	_ =	sfence.sel $0xFFFF  }
0xc5: {  	[dreg:$0x0] =	wrdreg $0xFFFFFFFF;
	(pc) =	sbr.abs _section_cstart, $3  }
0xc6: {  	[dreg:$0x1] =	wrdreg $0xFFFFFFFF  }
0xc7: {  	_ =	task.clear_ibuf [dreg:s7], $0x2FFFF;
	_ =	strace $0x9FFFFFFF  }
0xc8: {  	(tm) =	ssettm $0x7FFFFFFF  }
0xc9: {  	_ =	shalt  }
tec
execute0_lowered:
.L_overlay_start_1:
0x0: {  	(tag) =	ssettag $0x1  }
0x1: {  	s10 =	rddreg [dreg:$0x0];
	s1 =	srdreg.scid  }
0x2: {  	s3 =	rddreg [dreg:$0x1];
	s15 =	sand.u32 $0x1, s1  }
0x3: {  	s2 =	simm.s32 $0x0;
	s1 =	stileid.u32;
	s4 =	sshll.u32 s15, $0x4  }
0x4: {  	[smem:$0x7FF] =	sst s2;
	s11 =	sor.u32 s1, s4  }
0x5: {  	s0 =	rddreg [dreg:$0x2];
	_ =	strace $0x80000047;
	s4 =	sshll.u32 s11, $0x5  }
0x6: {  	_ =	strace $0x80000048;
	s3 =	sadd.s32 s3, s4  }
0x7: {  	[tilespmem:s2], [sflag:$0x1] =	stream.linear.gather [hbm4b:s3+s2], $0x80, $0x200038;
	[tilespmem:$0x8100] =	vst v63  }
0x8: {  	_ =	strace $0x90000048  }
0x9: {  	s5 =	simm.s32 $0x80;
	s4 =	sadd.s32 $0x10, s3;
	_ =	strace $0x80000049  }
0xa: {  	[tilespmem:s5], [sflag:$0x2] =	stream.linear.gather [hbm4b:s4+s2], $0x80, $0x200038;
	[tilespmem:$0x8100] =	vst v63  }
0xb: {  	_ =	strace $0x90000049  }
0xc: {  	s6 =	simm.s32 $0x1;
	_ =	strace $0x8000004A  }
0xd: {  	_ =	swait.ge [sflag:s6], $0x80  }
0xe: {  	[sflag:s6] =	ssyncset.done $0x0  }
0xf: {  	[sflag:s6] =	ssyncadd.s32 $0xFFFFFF80  }
0x10: {  	s8 =	simm.s32 $0x100;
	_ =	strace $0x9000004A  }
0x11: {  	s9 =	simm.s32 $0x5;
	s7 =	sadd.s32 $0x202600, s10;
	_ =	strace $0x8000004B  }
0x12: {  	[tilespmem:s8], [sflag:$0x5] =	stream.indirect.gather [hbm4b:s7+s5], $0x80, s2, s5, $0x2000b8;
	[tilespmem:$0x8100] =	vst v63  }
0x13: {  	_ =	swait.ge [sflag:s9], $0x4000  }
0x14: {  	[sflag:s9] =	ssyncset.done $0x0  }
0x15: {  	s11 =	sshll.u32 s11, $0xC;
	[sflag:s9] =	ssyncadd.s32 $0xFFFFC000  }
0x16: {  	s13 =	sadd.s32 s11, s10;
	_ =	strace $0x9000004B  }
0x17: {  	s10 =	sadd.s32 $0x2600, s13;
	_ =	strace $0x8000004C  }
0x18: {  	[hbm4b:s10+s2] =	stream.linear.scatter [tilespmem:s8], [sflag:$0x3], $0x4000, $0x200038;
	[tilespmem:$0x8100] =	vst v63  }
0x19: {  	_ =	strace $0x9000004C  }
0x1a: {  	s11 =	simm.s32 $0x2;
	_ =	strace $0x8000004A  }
0x1b: {  	_ =	swait.ge [sflag:s11], $0x80  }
0x1c: {  	[sflag:s11] =	ssyncset.done $0x0  }
0x1d: {  	[sflag:s11] =	ssyncadd.s32 $0xFFFFFF80  }
0x1e: {  	_ =	strace $0x9000004A  }
0x1f: {  	s12 =	simm.s32 $0x4100;
	_ =	strace $0x8000004B  }
0x20: {  	[tilespmem:s12], [sflag:$0x5] =	stream.indirect.gather [hbm4b:s7+s5], $0x80, s5, s5, $0x2000b8;
	[tilespmem:$0x8100] =	vst v63  }
0x21: {  	_ =	swait.ge [sflag:s9], $0x4000  }
0x22: {  	[sflag:s9] =	ssyncset.done $0x0  }
0x23: {  	[sflag:s9] =	ssyncadd.s32 $0xFFFFC000  }
0x24: {  	_ =	strace $0x9000004B  }
0x25: {  	s13 =	sadd.s32 $0x2E00, s13;
	_ =	strace $0x8000004C  }
0x26: {  	[hbm4b:s13+s2] =	stream.linear.scatter [tilespmem:s12], [sflag:$0x4], $0x4000, $0x200038;
	[tilespmem:$0x8100] =	vst v63  }
0x27: {  	s15 =	ssub.s32 $0x2, s15;
	_ =	strace $0x9000004C  }
0x28: {  	s14 =	simm.s32 $0x3;
	s16 =	sshrl.u32 s15, $0x1;
	_ =	strace $0x8000004D  }
0x29: {  	s16 =	ssub.s32 s15, s16;
	_ =	swait.ge [sflag:s14], $0x4000  }
0x2a: {  	s16 =	smax.u32 s16, $0x1;
	[sflag:s14] =	ssyncset.done $0x0  }
0x2b: {  	p0 =	sne.s32 s16, $0x1;
	[sflag:s14] =	ssyncadd.s32 $0xFFFFC000  }
.Ltmp0:
0x2c: {  	_ =	strace $0x9000004D;
	(pc) =	sbr.rel @!p0 .LBB2_2-.Ltmp0, $4  }
0x2d: {  	s15 =	simm.s32 $0x4;
	_ =	strace $0x8000004E  }
0x2e: {  	_ =	swait.ge [sflag:s15], $0x4000  }
0x2f: {  	[sflag:s15] =	ssyncset.done $0x0  }
0x30: {  	s16 =	sadd.s32 $0xFFFFFFFF, s16;
	[sflag:s15] =	ssyncadd.s32 $0xFFFFC000  }
.LBB2_1:
0x31: {  	p0 =	sne.s32 s16, $0x1;
	s16 =	sadd.s32 $0xFFFFFFFF, s16;
	_ =	strace $0x9000004E  }
0x32: {  	_ =	strace $0x80000048  }
0x33: {  	[tilespmem:s2], [sflag:$0x1] =	stream.linear.gather [hbm4b:s3+s2], $0x80, $0x200038;
	[tilespmem:$0x8100] =	vst v63  }
0x34: {  	_ =	strace $0x90000048  }
0x35: {  	_ =	strace $0x80000049  }
0x36: {  	[tilespmem:s5], [sflag:$0x2] =	stream.linear.gather [hbm4b:s4+s2], $0x80, $0x200038;
	[tilespmem:$0x8100] =	vst v63  }
0x37: {  	_ =	strace $0x90000049  }
0x38: {  	_ =	strace $0x8000004A  }
0x39: {  	_ =	swait.ge [sflag:s6], $0x80  }
0x3a: {  	[sflag:s6] =	ssyncset.done $0x0  }
0x3b: {  	[sflag:s6] =	ssyncadd.s32 $0xFFFFFF80  }
0x3c: {  	_ =	strace $0x9000004A  }
0x3d: {  	_ =	strace $0x8000004B  }
0x3e: {  	[tilespmem:s8], [sflag:$0x5] =	stream.indirect.gather [hbm4b:s7+s5], $0x80, s2, s5, $0x2000b8;
	[tilespmem:$0x8100] =	vst v63  }
0x3f: {  	_ =	swait.ge [sflag:s9], $0x4000  }
0x40: {  	[sflag:s9] =	ssyncset.done $0x0  }
0x41: {  	[sflag:s9] =	ssyncadd.s32 $0xFFFFC000  }
0x42: {  	_ =	strace $0x9000004B  }
0x43: {  	_ =	strace $0x8000004C  }
0x44: {  	[hbm4b:s10+s2] =	stream.linear.scatter [tilespmem:s8], [sflag:$0x3], $0x4000, $0x200038;
	[tilespmem:$0x8100] =	vst v63  }
0x45: {  	_ =	strace $0x9000004C  }
0x46: {  	_ =	strace $0x8000004A  }
0x47: {  	_ =	swait.ge [sflag:s11], $0x80  }
0x48: {  	[sflag:s11] =	ssyncset.done $0x0  }
0x49: {  	[sflag:s11] =	ssyncadd.s32 $0xFFFFFF80  }
0x4a: {  	_ =	strace $0x9000004A  }
0x4b: {  	_ =	strace $0x8000004B  }
0x4c: {  	[tilespmem:s12], [sflag:$0x5] =	stream.indirect.gather [hbm4b:s7+s5], $0x80, s5, s5, $0x2000b8;
	[tilespmem:$0x8100] =	vst v63  }
0x4d: {  	_ =	swait.ge [sflag:s9], $0x4000  }
0x4e: {  	[sflag:s9] =	ssyncset.done $0x0  }
0x4f: {  	[sflag:s9] =	ssyncadd.s32 $0xFFFFC000  }
0x50: {  	_ =	strace $0x9000004B  }
0x51: {  	_ =	strace $0x8000004C  }
0x52: {  	[hbm4b:s13+s2] =	stream.linear.scatter [tilespmem:s12], [sflag:$0x4], $0x4000, $0x200038;
	[tilespmem:$0x8100] =	vst v63  }
0x53: {  	_ =	strace $0x9000004C  }
0x54: {  	_ =	strace $0x8000004D  }
0x55: {  	_ =	swait.ge [sflag:s14], $0x4000  }
0x56: {  	[sflag:s14] =	ssyncset.done $0x0  }
0x57: {  	[sflag:s14] =	ssyncadd.s32 $0xFFFFC000  }
.Ltmp1:
0x58: {  	_ =	strace $0x9000004D;
	(pc) =	sbr.rel @p0 .LBB2_1-.Ltmp1, $4  }
0x59: {  	_ =	strace $0x8000004E  }
0x5a: {  	_ =	swait.ge [sflag:s15], $0x4000  }
0x5b: {  	[sflag:s15] =	ssyncset.done $0x0  }
0x5c: {  	[sflag:s15] =	ssyncadd.s32 $0xFFFFC000  }
.LBB2_2:
0x5d: {  	_ =	strace $0x9000004E  }
0x5e: {  	_ =	sfence.sel $0x180000  }
0x5f: {  	[bflag:$0x0] =	sbarrier.arrive $0xFFFF  }
0x60: {  	p0 =	sne.s32 s1, $0x0;
	_ =	strace $0x90000047  }
0x61: {  	s0 =	sadd.s32 @!p0 $0x100000, s0;
	[bflag:$0x2] =	sbarrier.arrive $0xFFFF  }
0x62: {  	[sflag:s0] =	ssyncadd.tile.s32 @!p0 $0x1;
	_ =	shalt  }
.Lfunc_end2:
_tile_overlayer_lowered:
.L_overlay_start_2:
0x63: {  	(tag) =	ssettag $0x2  }
0x64: {  	s0 =	rddreg [dreg:$0x0];
	s2 =	stileid.u32  }
0x65: {  	s1 =	rddreg [dreg:$0x1];
	p0 =	sne.s32 s2, $0x0  }
0x66: {  	s3 =	rddreg [dreg:$0x2];
	[bflag:$0x3] =	sbarrier.arrive $0xFFFF;
	s2 =	simm.s32 @!p0 $0x1C01  }
0x67: {  	[timem:s3], [sflag:s2] =	dma.local @!p0 [hbm:s0], s1  }
0x68: {  	s0 =	simm.s32 @!p0 $0x1  }
0x69: {  	_ =	swait.ge @!p0 [sflag:s0], s1  }
0x6a: {  	s1 =	ssub.s32 @!p0 $0x0, s1;
	[sflag:s0] =	ssyncset.done @!p0 $0x0  }
0x6b: {  	[sflag:s0] =	ssyncadd.s32 @!p0 s1  }
0x6c: {  	[bflag:$0x3] =	sbarrier.arrive $0xFFFF  }
0x6d: {  	_ =	shalt  }

// kernel: kernel.13.cloned.1.call-start
scs
__scs_entry_jumppad:
0x0: {  	(pc) =	sbr.rel $0x88, $3  }
0x1: {  	(tag) =	ssettag $0x0;
	lr =	simm.s32 $0x1  }
0x2: {  	[smem:$0x3F92] =	sst lr;
	_ =	strace $0xD0000000  }
0x3: {  	_ = 	snop  }
0x4: {  	_ = 	snop  }
0x5: {  	_ = 	snop  }
0x6: {  	_ = 	snop  }
0x7: {  	_ = 	snop  }
__scs_overlays_trampoline_lowered:
0x8: {  	[smem:$0x3FA1] =	sst s0  }
0x9: {  	[smem:$0x3FA2] =	sst s1  }
0xa: {  	[smem:$0x3FA3] =	sst s2  }
0xb: {  	[smem:$0x3FA4] =	sst s3  }
0xc: {  	[smem:$0x3FA5] =	sst s4  }
0xd: {  	[smem:$0x3FA6] =	sst s5  }
0xe: {  	[smem:$0x3FA7] =	sst s6  }
0xf: {  	[smem:$0x3FA8] =	sst s7  }
0x10: {  	[smem:$0x3FA9] =	sst s8  }
0x11: {  	[smem:$0x3FAA] =	sst s9;
	s0 =	simm.s32 @!p0 $0x0  }
0x12: {  	s1 =	sld [smem:$0x3F90];
	s0 =	simm.s32 @p0 $0x1  }
0x13: {  	[smem:$0x3FAB] =	sst s0;
	s0 =	simm.s32 @!p1 $0x0  }
0x14: {  	s2 =	sld [smem:$0x3F8F];
	s0 =	simm.s32 @p1 $0x1  }
0x15: {  	[smem:$0x3FAC] =	sst s0;
	s0 =	simm.s32 @!p2 $0x0  }
0x16: {  	s3 =	sld [smem:$0x3FDB];
	s0 =	simm.s32 @p2 $0x1  }
0x17: {  	s4 =	simm.s32 $0x1BF5;
	[smem:$0x3FAE] =	sst s0  }
0x18: {  	s0 =	sld [smem:$0x3F91];
	_ =	swait.ge [sflag:s4], $0x0  }
0x19: {  	s7 =	sld [smem:$0x3F92]  }
0x1a: {  	s8 =	sadd.s32 $0xFFFFE003, lr  }
0x1b: {  	s9 =	sadd.s32 $0xFFFFFEF7, lr;
	s5 =	simm.s32 $0xFFFFFFFF;
	p2 =	slt.u32 s8, $0xFFFFF086  }
0x1c: {  	p1 =	slt.u32 s9, $0xF7A;
	s5 =	simm.s32 @!p2 $0x0  }
0x1d: {  	s5 =	simm.s32 @p1 $0x1;
	p0 =	seq.s32 s7, s2  }
0x1e: {  	s7 =	smul.u32 @!p0 $0xF7A, s2;
	p2 =	seq.s32 @!p0 s5, $0x0  }
0x1f: {  	s9 =	smul.u32 $0xF7A, s1;
	s8 =	simm.s32 @!p0 $0x1BF5;
	p2 =	por !p2, p0  }
0x20: {  	[sflag:s8] =	ssyncset.s32 @!p0 $0xFFFFF086;
	s6 =	sadd.s32 @!p0 s3, s7;
	s7 =	simm.s32 @!p0 $0x108  }
0x21: {  	s3 =	sadd.s32 s3, s9;
	s6 =	sadd.s32 @!p0 $0x88, s6;
	s7 =	simm.s32 @p2 $0x1082  }
0x22: {  	[simem:s7], [sflag:s8] =	dma.local @!p0 [hbm:s6], $0xF7A  }
0x23: {  	s9 =	sor.u32 $0xD0000000, s2;
	s6 =	simm.s32 $0x108;
	_ =	swait.ge @!p0 [sflag:s8], $0x0  }
0x24: {  	s3 =	sadd.s32 $0x88, s3;
	s6 =	simm.s32 @!p1 $0x1082;
	[sflag:s4] =	ssyncset.s32 $0xFFFFF086  }
0x25: {  	[simem:s6], [sflag:s4] =	dma.local [hbm:s3], $0xF7A  }
0x26: {  	[smem:$0x3F92] =	sst s1;
	(tag) =	ssettag s2;
	_ =	strace s9  }
0x27: {  	s1 =	sld [smem:$0x3FA2]  }
0x28: {  	s2 =	sld [smem:$0x3FA3]  }
0x29: {  	s4 =	sld [smem:$0x3FA5]  }
0x2a: {  	p0 =	seq.s32 s5, $0x0;
	s5 =	sld [smem:$0x3FA6]  }
0x2b: {  	s6 =	sld [smem:$0x3FA7]  }
0x2c: {  	s7 =	sld [smem:$0x3FA8]  }
0x2d: {  	s3 =	simm.s32 $0x108;
	s8 =	sld [smem:$0x3FA9]  }
0x2e: {  	s3 =	simm.s32 @!p0 $0x1082;
	s9 =	sld [smem:$0x3FAA]  }
0x2f: {  	lr =	sadd.s32 s0, s3;
	s0 =	sld [smem:$0x3FA1]  }
0x30: {  	s3 =	sld [smem:$0x3FA4]  }
0x31: {  	[smem:$0x3FAD] =	sst s10  }
0x32: {  	s10 =	sld [smem:$0x3FAB];
	_ =	sdelay $0x3  }
0x33: {  	p0 =	seq.s32 s10, $0x1;
	s10 =	sld [smem:$0x3FAD];
	_ =	sdelay $0x3  }
0x34: {  	[smem:$0x3FAD] =	sst s10  }
0x35: {  	s10 =	sld [smem:$0x3FAC];
	_ =	sdelay $0x3  }
0x36: {  	p1 =	seq.s32 s10, $0x1;
	s10 =	sld [smem:$0x3FAD];
	_ =	sdelay $0x3  }
0x37: {  	[smem:$0x3FAD] =	sst s10  }
0x38: {  	s10 =	sld [smem:$0x3FAE]  }
0x39: {  	_ = 	snop;
	(pc) =	sbr.ind lr, $3  }
0x3a: {  	_ = 	snop  }
0x3b: {  	_ = 	snop  }
0x3c: {  	p2 =	seq.s32 s10, $0x1;
	s10 =	sld [smem:$0x3FAD]  }
0x3d: {  	_ =	shalt  }
0x3e: {  	_ =	shalt  }
0x3f: {  	_ =	shalt  }
0x40: {  	_ =	shalt  }
0x41: {  	_ =	shalt  }
0x42: {  	_ =	shalt  }
0x43: {  	_ =	shalt  }
0x44: {  	_ =	shalt  }
0x45: {  	_ =	shalt  }
0x46: {  	_ =	shalt  }
0x47: {  	_ =	shalt  }
0x48: {  	_ =	shalt  }
0x49: {  	_ =	shalt  }
0x4a: {  	_ =	shalt  }
0x4b: {  	_ =	shalt  }
0x4c: {  	_ =	shalt  }
0x4d: {  	_ =	shalt  }
0x4e: {  	_ =	shalt  }
0x4f: {  	_ =	shalt  }
0x50: {  	_ =	shalt  }
0x51: {  	_ =	shalt  }
0x52: {  	_ =	shalt  }
0x53: {  	_ =	shalt  }
0x54: {  	_ =	shalt  }
0x55: {  	_ =	shalt  }
0x56: {  	_ =	shalt  }
0x57: {  	_ =	shalt  }
0x58: {  	_ =	shalt  }
0x59: {  	_ =	shalt  }
0x5a: {  	_ =	shalt  }
0x5b: {  	_ =	shalt  }
0x5c: {  	_ =	shalt  }
0x5d: {  	_ =	shalt  }
0x5e: {  	_ =	shalt  }
0x5f: {  	_ =	shalt  }
0x60: {  	_ =	shalt  }
0x61: {  	_ =	shalt  }
0x62: {  	_ =	shalt  }
0x63: {  	_ =	shalt  }
0x64: {  	_ =	shalt  }
0x65: {  	_ =	shalt  }
0x66: {  	_ =	shalt  }
0x67: {  	_ =	shalt  }
0x68: {  	_ =	shalt  }
0x69: {  	_ =	shalt  }
0x6a: {  	_ =	shalt  }
0x6b: {  	_ =	shalt  }
0x6c: {  	_ =	shalt  }
0x6d: {  	_ =	shalt  }
0x6e: {  	_ =	shalt  }
0x6f: {  	_ =	shalt  }
0x70: {  	_ =	shalt  }
0x71: {  	_ =	shalt  }
0x72: {  	_ =	shalt  }
0x73: {  	_ =	shalt  }
0x74: {  	_ =	shalt  }
0x75: {  	_ =	shalt  }
0x76: {  	_ =	shalt  }
0x77: {  	_ =	shalt  }
0x78: {  	_ =	shalt  }
0x79: {  	_ =	shalt  }
0x7a: {  	_ =	shalt  }
0x7b: {  	_ =	shalt  }
0x7c: {  	_ =	shalt  }
0x7d: {  	_ =	shalt  }
0x7e: {  	_ =	shalt  }
0x7f: {  	_ =	shalt  }
0x80: {  	_ =	shalt  }
0x81: {  	_ =	shalt  }
0x82: {  	_ =	shalt  }
0x83: {  	_ =	shalt  }
0x84: {  	_ =	shalt  }
0x85: {  	_ =	shalt  }
0x86: {  	_ =	shalt  }
0x87: {  	_ =	shalt  }
.Lfunc_end0:
.L_simem_size_0:
called_computation.1_lowered:
.L_overlay_start_0:
0x88: {  	s2 =	sld [smem:$0x3FD9]  }
0x89: {  	s3 =	sld [smem:$0x3FFE];
	_ =	sdelay $0x1  }
0x8a: {  	s1 =	srdreg.scid  }
0x8b: {  	s0 =	sand.u32 $0x1, s1  }
0x8c: {  	s16 =	sshll.u32 s0, $0xA;
	s2 =	sadd.s32 s3, s2  }
0x8d: {  	s2 =	sadd.s32 s2, s16  }
0x8e: {  	[smem:$0x3FB9] =	sst s2  }
0x8f: {  	_ = 	snop  }
0x90: {  	(tm) =	ssettm $0x1  }
0x91: {  	s17 =	sld [smem:$0x3FFB];
	_ =	sdelay $0x3  }
0x92: {  	_ =	strace s17  }
0x93: {  	s2 =	sld [smem:$0x3FFC];
	_ =	sdelay $0x3  }
0x94: {  	_ =	strace s2  }
0x95: {  	s2 =	sld [smem:$0x3FFD];
	_ =	sdelay $0x3  }
0x96: {  	_ =	strace s2  }
0x97: {  	_ =	strace $0x8FFFFFFF  }
0x98: {  	s18 =	sld [smem:$0x3FDB];
	_ =	sdelay $0x1  }
0x99: {  	s19 =	simm.s32 $_scs_section_size  }
0x9a: {  	s4 =	simm.s32 $_size__tile_overlayer_lowered;
	s5 =	simm.s32 $_tile_overlayer_lowered  }
0x9b: {  	s22 =	simm.s32 $0x1BFF;
	s21 =	sshll.u32 s5, $0x1;
	s2 =	sadd.s32 s19, s18  }
0x9c: {  	s6 =	simm.s32 $0x0;
	s20 =	sshll.u32 s4, $0x1;
	s4 =	sadd.s32 s21, s2  }
0x9d: {  	[timem:s6], [sflag:s22] =	dma.local [hbm:s4], s20  }
0x9e: {  	_ =	swait.ge [sflag:s22], s20  }
0x9f: {  	s3 =	ssub.s32 $0x0, s20;
	[sflag:s22] =	ssyncset.done $0x0  }
0xa0: {  	[sflag:s22] =	ssyncadd.s32 s3;
	_ =	sdelay $0x1  }
0xa1: {  	s23 =	simm.s32 $0x1B8B  }
0xa2: {  	_ =	swait.ge [sflag:s23], $0x1  }
0xa3: {  	[sflag:s23] =	ssyncset.done $0x0  }
0xa4: {  	s25 =	simm.s32 $0x1B8E;
	s24 =	sld [smem:$0x3FFE];
	[sflag:s23] =	ssyncadd.s32 $0xFFFFFFFF  }
0xa5: {  	s26 =	simm.s32 $execute0_lowered;
	[smem:$0x3FD2] =	sst s25  }
0xa6: {  	s4 =	sshll.u32 s26, $0x1;
	_ =	strace $0x80000050;
	[dreg:$0x1] =	wrdreg $0xFFFFFFFF  }
0xa7: {  	s28 =	simm.s32 $_size_execute0_lowered;
	s2 =	sadd.s32 s2, s4;
	[dreg:$0x0] =	wrdreg $0x0  }
0xa8: {  	s4 =	sshll.u32 s28, $0x1;
	[dreg:$0x2] =	wrdreg s2  }
0xa9: {  	[dreg:$0x3] =	wrdreg s4  }
0xaa: {  	[dreg:$0x4] =	wrdreg $0xC0  }
0xab: {  	_ =	task [dreg:s6], $0x5FFFF  }
0xac: {  	[dreg:$0x1] =	wrdreg $0xFFFFFFFF  }
0xad: {  	[dreg:$0x0] =	wrdreg $0x60  }
0xae: {  	[dreg:$0x2] =	wrdreg s24  }
0xaf: {  	[dreg:$0x3] =	wrdreg $0x9  }
0xb0: {  	_ =	task.clear_ibuf [dreg:s6], $0x4FFFF;
	_ =	strace $0x90000050  }
0xb1: {  	s29 =	simm.s32 $0x9;
	_ =	strace $0x80000059  }
0xb2: {  	_ =	swait.ge [sflag:s29], $0x1  }
0xb3: {  	[sflag:s29] =	ssyncadd.s32 $0xFFFFFFFF  }
0xb4: {  	_ =	strace $0x90000059  }
0xb5: {  	_ =	sfence  }
0xb6: {  	s30 =	sld [smem:$0x0];
	_ =	sdelay $0x2  }
0xb7: {  	s31 =	sshll.u32 s1, $0xD;
	s1 =	sshrl.u32 s1, $0x2  }
0xb8: {  	s3 =	sand.u32 $0x4000, s31;
	s1 =	sadd.s32 s1, s30  }
0xb9: {  	s0 =	sor.u32 s3, s0;
	s1 =	sshll.u32 s1, $0x11  }
0xba: {  	s0 =	sor.u32 s1, s0  }
0xbb: {  	s0 =	sadd.s32 $0x8F2B, s0  }
0xbc: {  	[sflag:s0] =	ssyncadd.remote.s32 $0x1  }
0xbd: {  	_ =	sfence.sel $0xFFFF  }
0xbe: {  	[dreg:$0x0] =	wrdreg $0xFFFFFFFF;
	(pc) =	sbr.abs _section_cstart, $3  }
0xbf: {  	[dreg:$0x1] =	wrdreg $0xFFFFFFFF  }
0xc0: {  	_ =	task.clear_ibuf [dreg:s6], $0x2FFFF;
	_ =	strace $0x9FFFFFFF  }
0xc1: {  	(tm) =	ssettm $0x7FFFFFFF  }
tec
execute0_lowered:
.L_overlay_start_1:
0x0: {  	(tag) =	ssettag $0x1  }
0x1: {  	s4 =	rddreg [dreg:$0x0]  }
0x2: {  	s0 =	rddreg [dreg:$0x1];
	s1 =	simm.s32 $0x0;
	s5 =	srdreg.scid  }
0x3: {  	s8 =	simm.s32 $0x80;
	s9 =	simm.s32 $0x4;
	s10 =	simm.s32 $0x0  }
0x4: {  	[smem:$0x7FF] =	sst s1;
	s2 =	sadd.s32 $0x202600, s4;
	s3 =	sadd.s32 $0x42600, s4  }
0x5: {  	s4 =	sadd.s32 $0x282600, s4;
	_ =	strace $0x80000051;
	[dreg:$0x2] =	wrdreg s2  }
0x6: {  	s5 =	sand.u32 $0x1, s5;
	s2 =	stileid.u32;
	[dreg:$0x4] =	wrdreg s4  }
0x7: {  	s6 =	ssub.s32 $0x2, s5;
	s5 =	sshll.u32 s5, $0x4;
	[dreg:$0x3] =	wrdreg s8  }
0x8: {  	s8 =	simm.s32 $0x5;
	s7 =	sshrl.u32 s6, $0x1;
	s5 =	sor.u32 s2, s5  }
0x9: {  	s6 =	ssub.s32 s6, s7;
	s31 =	sshll.u32 s5, $0xA;
	s4 =	sshll.u32 s5, $0x6  }
0xa: {  	s7 =	simm.s32 $0x1;
	s5 =	sadd.s32 s3, s31;
	s6 =	smax.u32 s6, $0x1  }
.LBB2_1:
0xb: {  	_ =	strace $0x80000052;
	s11 =	simm.s32 $0x1;
	p0 =	por $0x0, $0x0  }
0xc: {  	[tilespmem:s1], [sflag:$0x1] =	stream.linear.gather [hbm4b:s5+s1], $0x80, $0x200038;
	[tilespmem:$0x8100] =	vst v63  }
0xd: {  	s11 =	simm.s32 @p0 $0x0  }
0xe: {  	p4 =	por $0x1, $0x1;
	s20 =	sand.u32 $0x1, s1;
	p1 =	sne.s32 s11, $0x0  }
0xf: {  	p2 =	por $0x1, $0x1;
	s18 =	simm.s32 $0x3E;
	p0 =	por !p4, !p1  }
0x10: {  	s16 =	simm.s32 $0x0;
	p5 =	por $0x0, $0x0;
	p0 =	por !p0, !p0  }
0x11: {  	s23 =	sadd.s32 $0x0, s4;
	s30 =	sadd.s32 $0x1, s20;
	s12 =	sadd.s32 @p0 s4, s11  }
0x12: {  	_ =	strace $0x90000052;
	s13 =	sand.u32 @p0 $0x1, s7;
	s12 =	sshll.u32 @p0 s12, $0x4  }
0x13: {  	_ =	strace @p0 $0x80000053;
	s15 =	simm.s32 @p0 $0x0;
	s12 =	sand.u32 @p0 $0x1FFFFFF0, s12  }
0x14: {  	s14 =	sshll.u32 @p0 s13, $0x7;
	s13 =	sadd.s32 @p0 $0x1, s13;
	s12 =	sadd.s32 @p0 s3, s12  }
0x15: {  	[tilespmem:s14], [sflag:s13] =	stream.linear.gather @p0 [hbm4b:s12+s15], $0x80, $0x200038;
	[tilespmem:$0x8100] =	vst v63  }
0x16: {  	p3 =	por p2, p2;
	s21 =	sshll.u32 s20, $0xE;
	_ =	strace @p0 $0x90000053  }
0x17: {  	s16 =	sand.u32 $0x80, s16;
	p2 =	por p5, p5;
	_ =	strace $0x80000054  }
0x18: {  	s17 =	sadd.s32 $0x1, s11;
	s22 =	sor.u32 $0x100, s21;
	_ =	swait.ge [sflag:s30], $0x80  }
0x19: {  	s21 =	simm.s32 $0x1;
	p6 =	por p1, p1;
	[sflag:s30] =	ssyncset.done $0x0  }
0x1a: {  	p1 =	por p3, p3;
	p4 =	por $0x1, $0x1;
	[sflag:s30] =	ssyncadd.s32 $0xFFFFFF80  }
0x1b: {  	s12 =	simm.s32 $0x3F;
	s15 =	sand.u32 @!p3 $0x1, s1;
	_ =	strace $0x90000054  }
0x1c: {  	s13 =	simm.s32 $0x1;
	p3 =	seq.s32 s17, $0x40;
	_ =	strace $0x80000055  }
0x1d: {  	s13 =	simm.s32 @!p0 $0x0;
	s17 =	simm.s32 @p3 $0x0;
	s19 =	rddreg [dreg:$0x3]  }
0x1e: {  	p0 =	por $0x0, $0x0;
	s14 =	sadd.s32 $0x1, s13;
	s31 =	rddreg [dreg:$0x2]  }
0x1f: {  	[tilespmem:s22], [sflag:$0x5] =	stream.indirect.gather [hbm4b:s31+s19], $0x80, s16, s19, $0x2000b8;
	[tilespmem:$0x8100] =	vst v63  }
0x20: {  	p3 =	sne.s32 s11, s17;
	s21 =	simm.s32 @!p0 $0x0;
	_ =	swait.ge [sflag:s8], $0x4000  }
0x21: {  	p5 =	por !p4, !p3;
	p4 =	por $0x0, $0x0;
	[sflag:s8] =	ssyncset.done $0x0  }
0x22: {  	s13 =	simm.s32 $0x0;
	p6 =	por p4, p6;
	[sflag:s8] =	ssyncadd.s32 $0xFFFFC000  }
0x23: {  	s16 =	simm.s32 $0x0;
	s19 =	simm.s32 $0x0;
	_ =	strace $0x90000055  }
.LBB2_2:
0x24: {  	_ =	strace @p6 $0x80000056;
	s13 =	sadd.s32 s21, s13;
	s21 =	smov.u32 s12  }
0x25: {  	s12 =	smov.u32 s18;
	s18 =	sadd.s32 $0xFFFFFFFF, s18;
	p0 =	por p3, p3  }
0x26: {  	s28 =	sshll.u32 @p6 s23, $0xB;
	s20 =	sadd.s32 @p6 $0x3, s20;
	s24 =	simm.s32 @!p0 $0x0  }
0x27: {  	s25 =	rddreg [dreg:$0x4];
	s28 =	sand.u32 @p6 $0x1FFFF800, s28;
	s24 =	simm.s32 @p0 $0x1  }
0x28: {  	s25 =	sadd.s32 @p6 s25, s28;
	s28 =	simm.s32 @p6 $0x0;
	p0 =	sne.s32 s18, $0x0  }
0x29: {  	[hbm4b:s25+s28] =	stream.linear.scatter @p6 [tilespmem:s22], [sflag:s20], $0x4000, $0x200038;
	[tilespmem:$0x8100] =	vst v63  }
0x2a: {  	s20 =	sadd.s32 @!p1 $0x3, s15;
	s15 =	simm.s32 @!p0 $0x0  }
0x2b: {  	s26 =	simm.s32 $0x1;
	[smem:$0x7FC] =	sst s24;
	s15 =	simm.s32 @p0 $0x1  }
0x2c: {  	s26 =	simm.s32 @!p6 $0x0;
	_ =	strace @p6 $0x90000056;
	[smem:$0x7FD] =	sst s15  }
0x2d: {  	p5 =	por !p5, !p5;
	s19 =	sadd.s32 s26, s19;
	_ =	strace @!p1 $0x80000057  }
0x2e: {  	s24 =	sand.u32 @!p2 $0x1, s13;
	s22 =	sand.u32 @p5 $0x1, s14;
	_ =	swait.ge @!p1 [sflag:s20], $0x4000  }
0x2f: {  	s15 =	smov.u32 s24;
	s24 =	sadd.s32 @p5 s4, s17;
	[sflag:s20] =	ssyncset.done @!p1 $0x0  }
0x30: {  	s25 =	sshll.u32 @p5 s22, $0x7;
	s24 =	sshll.u32 @p5 s24, $0x4;
	[sflag:s20] =	ssyncadd.s32 @!p1 $0xFFFFC000  }
0x31: {  	s20 =	sadd.s32 @p5 $0x1, s22;
	s22 =	sand.u32 @p5 $0x1FFFFFF0, s24;
	_ =	strace @!p1 $0x90000057  }
0x32: {  	s24 =	simm.s32 @p5 $0x0;
	s22 =	sadd.s32 @p5 s3, s22;
	_ =	strace @p5 $0x80000053  }
0x33: {  	[tilespmem:s25], [sflag:s20] =	stream.linear.gather @p5 [hbm4b:s22+s24], $0x80, $0x200038;
	[tilespmem:$0x8100] =	vst v63  }
0x34: {  	s16 =	sadd.s32 s26, s16;
	s26 =	sand.u32 $0x1, s19;
	_ =	strace @p5 $0x90000053  }
0x35: {  	s24 =	sadd.s32 $0x1, s26;
	_ =	strace $0x80000054  }
0x36: {  	_ =	swait.ge [sflag:s24], $0x80  }
0x37: {  	[sflag:s24] =	ssyncset.done $0x0  }
0x38: {  	s20 =	simm.s32 $0x1;
	[sflag:s24] =	ssyncadd.s32 $0xFFFFFF80  }
0x39: {  	s20 =	simm.s32 @!p5 $0x0;
	_ =	strace $0x90000054  }
0x3a: {  	s14 =	sadd.s32 s20, s14;
	s20 =	sand.u32 $0x1, s16;
	_ =	strace $0x80000055  }
0x3b: {  	s29 =	sshll.u32 s19, $0x7;
	s25 =	sshll.u32 s20, $0xE;
	s26 =	rddreg [dreg:$0x3]  }
0x3c: {  	s29 =	sand.u32 $0x80, s29;
	s22 =	sor.u32 $0x100, s25;
	s30 =	rddreg [dreg:$0x2]  }
0x3d: {  	[tilespmem:s22], [sflag:$0x5] =	stream.indirect.gather [hbm4b:s30+s26], $0x80, s29, s26, $0x2000b8;
	[tilespmem:$0x8100] =	vst v63  }
0x3e: {  	_ =	swait.ge [sflag:s8], $0x4000  }
0x3f: {  	s31 =	sadd.s32 $0x1, s17;
	[sflag:s8] =	ssyncset.done $0x0  }
0x40: {  	s23 =	sadd.s32 s4, s11;
	s11 =	smov.u32 s17;
	[sflag:s8] =	ssyncadd.s32 $0xFFFFC000  }
0x41: {  	p3 =	seq.s32 s31, $0x40;
	s17 =	smov.u32 s31;
	_ =	strace $0x90000055  }
0x42: {  	s17 =	simm.s32 @p3 $0x0;
	s31 =	sld [smem:$0x7FD]  }
0x43: {  	p6 =	sne.s32 s12, $0x1;
	p0 =	sne.s32 s21, $0x40;
	p3 =	sne.s32 s11, s17  }
0x44: {  	p5 =	por !p6, !p3;
	p6 =	seq.s32 s21, $0x1;
	s21 =	simm.s32 $0x1  }
0x45: {  	s21 =	simm.s32 @!p0 $0x0;
	p0 =	seq.s32 s31, $0x1  }
.Ltmp0:
0x46: {  	s30 =	sld [smem:$0x7FC];
	(pc) =	sbr.rel @p0 .LBB2_2-.Ltmp0, $4  }
0x47: {  	_ = 	snop  }
0x48: {  	p4 =	seq.s32 s12, $0x40  }
0x49: {  	p1 =	por p2, p2;
	p2 =	por p4, p4;
	p4 =	seq.s32 s30, $0x1  }
0x4a: {  	p6 =	por p6, p4  }
0x4b: {  	_ =	strace @p6 $0x80000056;
	s23 =	sshll.u32 @p6 s23, $0xB  }
0x4c: {  	s18 =	rddreg [dreg:$0x4];
	s23 =	sand.u32 @p6 $0x1FFFF800, s23  }
0x4d: {  	s20 =	sadd.s32 @p6 $0x3, s20;
	s18 =	sadd.s32 @p6 s18, s23;
	s23 =	simm.s32 @p6 $0x0  }
0x4e: {  	[hbm4b:s18+s23] =	stream.linear.scatter @p6 [tilespmem:s22], [sflag:s20], $0x4000, $0x200038;
	[tilespmem:$0x8100] =	vst v63  }
0x4f: {  	p0 =	por !p5, !p5;
	_ =	strace @p6 $0x90000056  }
0x50: {  	s15 =	sadd.s32 @!p1 $0x3, s15;
	s17 =	sadd.s32 @p0 s4, s17;
	_ =	strace @!p1 $0x80000057  }
0x51: {  	s14 =	sand.u32 @p0 $0x1, s14;
	s17 =	sshll.u32 @p0 s17, $0x4;
	_ =	swait.ge @!p1 [sflag:s15], $0x4000  }
0x52: {  	s18 =	simm.s32 $0x1;
	s20 =	sshll.u32 @p0 s14, $0x7;
	[sflag:s15] =	ssyncset.done @!p1 $0x0  }
0x53: {  	s14 =	sadd.s32 @p0 $0x1, s14;
	s18 =	simm.s32 @!p6 $0x0;
	[sflag:s15] =	ssyncadd.s32 @!p1 $0xFFFFC000  }
0x54: {  	s19 =	sadd.s32 s18, s19;
	s15 =	sand.u32 @p0 $0x1FFFFFF0, s17;
	_ =	strace @!p1 $0x90000057  }
0x55: {  	s17 =	simm.s32 @p0 $0x0;
	s15 =	sadd.s32 @p0 s3, s15;
	_ =	strace @p0 $0x80000053  }
0x56: {  	[tilespmem:s20], [sflag:s14] =	stream.linear.gather @p0 [hbm4b:s15+s17], $0x80, $0x200038;
	[tilespmem:$0x8100] =	vst v63  }
0x57: {  	s25 =	sand.u32 $0x1, s19;
	_ =	strace @p0 $0x90000053  }
0x58: {  	s14 =	sadd.s32 $0x1, s25;
	_ =	strace $0x80000054  }
0x59: {  	_ =	swait.ge [sflag:s14], $0x80  }
0x5a: {  	[sflag:s14] =	ssyncset.done $0x0  }
0x5b: {  	[sflag:s14] =	ssyncadd.s32 $0xFFFFFF80  }
0x5c: {  	s26 =	sadd.s32 s18, s16;
	_ =	strace $0x90000054  }
0x5d: {  	s14 =	sand.u32 $0x1, s26;
	_ =	strace $0x80000055  }
0x5e: {  	s30 =	sshll.u32 s19, $0x7;
	s31 =	sshll.u32 s14, $0xE;
	s28 =	rddreg [dreg:$0x3]  }
0x5f: {  	s17 =	sand.u32 $0x80, s30;
	s18 =	sor.u32 $0x100, s31;
	s29 =	rddreg [dreg:$0x2]  }
0x60: {  	[tilespmem:s18], [sflag:$0x5] =	stream.indirect.gather [hbm4b:s29+s28], $0x80, s17, s28, $0x2000b8;
	[tilespmem:$0x8100] =	vst v63  }
0x61: {  	_ =	swait.ge [sflag:s8], $0x4000  }
0x62: {  	[sflag:s8] =	ssyncset.done $0x0  }
0x63: {  	p5 =	por p3, p3;
	p6 =	seq.s32 s12, $0x1;
	[sflag:s8] =	ssyncadd.s32 $0xFFFFC000  }
0x64: {  	s11 =	sadd.s32 s4, s11;
	p0 =	por p6, p5;
	_ =	strace $0x90000055  }
0x65: {  	s11 =	sshll.u32 @p0 s11, $0xB;
	_ =	strace @p0 $0x80000056  }
0x66: {  	s13 =	sadd.s32 s21, s13;
	s11 =	sand.u32 @p0 $0x1FFFF800, s11;
	s12 =	rddreg [dreg:$0x4]  }
0x67: {  	s14 =	sadd.s32 @p0 $0x3, s14;
	s11 =	sadd.s32 @p0 s12, s11;
	s12 =	simm.s32 @p0 $0x0  }
0x68: {  	[hbm4b:s11+s12] =	stream.linear.scatter @p0 [tilespmem:s18], [sflag:s14], $0x4000, $0x200038;
	[tilespmem:$0x8100] =	vst v63  }
0x69: {  	p1 =	por p2, p2;
	s11 =	sand.u32 @!p2 $0x1, s13;
	_ =	strace @p0 $0x90000056  }
0x6a: {  	s11 =	sadd.s32 @!p1 $0x3, s11;
	_ =	strace @!p1 $0x80000057  }
0x6b: {  	_ =	swait.ge @!p1 [sflag:s11], $0x4000  }
0x6c: {  	[sflag:s11] =	ssyncset.done @!p1 $0x0  }
0x6d: {  	s10 =	sadd.s32 $0x1, s10;
	[sflag:s11] =	ssyncadd.s32 @!p1 $0xFFFFC000  }
0x6e: {  	p0 =	sne.s32 s10, s6;
	_ =	strace @!p1 $0x90000057  }
.Ltmp1:
0x6f: {  	_ =	strace $0x80000058;
	(pc) =	sbr.rel @p0 .LBB2_1-.Ltmp1, $4  }
0x70: {  	_ =	swait.ge [sflag:s9], $0x4000  }
0x71: {  	[sflag:s9] =	ssyncset.done $0x0  }
0x72: {  	[sflag:s9] =	ssyncadd.s32 $0xFFFFC000  }
0x73: {  	_ =	strace $0x90000058  }
0x74: {  	_ =	sfence.sel $0x180000  }
0x75: {  	[bflag:$0x0] =	sbarrier.arrive $0xFFFF  }
0x76: {  	p0 =	sne.s32 s2, $0x0;
	_ =	strace $0x90000051  }
0x77: {  	s0 =	sadd.s32 @!p0 $0x100000, s0;
	[bflag:$0x2] =	sbarrier.arrive $0xFFFF  }
0x78: {  	[sflag:s0] =	ssyncadd.tile.s32 @!p0 $0x1;
	_ =	shalt  }
.Lfunc_end2:
_tile_overlayer_lowered:
.L_overlay_start_2:
0x79: {  	(tag) =	ssettag $0x2  }
0x7a: {  	s0 =	rddreg [dreg:$0x0];
	s2 =	stileid.u32  }
0x7b: {  	s1 =	rddreg [dreg:$0x1];
	p0 =	sne.s32 s2, $0x0  }
0x7c: {  	s3 =	rddreg [dreg:$0x2];
	[bflag:$0x3] =	sbarrier.arrive $0xFFFF;
	s2 =	simm.s32 @!p0 $0x1C01  }
0x7d: {  	[timem:s3], [sflag:s2] =	dma.local @!p0 [hbm:s0], s1  }
0x7e: {  	s0 =	simm.s32 @!p0 $0x1  }
0x7f: {  	_ =	swait.ge @!p0 [sflag:s0], s1  }
0x80: {  	s1 =	ssub.s32 @!p0 $0x0, s1;
	[sflag:s0] =	ssyncset.done @!p0 $0x0  }
0x81: {  	[sflag:s0] =	ssyncadd.s32 @!p0 s1  }
0x82: {  	[bflag:$0x3] =	sbarrier.arrive $0xFFFF  }
0x83: {  	_ =	shalt  }

</sc_bundles>
